<compile_context>
chip_gen: v7x
topology: tpu7x:2x2x1
jax: 0.10.2.dev20260603
libtpu: 0.0.44.dev20260713+nightly
codegen_flags: <defaults>
</compile_context>

<pallas_src>
import functools

import jax
import jax.numpy as jnp
from jax import lax
from jax.experimental import pallas as pl
from jax.experimental.pallas import tpu as pltpu
from jax.experimental.pallas import tpu_sc as plsc

F = 128
NC = 2
NS = 16
NW = NC * NS


def _make_gather(N, E):
    EW = E // NW
    CHUNK = 80
    NCH = EW // CHUNK

    mesh = plsc.VectorSubcoreMesh(core_axis_name="c", subcore_axis_name="s")

    @functools.partial(
        pl.kernel,
        out_type=[jax.ShapeDtypeStruct((E, F), jnp.float32),
                  jax.ShapeDtypeStruct((E, F), jnp.float32)],
        mesh=mesh,
        compiler_params=pltpu.CompilerParams(needs_layout_passes=False),
        scratch_types=[
            pltpu.VMEM((NCH, CHUNK), jnp.int32),
            pltpu.VMEM((NCH, CHUNK), jnp.int32),
            pltpu.VMEM((CHUNK, F), jnp.float32),
            pltpu.VMEM((CHUNK, F), jnp.float32),
            pltpu.SemaphoreType.DMA,
            pltpu.SemaphoreType.DMA,
        ],
    )
    def gather_k(flat, src3, dst3, xi_out, xj_out, src_v, dst_v, bi, bj,
                 sem_i, sem_j):
        wid = lax.axis_index("c") * NS + lax.axis_index("s")
        base = wid * EW
        pltpu.sync_copy(src3.at[wid], src_v)
        pltpu.sync_copy(dst3.at[wid], dst_v)

        def body(j, _):
            cpi = pltpu.async_copy(flat.at[dst_v.at[j]], bi, sem_i)
            cpj = pltpu.async_copy(flat.at[src_v.at[j]], bj, sem_j)
            cpi.wait()
            cpj.wait()
            pltpu.sync_copy(bi, xi_out.at[pl.ds(base + j * CHUNK, CHUNK)])
            pltpu.sync_copy(bj, xj_out.at[pl.ds(base + j * CHUNK, CHUNK)])
            return 0

        lax.fori_loop(0, NCH, body, 0)

    def run(flat, src, dst):
        src3 = src.reshape(NW, NCH, CHUNK)
        dst3 = dst.reshape(NW, NCH, CHUNK)
        return gather_k(flat, src3, dst3)

    return run


def _make_segmax(N, E):
    NP = ((N + NW * 8 - 1) // (NW * 8)) * (NW * 8)
    SPW = NP // NW
    CH = 2000
    NCHS = E // CH
    VPC = CH // 16
    CAP = 13056

    mesh = plsc.VectorSubcoreMesh(core_axis_name="c", subcore_axis_name="s")

    @functools.partial(
        pl.kernel,
        out_type=jax.ShapeDtypeStruct((NP,), jnp.float32),
        mesh=mesh,
        compiler_params=pltpu.CompilerParams(needs_layout_passes=False),
        scratch_types=[
            pltpu.VMEM((SPW, 16), jnp.float32),
            pltpu.VMEM((CH,), jnp.int32),
            pltpu.VMEM((CH,), jnp.float32),
            pltpu.VMEM((CAP,), jnp.float32),
            pltpu.VMEM((CAP,), jnp.int32),
            pltpu.VMEM((SPW,), jnp.float32),
        ],
    )
    def segmax_k(dst_h, alpha_h, m_out, accm, dstb, alphab, cal, cls, mbuf):
        wid = lax.axis_index("c") * NS + lax.axis_index("s")
        seg_base = wid * SPW
        lanes = lax.iota(jnp.int32, 16)

        def init(i, _):
            accm[i, pl.ds(0, 16)] = jnp.full((16,), -1e30, jnp.float32)
            return 0

        lax.fori_loop(0, SPW, init, 0)

        def scan_chunk(ci, cnt):
            cnt = jnp.minimum(cnt, jnp.int32(CAP - CH - 16))
            pltpu.sync_copy(dst_h.at[pl.ds(ci * CH, CH)], dstb)
            pltpu.sync_copy(alpha_h.at[pl.ds(ci * CH, CH)], alphab)

            def vreg(i, cnt):
                d = dstb[pl.ds(i * 16, 16)]
                a = alphab[pl.ds(i * 16, 16)]
                local = d - seg_base
                inb = (local >= 0) & (local < SPW)
                pc = plsc.cumsum(jnp.where(inb, 1, 0))
                addr = cnt + pc - 1
                plsc.store_scatter(cal, [addr], a, mask=inb)
                plsc.store_scatter(cls, [addr], local, mask=inb)
                return cnt + pc[15]

            return lax.fori_loop(0, VPC, vreg, cnt)

        cnt = lax.fori_loop(0, NCHS, scan_chunk, jnp.int32(0))

        def edge(r, _):
            av = plsc.load_gather(cal, [jnp.full((16,), r, jnp.int32)])
            dl = plsc.load_gather(cls, [jnp.full((16,), r, jnp.int32)])[0]
            accm[dl, pl.ds(0, 16)] = jnp.maximum(accm[dl, pl.ds(0, 16)], av)
            return 0

        lax.fori_loop(0, cnt, edge, 0)

        def comb(i, _):
            s0 = i * 16
            mbuf[pl.ds(s0, 16)] = plsc.load_gather(
                accm, [s0 + lanes, jnp.zeros((16,), jnp.int32)])
            return 0

        lax.fori_loop(0, SPW // 16, comb, 0)
        pltpu.sync_copy(mbuf, m_out.at[pl.ds(seg_base, SPW)])

    return segmax_k


def _make_gather_sums(N, E):
    EW = E // NW
    VW = EW // 16
    mesh = plsc.VectorSubcoreMesh(core_axis_name="c", subcore_axis_name="s")

    @functools.partial(
        pl.kernel,
        out_type=jax.ShapeDtypeStruct((E,), jnp.float32),
        mesh=mesh,
        compiler_params=pltpu.CompilerParams(needs_layout_passes=False),
        scratch_types=[
            pltpu.VMEM((N,), jnp.float32),
            pltpu.VMEM((EW,), jnp.int32),
            pltpu.VMEM((EW,), jnp.float32),
        ],
    )
    def gsum_k(sums_h, dst_h, sd_out, sums_v, dstw, sd_buf):
        wid = lax.axis_index("c") * NS + lax.axis_index("s")
        ebase = wid * EW
        pltpu.sync_copy(sums_h, sums_v)
        pltpu.sync_copy(dst_h.at[pl.ds(ebase, EW)], dstw)

        def vreg(i, _):
            d = dstw[pl.ds(i * 16, 16)]
            sd_buf[pl.ds(i * 16, 16)] = plsc.load_gather(sums_v, [d])
            return 0

        lax.fori_loop(0, VW, vreg, 0)
        pltpu.sync_copy(sd_buf, sd_out.at[pl.ds(ebase, EW)])

    return gsum_k


def _make_weighted(N, E):
    NP = ((N + NW * 8 - 1) // (NW * 8)) * (NW * 8)
    SPW = NP // NW
    CH = 2000
    NCHS = E // CH
    VPC = CH // 16
    CAP = 13056
    GB = 64

    mesh = plsc.VectorSubcoreMesh(core_axis_name="c", subcore_axis_name="s")

    @functools.partial(
        pl.kernel,
        out_type=jax.ShapeDtypeStruct((NP, F), jnp.float32),
        mesh=mesh,
        compiler_params=pltpu.CompilerParams(needs_layout_passes=False),
        scratch_types=[
            pltpu.VMEM((SPW, F), jnp.float32),
            pltpu.VMEM((CH,), jnp.int32),
            pltpu.VMEM((CAP,), jnp.int32),
            pltpu.VMEM((CAP,), jnp.int32),
            pltpu.VMEM((GB, F), jnp.float32),
            pltpu.VMEM((GB + 16,), jnp.float32),
            pltpu.SemaphoreType.DMA,
            pltpu.SemaphoreType.DMA,
        ],
    )
    def wk(dst_h, attn_h, xj_h, zeros_h, w_out, acc, dstb, eids, ldst,
           rows, attnb, sem_r, sem_a):
        wid = lax.axis_index("c") * NS + lax.axis_index("s")
        seg_base = wid * SPW
        lanes = lax.iota(jnp.int32, 16)

        pltpu.sync_copy(zeros_h.at[pl.ds(seg_base, SPW)], acc)

        def scan_chunk(ci, cnt):
            cnt = jnp.minimum(cnt, jnp.int32(CAP - CH - 16))
            pltpu.sync_copy(dst_h.at[pl.ds(ci * CH, CH)], dstb)

            def vreg(i, cnt):
                d = dstb[pl.ds(i * 16, 16)]
                local = d - seg_base
                inb = (local >= 0) & (local < SPW)
                eid = (ci * CH + i * 16) + lanes
                pc = plsc.cumsum(jnp.where(inb, 1, 0))
                addr = cnt + pc - 1
                plsc.store_scatter(eids, [addr], eid, mask=inb)
                plsc.store_scatter(ldst, [addr], local, mask=inb)
                return cnt + pc[15]

            return lax.fori_loop(0, VPC, vreg, cnt)

        cnt = lax.fori_loop(0, NCHS, scan_chunk, jnp.int32(0))

        for i in range(GB // 16 + 1):
            plsc.store_scatter(eids, [cnt + i * 16 + lanes],
                               jnp.zeros((16,), jnp.int32))

        nb = lax.div(cnt + (GB - 1), jnp.int32(GB))

        def batch(bi, _):
            pos = bi * GB
            cp_r = pltpu.async_copy(xj_h.at[eids.at[pl.ds(pos, GB)]], rows,
                                    sem_r)
            cp_a = pltpu.async_copy(attn_h.at[eids.at[pl.ds(pos, GB)]],
                                    attnb.at[pl.ds(0, GB)], sem_a)
            cp_r.wait()
            cp_a.wait()
            n_in_batch = jnp.minimum(cnt - pos, GB)

            def row(r, _):
                ab = plsc.load_gather(attnb, [jnp.full((16,), r, jnp.int32)])
                dl = plsc.load_gather(ldst,
                                      [jnp.full((16,), pos + r, jnp.int32)])[0]
                for f in range(F // 16):
                    sl = pl.ds(f * 16, 16)
                    prod = ab * rows[r, sl]
                    acc[dl, sl] = acc[dl, sl] + prod
                return 0

            lax.fori_loop(0, n_in_batch, row, 0)
            return 0

        lax.fori_loop(0, nb, batch, 0)

        pltpu.sync_copy(acc, w_out.at[pl.ds(seg_base, SPW)])

    return wk


def _edge_alpha(Xi, Xj, Wa, ba, amap, E):
    BE = 640
    G = E // BE

    def body(xi_ref, xj_ref, w_ref, b_ref, a_ref, o_ref):
        p = xi_ref[...] * xj_ref[...]
        h = jnp.tanh(jnp.dot(p, w_ref[...]) + b_ref[...])
        row = lax.dot_general(a_ref[...], h, (((0,), (1,)), ((), ())))
        o_ref[0] = row

    out = pl.pallas_call(
        body,
        grid=(G,),
        in_specs=[
            pl.BlockSpec((BE, F), lambda i: (i, 0)),
            pl.BlockSpec((BE, F), lambda i: (i, 0)),
            pl.BlockSpec((F, F), lambda i: (0, 0)),
            pl.BlockSpec((1, F), lambda i: (0, 0)),
            pl.BlockSpec((F, 1), lambda i: (0, 0)),
        ],
        out_specs=pl.BlockSpec((1, 1, BE), lambda i: (i, 0, 0)),
        out_shape=jax.ShapeDtypeStruct((G, 1, BE), jnp.float32),
    )(Xi, Xj, Wa, ba.reshape(1, F), amap)
    return out.reshape(E)


def _ew_exp(alpha, md, E):
    R = 2500
    C = E // R

    def body(a_ref, m_ref, o_ref):
        o_ref[...] = jnp.exp(a_ref[...] - m_ref[...])

    out = pl.pallas_call(
        body,
        out_shape=jax.ShapeDtypeStruct((R, C), jnp.float32),
    )(alpha.reshape(R, C), md.reshape(R, C))
    return out.reshape(E)


def _ew_attn(ex, sd, E):
    R = 2500
    C = E // R

    def body(e_ref, s_ref, o_ref):
        o_ref[...] = e_ref[...] / (s_ref[...] + 1e-16)

    out = pl.pallas_call(
        body,
        out_shape=jax.ShapeDtypeStruct((R, C), jnp.float32),
    )(ex.reshape(R, C), sd.reshape(R, C))
    return out.reshape(E)


def _tail_matmul(weighted, flat, W1, b1, W2, b2, N):
    def body(w_ref, f_ref, w1_ref, b1_ref, w2_ref, b2_ref, o_ref):
        o_ref[...] = (jnp.dot(w_ref[...], w1_ref[...]) + b1_ref[...]
                      + jnp.dot(f_ref[...], w2_ref[...])) + b2_ref[...]

    return pl.pallas_call(
        body,
        out_shape=jax.ShapeDtypeStruct((N, F), jnp.float32),
    )(weighted, flat, W1, b1.reshape(1, F), W2, b2.reshape(1, F))


def _tail_norm(out, mean, var, gamma, beta, N):
    def body(o_ref, m_ref, v_ref, g_ref, be_ref, r_ref):
        r_ref[...] = ((o_ref[...] - m_ref[...]) * lax.rsqrt(v_ref[...] + 1e-5)
                      * g_ref[...] + be_ref[...])

    return pl.pallas_call(
        body,
        out_shape=jax.ShapeDtypeStruct((N, F), jnp.float32),
    )(out, mean.reshape(1, F), var.reshape(1, F), gamma.reshape(1, F),
      beta.reshape(1, F))


def _pool(out3, y, B, NPG, SEL_K):
    def body(o_ref, yr_ref, yc_ref, res_ref):
        og = o_ref[0]
        yrow = yr_ref[0]
        ycol = yc_ref[0]
        mi = lax.broadcasted_iota(jnp.int32, (NPG, 1), 0)
        ni = lax.broadcasted_iota(jnp.int32, (1, NPG), 1)
        C = ((ycol > yrow) | ((ycol == yrow) & (mi < ni))).astype(jnp.float32)
        rank = jnp.dot(jnp.ones((1, NPG), jnp.float32), C)
        r_col = lax.broadcasted_iota(jnp.int32, (SEL_K, 1), 0).astype(jnp.float32)
        O = (rank == r_col).astype(jnp.float32)
        Z = og * ycol
        res_ref[0] = jnp.dot(O, Z, precision=lax.Precision.HIGHEST)

    return pl.pallas_call(
        body,
        grid=(B,),
        in_specs=[
            pl.BlockSpec((1, NPG, F), lambda g: (g, 0, 0)),
            pl.BlockSpec((1, 1, NPG), lambda g: (g, 0, 0)),
            pl.BlockSpec((1, NPG, 1), lambda g: (g, 0, 0)),
        ],
        out_specs=pl.BlockSpec((1, SEL_K, F), lambda g: (g, 0, 0)),
        out_shape=jax.ShapeDtypeStruct((B, SEL_K, F), jnp.float32),
    )(out3, y.reshape(B, 1, NPG), y.reshape(B, NPG, 1))


def kernel(x, edges, att_proj_W, att_proj_b, att_map_W, proj_att_W,
           proj_att_b, proj_noatt_W, proj_noatt_b, bn_gamma, bn_beta,
           y_proj_W, y_proj_b):
    B, NPG, F_ = x.shape
    N = B * NPG
    E = edges.shape[1]
    SEL_K = max(int(NPG * 0.5), 1)

    flat = x.reshape(N, F_)
    src = edges[0]
    dst = edges[1]

    Xi, Xj = _make_gather(N, E)(flat, src, dst)
    alpha = _edge_alpha(Xi, Xj, att_proj_W, att_proj_b, att_map_W, E)
    m = _make_segmax(N, E)(dst, alpha)
    md = _make_gather_sums(m.shape[0], E)(m, dst)
    ex = _ew_exp(alpha, md, E)
    sums = jax.ops.segment_sum(ex, dst, num_segments=N)
    sd = _make_gather_sums(N, E)(sums, dst)
    attn = _ew_attn(ex, sd, E)
    NP = ((N + NW * 8 - 1) // (NW * 8)) * (NW * 8)
    zeros = jnp.zeros((NP, F_), jnp.float32)
    weighted = _make_weighted(N, E)(dst, attn, Xj, zeros)[:N]
    out = _tail_matmul(weighted, flat, proj_att_W, proj_att_b, proj_noatt_W,
                       proj_noatt_b, N)
    mean = out.mean(axis=0)
    var = out.var(axis=0)
    out_bn = (out - mean) / jnp.sqrt(var + 1e-5) * bn_gamma + bn_beta
    out3 = jax.nn.selu(out_bn).reshape(B, NPG, F_)
    y = jax.nn.sigmoid(out3 @ y_proj_W + y_proj_b)[..., 0]
    return _pool(out3, y, B, NPG, SEL_K)

# --- scband reference (transcript-rebuilt; emitter-appended) ---
"""Pipeline reference for scband-graph-module-57767310131620 (READ-ONLY COPY).

The authoritative reference and input builder live on the scoring server;
editing this copy changes nothing except your own understanding.
"""

import jax, jax.numpy as jnp
import numpy as np

B = 8
NPG = 1250
N = B * NPG
E = 320000
F = 128
K_FRAC = 0.5
SEL_K = max(int(NPG * K_FRAC), 1)


def _xavier(key, shape):
    limit = float(np.sqrt(6.0 / (shape[0] + shape[1])))
    return jax.random.uniform(key, shape, jnp.float32, -limit, limit)


def setup_inputs(seed: int = 0):
    key = jax.random.key(seed)
    ks = jax.random.split(key, 10)
    x = jax.random.normal(ks[0], (B, NPG, F), jnp.float32)
    edges = jax.random.randint(ks[1], (2, E), 0, N, jnp.int32)
    return {
        "x": x,
        "edges": edges,
        "att_proj_W": _xavier(ks[2], (F, F)),
        "att_proj_b": jnp.zeros((F,), jnp.float32),
        "att_map_W": _xavier(ks[3], (F, 1)),
        "proj_att_W": _xavier(ks[4], (F, F)),
        "proj_att_b": jnp.zeros((F,), jnp.float32),
        "proj_noatt_W": _xavier(ks[5], (F, F)),
        "proj_noatt_b": jnp.zeros((F,), jnp.float32),
        "bn_gamma": jnp.ones((F,), jnp.float32),
        "bn_beta": jnp.zeros((F,), jnp.float32),
        "y_proj_W": _xavier(ks[6], (F, 1)),
        "y_proj_b": jnp.zeros((1,), jnp.float32),
    }


def reference(x, edges, att_proj_W, att_proj_b, att_map_W, proj_att_W, proj_att_b, proj_noatt_W, proj_noatt_b, bn_gamma, bn_beta, y_proj_W, y_proj_b):
    flat = x.reshape(-1, F)
    src = edges[0]
    dst = edges[1]
    x_j = flat[src]
    x_i = flat[dst]
    # GAT message: alpha = att_map(tanh(att_proj(x_i * x_j))), segment-softmax over dst
    alpha = jnp.tanh((x_i * x_j) @ att_proj_W + att_proj_b)
    alpha = (alpha @ att_map_W)[:, 0]
    seg_max = jax.ops.segment_max(alpha, dst, num_segments=N)
    seg_max = jnp.where(jnp.isfinite(seg_max), seg_max, 0.0)
    ex = jnp.exp(alpha - seg_max[dst])
    seg_sum = jax.ops.segment_sum(ex, dst, num_segments=N)
    attn = ex / (seg_sum[dst] + 1e-16)
    # aggregate: scatter-add alpha * x_j by dst
    weighted = jax.ops.segment_sum(attn[:, None] * x_j, dst, num_segments=N)
    out = weighted @ proj_att_W + proj_att_b + flat @ proj_noatt_W + proj_noatt_b
    # BatchNorm1d (training-mode batch statistics, biased variance)
    mean = out.mean(axis=0)
    var = out.var(axis=0)
    out = (out - mean) / jnp.sqrt(var + 1e-5) * bn_gamma + bn_beta
    out = jax.nn.selu(out)
    out3 = out.reshape(B, NPG, F)
    # GraphPool: top-k nodes per graph by sigmoid score
    y = jax.nn.sigmoid(out3 @ y_proj_W + y_proj_b)[..., 0]
    vals, ids = jax.lax.top_k(y, SEL_K)
    x_top = jnp.take_along_axis(out3, ids[:, :, None], axis=1)
    return x_top * vals[:, :, None]

if __name__ == "__main__":
    import jax
    _d = setup_inputs()
    print(jax.jit(kernel)(*tuple(_d.values())))

</pallas_src>

<mosaic_0001>
#map = affine_map<(d0, d1) -> (0, 0)>
#map1 = affine_map<(d0, d1) -> (0, 0, 0)>
module attributes {stable_mosaic.version = 14 : i64} {
  func.func @gather_k(%arg0: i32, %arg1: i32, %arg2: memref<10000x128xf32, #tpu.memory_space<hbm>>, %arg3: memref<32x125x80xi32, #tpu.memory_space<hbm>>, %arg4: memref<32x125x80xi32, #tpu.memory_space<hbm>>, %arg5: memref<320000x128xf32, #tpu.memory_space<hbm>>, %arg6: memref<320000x128xf32, #tpu.memory_space<hbm>>, %arg7: memref<125x80xi32, #tpu.memory_space<vmem>>, %arg8: memref<125x80xi32, #tpu.memory_space<vmem>>, %arg9: memref<80x128xf32, #tpu.memory_space<vmem>>, %arg10: memref<80x128xf32, #tpu.memory_space<vmem>>, %arg11: memref<!tpu.dma_semaphore, #tpu.memory_space<semaphore_mem>>, %arg12: memref<!tpu.dma_semaphore, #tpu.memory_space<semaphore_mem>>) attributes {dimension_semantics = [#tpu.dimension_semantics<core_parallel>, #tpu.dimension_semantics<subcore_parallel>], iteration_bounds = array<i64: 2, 16>, scalar_prefetch = 0 : i64, scratch_operands = 6 : i64, tpu.core_type = #tpu.core_type<sc_vector_subcore>, window_params = [{transform_indices = #map}, {transform_indices = #map1}, {transform_indices = #map1}, {transform_indices = #map}, {transform_indices = #map}]} {
    %mul3A = arith.constant 16 : i32
    %mul3A_0 = arith.muli %arg0, %mul3A : i32
    %add3A = arith.addi %mul3A_0, %arg1 : i32
    %mul3A_1 = arith.constant 10000 : i32
    %mul3A_2 = arith.muli %add3A, %mul3A_1 : i32
    "tpu.region"() ({
      %run_scoped3A = tpu.sem_alloc : memref<!tpu.dma_semaphore, #tpu.memory_space<semaphore_mem>>
      %dma_start3A = arith.constant 0 : i32
      %dma_start3A_9 = arith.constant 0 : i32
      %dma_start3A_10 = tpu.memref_slice %arg3[%add3A, %dma_start3A, %dma_start3A_9] : memref<32x125x80xi32, #tpu.memory_space<hbm>> -> memref<1x125x80xi32, #tpu.memory_space<hbm>>
      %dma_start3A_11 = tpu.memref_squeeze %dma_start3A_10 : memref<1x125x80xi32, #tpu.memory_space<hbm>> -> memref<125x80xi32, #tpu.memory_space<hbm>>
      %dma_start3A_12 = arith.constant 0 : i32
      %dma_start3A_13 = arith.constant 0 : i32
      %dma_start3A_14 = tpu.memref_slice %arg3[%add3A, %dma_start3A_12, %dma_start3A_13] : memref<32x125x80xi32, #tpu.memory_space<hbm>> -> memref<1x125x80xi32, #tpu.memory_space<hbm>>
      %dma_start3A_15 = tpu.memref_squeeze %dma_start3A_14 : memref<1x125x80xi32, #tpu.memory_space<hbm>> -> memref<125x80xi32, #tpu.memory_space<hbm>>
      tpu.enqueue_dma source(%dma_start3A_15 : memref<125x80xi32, #tpu.memory_space<hbm>>) target(%arg7 : memref<125x80xi32, #tpu.memory_space<vmem>>) target_semaphore(%run_scoped3A : memref<!tpu.dma_semaphore, #tpu.memory_space<semaphore_mem>>)
      %dma_wait3A = arith.constant 0 : i32
      %dma_wait3A_16 = arith.constant 0 : i32
      %dma_wait3A_17 = tpu.memref_slice %arg3[%add3A, %dma_wait3A, %dma_wait3A_16] : memref<32x125x80xi32, #tpu.memory_space<hbm>> -> memref<1x125x80xi32, #tpu.memory_space<hbm>>
      %dma_wait3A_18 = tpu.memref_squeeze %dma_wait3A_17 : memref<1x125x80xi32, #tpu.memory_space<hbm>> -> memref<125x80xi32, #tpu.memory_space<hbm>>
      %dma_wait3A_19 = arith.constant 0 : i32
      %dma_wait3A_20 = arith.constant 0 : i32
      %dma_wait3A_21 = tpu.memref_slice %arg3[%add3A, %dma_wait3A_19, %dma_wait3A_20] : memref<32x125x80xi32, #tpu.memory_space<hbm>> -> memref<1x125x80xi32, #tpu.memory_space<hbm>>
      %dma_wait3A_22 = tpu.memref_squeeze %dma_wait3A_21 : memref<1x125x80xi32, #tpu.memory_space<hbm>> -> memref<125x80xi32, #tpu.memory_space<hbm>>
      tpu.wait_dma2 semaphore(%run_scoped3A : memref<!tpu.dma_semaphore, #tpu.memory_space<semaphore_mem>>) src(%dma_wait3A_22 : memref<125x80xi32, #tpu.memory_space<hbm>>) dst(%arg7 : memref<125x80xi32, #tpu.memory_space<vmem>>)
      tpu.yield
    }) : () -> ()
    "tpu.region"() ({
      %run_scoped3A = tpu.sem_alloc : memref<!tpu.dma_semaphore, #tpu.memory_space<semaphore_mem>>
      %dma_start3A = arith.constant 0 : i32
      %dma_start3A_9 = arith.constant 0 : i32
      %dma_start3A_10 = tpu.memref_slice %arg4[%add3A, %dma_start3A, %dma_start3A_9] : memref<32x125x80xi32, #tpu.memory_space<hbm>> -> memref<1x125x80xi32, #tpu.memory_space<hbm>>
      %dma_start3A_11 = tpu.memref_squeeze %dma_start3A_10 : memref<1x125x80xi32, #tpu.memory_space<hbm>> -> memref<125x80xi32, #tpu.memory_space<hbm>>
      %dma_start3A_12 = arith.constant 0 : i32
      %dma_start3A_13 = arith.constant 0 : i32
      %dma_start3A_14 = tpu.memref_slice %arg4[%add3A, %dma_start3A_12, %dma_start3A_13] : memref<32x125x80xi32, #tpu.memory_space<hbm>> -> memref<1x125x80xi32, #tpu.memory_space<hbm>>
      %dma_start3A_15 = tpu.memref_squeeze %dma_start3A_14 : memref<1x125x80xi32, #tpu.memory_space<hbm>> -> memref<125x80xi32, #tpu.memory_space<hbm>>
      tpu.enqueue_dma source(%dma_start3A_15 : memref<125x80xi32, #tpu.memory_space<hbm>>) target(%arg8 : memref<125x80xi32, #tpu.memory_space<vmem>>) target_semaphore(%run_scoped3A : memref<!tpu.dma_semaphore, #tpu.memory_space<semaphore_mem>>)
      %dma_wait3A = arith.constant 0 : i32
      %dma_wait3A_16 = arith.constant 0 : i32
      %dma_wait3A_17 = tpu.memref_slice %arg4[%add3A, %dma_wait3A, %dma_wait3A_16] : memref<32x125x80xi32, #tpu.memory_space<hbm>> -> memref<1x125x80xi32, #tpu.memory_space<hbm>>
      %dma_wait3A_18 = tpu.memref_squeeze %dma_wait3A_17 : memref<1x125x80xi32, #tpu.memory_space<hbm>> -> memref<125x80xi32, #tpu.memory_space<hbm>>
      %dma_wait3A_19 = arith.constant 0 : i32
      %dma_wait3A_20 = arith.constant 0 : i32
      %dma_wait3A_21 = tpu.memref_slice %arg4[%add3A, %dma_wait3A_19, %dma_wait3A_20] : memref<32x125x80xi32, #tpu.memory_space<hbm>> -> memref<1x125x80xi32, #tpu.memory_space<hbm>>
      %dma_wait3A_22 = tpu.memref_squeeze %dma_wait3A_21 : memref<1x125x80xi32, #tpu.memory_space<hbm>> -> memref<125x80xi32, #tpu.memory_space<hbm>>
      tpu.wait_dma2 semaphore(%run_scoped3A : memref<!tpu.dma_semaphore, #tpu.memory_space<semaphore_mem>>) src(%dma_wait3A_22 : memref<125x80xi32, #tpu.memory_space<hbm>>) dst(%arg8 : memref<125x80xi32, #tpu.memory_space<vmem>>)
      tpu.yield
    }) : () -> ()
    %scan3A = arith.constant 0 : i32
    %scan3A_3 = arith.constant 0 : i32
    %scan3A_4 = arith.constant 125 : i32
    %scan3A_5 = arith.addi %scan3A_3, %scan3A_4 : i32
    %scan3A_6 = arith.constant 1 : i32
    %scan3A_7 = scf.for %scan3A_9 = %scan3A_3 to %scan3A_5 step %scan3A_6 iter_args(%scan3A_10 = %scan3A) -> (i32)  : i32 {
      %dma_start3A = arith.constant 0 : i32
      %dma_start3A_11 = tpu.memref_slice %arg8[%scan3A_9, %dma_start3A] : memref<125x80xi32, #tpu.memory_space<vmem>> -> memref<1x80xi32, #tpu.memory_space<vmem>>
      %dma_start3A_12 = tpu.memref_squeeze %dma_start3A_11 : memref<1x80xi32, #tpu.memory_space<vmem>> -> memref<80xi32, #tpu.memory_space<vmem>>
      %dma_start3A_13 = arith.constant 0 : i32
      %dma_start3A_14 = arith.constant 0 : i32
      %dma_start3A_15 = tpu.memref_slice %arg2[%dma_start3A_13, %dma_start3A_14] : memref<10000x128xf32, #tpu.memory_space<hbm>> -> memref<10000x128xf32, #tpu.memory_space<hbm>>
      tpu.enqueue_indirect_dma source(%dma_start3A_15 : memref<10000x128xf32, #tpu.memory_space<hbm>>) target(%arg9 : memref<80x128xf32, #tpu.memory_space<vmem>>) offsets(%dma_start3A_12 : memref<80xi32, #tpu.memory_space<vmem>>) semaphore(%arg11 : memref<!tpu.dma_semaphore, #tpu.memory_space<semaphore_mem>>)
      %dma_start3A_16 = arith.constant 0 : i32
      %dma_start3A_17 = tpu.memref_slice %arg7[%scan3A_9, %dma_start3A_16] : memref<125x80xi32, #tpu.memory_space<vmem>> -> memref<1x80xi32, #tpu.memory_space<vmem>>
      %dma_start3A_18 = tpu.memref_squeeze %dma_start3A_17 : memref<1x80xi32, #tpu.memory_space<vmem>> -> memref<80xi32, #tpu.memory_space<vmem>>
      %dma_start3A_19 = arith.constant 0 : i32
      %dma_start3A_20 = arith.constant 0 : i32
      %dma_start3A_21 = tpu.memref_slice %arg2[%dma_start3A_19, %dma_start3A_20] : memref<10000x128xf32, #tpu.memory_space<hbm>> -> memref<10000x128xf32, #tpu.memory_space<hbm>>
      tpu.enqueue_indirect_dma source(%dma_start3A_21 : memref<10000x128xf32, #tpu.memory_space<hbm>>) target(%arg10 : memref<80x128xf32, #tpu.memory_space<vmem>>) offsets(%dma_start3A_18 : memref<80xi32, #tpu.memory_space<vmem>>) semaphore(%arg12 : memref<!tpu.dma_semaphore, #tpu.memory_space<semaphore_mem>>)
      %dma_wait3A = arith.constant 0 : i32
      %dma_wait3A_22 = tpu.memref_slice %arg8[%scan3A_9, %dma_wait3A] : memref<125x80xi32, #tpu.memory_space<vmem>> -> memref<1x80xi32, #tpu.memory_space<vmem>>
      %dma_wait3A_23 = tpu.memref_squeeze %dma_wait3A_22 : memref<1x80xi32, #tpu.memory_space<vmem>> -> memref<80xi32, #tpu.memory_space<vmem>>
      %dma_wait3A_24 = arith.constant 0 : i32
      %dma_wait3A_25 = arith.constant 0 : i32
      %dma_wait3A_26 = tpu.memref_slice %arg2[%dma_wait3A_24, %dma_wait3A_25] : memref<10000x128xf32, #tpu.memory_space<hbm>> -> memref<10000x128xf32, #tpu.memory_space<hbm>>
      tpu.wait_indirect_dma semaphore(%arg11 : memref<!tpu.dma_semaphore, #tpu.memory_space<semaphore_mem>>) src(%dma_wait3A_26 : memref<10000x128xf32, #tpu.memory_space<hbm>>) dst(%arg9 : memref<80x128xf32, #tpu.memory_space<vmem>>)
      %dma_wait3A_27 = arith.constant 0 : i32
      %dma_wait3A_28 = tpu.memref_slice %arg7[%scan3A_9, %dma_wait3A_27] : memref<125x80xi32, #tpu.memory_space<vmem>> -> memref<1x80xi32, #tpu.memory_space<vmem>>
      %dma_wait3A_29 = tpu.memref_squeeze %dma_wait3A_28 : memref<1x80xi32, #tpu.memory_space<vmem>> -> memref<80xi32, #tpu.memory_space<vmem>>
      %dma_wait3A_30 = arith.constant 0 : i32
      %dma_wait3A_31 = arith.constant 0 : i32
      %dma_wait3A_32 = tpu.memref_slice %arg2[%dma_wait3A_30, %dma_wait3A_31] : memref<10000x128xf32, #tpu.memory_space<hbm>> -> memref<10000x128xf32, #tpu.memory_space<hbm>>
      tpu.wait_indirect_dma semaphore(%arg12 : memref<!tpu.dma_semaphore, #tpu.memory_space<semaphore_mem>>) src(%dma_wait3A_32 : memref<10000x128xf32, #tpu.memory_space<hbm>>) dst(%arg10 : memref<80x128xf32, #tpu.memory_space<vmem>>)
      %mul3A_33 = arith.constant 80 : i32
      %mul3A_34 = arith.muli %scan3A_9, %mul3A_33 : i32
      %add3A_35 = arith.addi %mul3A_2, %mul3A_34 : i32
      "tpu.region"() ({
        %run_scoped3A = tpu.sem_alloc : memref<!tpu.dma_semaphore, #tpu.memory_space<semaphore_mem>>
        %dma_start3A_40 = arith.constant 0 : i32
        %dma_start3A_41 = tpu.memref_slice %arg5[%add3A_35, %dma_start3A_40] : memref<320000x128xf32, #tpu.memory_space<hbm>> -> memref<80x128xf32, #tpu.memory_space<hbm>>
        %dma_start3A_42 = arith.constant 0 : i32
        %dma_start3A_43 = tpu.memref_slice %arg5[%add3A_35, %dma_start3A_42] : memref<320000x128xf32, #tpu.memory_space<hbm>> -> memref<80x128xf32, #tpu.memory_space<hbm>>
        tpu.enqueue_dma source(%arg9 : memref<80x128xf32, #tpu.memory_space<vmem>>) target(%dma_start3A_43 : memref<80x128xf32, #tpu.memory_space<hbm>>) target_semaphore(%run_scoped3A : memref<!tpu.dma_semaphore, #tpu.memory_space<semaphore_mem>>)
        %dma_wait3A_44 = arith.constant 0 : i32
        %dma_wait3A_45 = tpu.memref_slice %arg5[%add3A_35, %dma_wait3A_44] : memref<320000x128xf32, #tpu.memory_space<hbm>> -> memref<80x128xf32, #tpu.memory_space<hbm>>
        %dma_wait3A_46 = arith.constant 0 : i32
        %dma_wait3A_47 = tpu.memref_slice %arg5[%add3A_35, %dma_wait3A_46] : memref<320000x128xf32, #tpu.memory_space<hbm>> -> memref<80x128xf32, #tpu.memory_space<hbm>>
        tpu.wait_dma2 semaphore(%run_scoped3A : memref<!tpu.dma_semaphore, #tpu.memory_space<semaphore_mem>>) src(%arg9 : memref<80x128xf32, #tpu.memory_space<vmem>>) dst(%dma_wait3A_47 : memref<80x128xf32, #tpu.memory_space<hbm>>)
        tpu.yield
      }) : () -> ()
      %mul3A_36 = arith.constant 80 : i32
      %mul3A_37 = arith.muli %scan3A_9, %mul3A_36 : i32
      %add3A_38 = arith.addi %mul3A_2, %mul3A_37 : i32
      "tpu.region"() ({
        %run_scoped3A = tpu.sem_alloc : memref<!tpu.dma_semaphore, #tpu.memory_space<semaphore_mem>>
        %dma_start3A_40 = arith.constant 0 : i32
        %dma_start3A_41 = tpu.memref_slice %arg6[%add3A_38, %dma_start3A_40] : memref<320000x128xf32, #tpu.memory_space<hbm>> -> memref<80x128xf32, #tpu.memory_space<hbm>>
        %dma_start3A_42 = arith.constant 0 : i32
        %dma_start3A_43 = tpu.memref_slice %arg6[%add3A_38, %dma_start3A_42] : memref<320000x128xf32, #tpu.memory_space<hbm>> -> memref<80x128xf32, #tpu.memory_space<hbm>>
        tpu.enqueue_dma source(%arg10 : memref<80x128xf32, #tpu.memory_space<vmem>>) target(%dma_start3A_43 : memref<80x128xf32, #tpu.memory_space<hbm>>) target_semaphore(%run_scoped3A : memref<!tpu.dma_semaphore, #tpu.memory_space<semaphore_mem>>)
        %dma_wait3A_44 = arith.constant 0 : i32
        %dma_wait3A_45 = tpu.memref_slice %arg6[%add3A_38, %dma_wait3A_44] : memref<320000x128xf32, #tpu.memory_space<hbm>> -> memref<80x128xf32, #tpu.memory_space<hbm>>
        %dma_wait3A_46 = arith.constant 0 : i32
        %dma_wait3A_47 = tpu.memref_slice %arg6[%add3A_38, %dma_wait3A_46] : memref<320000x128xf32, #tpu.memory_space<hbm>> -> memref<80x128xf32, #tpu.memory_space<hbm>>
        tpu.wait_dma2 semaphore(%run_scoped3A : memref<!tpu.dma_semaphore, #tpu.memory_space<semaphore_mem>>) src(%arg10 : memref<80x128xf32, #tpu.memory_space<vmem>>) dst(%dma_wait3A_47 : memref<80x128xf32, #tpu.memory_space<hbm>>)
        tpu.yield
      }) : () -> ()
      %scan3A_39 = arith.constant 0 : i32
      scf.yield %scan3A_39 : i32
    }
    %scan3A_8 = arith.constant 125 : i32
    return
  }
}

#map = affine_map<(d0, d1) -> (0)>
module attributes {stable_mosaic.version = 14 : i64} {
  func.func @gsum_k(%arg0: i32, %arg1: i32, %arg2: memref<10240xf32, #tpu.memory_space<hbm>>, %arg3: memref<320000xi32, #tpu.memory_space<hbm>>, %arg4: memref<320000xf32, #tpu.memory_space<hbm>>, %arg5: memref<10240xf32, #tpu.memory_space<vmem>>, %arg6: memref<10000xi32, #tpu.memory_space<vmem>>, %arg7: memref<10000xf32, #tpu.memory_space<vmem>>) attributes {dimension_semantics = [#tpu.dimension_semantics<core_parallel>, #tpu.dimension_semantics<subcore_parallel>], iteration_bounds = array<i64: 2, 16>, scalar_prefetch = 0 : i64, scratch_operands = 3 : i64, tpu.core_type = #tpu.core_type<sc_vector_subcore>, window_params = [{transform_indices = #map}, {transform_indices = #map}, {transform_indices = #map}]} {
    %mul3A = arith.constant 16 : i32
    %mul3A_0 = arith.muli %arg0, %mul3A : i32
    %add3A = arith.addi %mul3A_0, %arg1 : i32
    %mul3A_1 = arith.constant 10000 : i32
    %mul3A_2 = arith.muli %add3A, %mul3A_1 : i32
    "tpu.region"() ({
      %run_scoped3A = tpu.sem_alloc : memref<!tpu.dma_semaphore, #tpu.memory_space<semaphore_mem>>
      tpu.enqueue_dma source(%arg2 : memref<10240xf32, #tpu.memory_space<hbm>>) target(%arg5 : memref<10240xf32, #tpu.memory_space<vmem>>) target_semaphore(%run_scoped3A : memref<!tpu.dma_semaphore, #tpu.memory_space<semaphore_mem>>)
      tpu.wait_dma2 semaphore(%run_scoped3A : memref<!tpu.dma_semaphore, #tpu.memory_space<semaphore_mem>>) src(%arg2 : memref<10240xf32, #tpu.memory_space<hbm>>) dst(%arg5 : memref<10240xf32, #tpu.memory_space<vmem>>)
      tpu.yield
    }) : () -> ()
    "tpu.region"() ({
      %run_scoped3A = tpu.sem_alloc : memref<!tpu.dma_semaphore, #tpu.memory_space<semaphore_mem>>
      %dma_start3A = tpu.memref_slice %arg3[%mul3A_2] : memref<320000xi32, #tpu.memory_space<hbm>> -> memref<10000xi32, #tpu.memory_space<hbm>>
      %dma_start3A_9 = tpu.memref_slice %arg3[%mul3A_2] : memref<320000xi32, #tpu.memory_space<hbm>> -> memref<10000xi32, #tpu.memory_space<hbm>>
      tpu.enqueue_dma source(%dma_start3A_9 : memref<10000xi32, #tpu.memory_space<hbm>>) target(%arg6 : memref<10000xi32, #tpu.memory_space<vmem>>) target_semaphore(%run_scoped3A : memref<!tpu.dma_semaphore, #tpu.memory_space<semaphore_mem>>)
      %dma_wait3A = tpu.memref_slice %arg3[%mul3A_2] : memref<320000xi32, #tpu.memory_space<hbm>> -> memref<10000xi32, #tpu.memory_space<hbm>>
      %dma_wait3A_10 = tpu.memref_slice %arg3[%mul3A_2] : memref<320000xi32, #tpu.memory_space<hbm>> -> memref<10000xi32, #tpu.memory_space<hbm>>
      tpu.wait_dma2 semaphore(%run_scoped3A : memref<!tpu.dma_semaphore, #tpu.memory_space<semaphore_mem>>) src(%dma_wait3A_10 : memref<10000xi32, #tpu.memory_space<hbm>>) dst(%arg6 : memref<10000xi32, #tpu.memory_space<vmem>>)
      tpu.yield
    }) : () -> ()
    %scan3A = arith.constant 0 : i32
    %scan3A_3 = arith.constant 0 : i32
    %scan3A_4 = arith.constant 625 : i32
    %scan3A_5 = arith.addi %scan3A_3, %scan3A_4 : i32
    %scan3A_6 = arith.constant 1 : i32
    %scan3A_7 = scf.for %scan3A_9 = %scan3A_3 to %scan3A_5 step %scan3A_6 iter_args(%scan3A_10 = %scan3A) -> (i32)  : i32 {
      %mul3A_11 = arith.constant 16 : i32
      %mul3A_12 = arith.muli %scan3A_9, %mul3A_11 : i32
      %get3A = arith.index_cast %mul3A_12 : i32 to index
      %get3A_13 = tpu.vector_load %arg6[%get3A] {strides = array<i32>} : memref<10000xi32, #tpu.memory_space<vmem>>, vector<16xi32>,
      %gather3A = tpu.vector_load_idx %arg5[%get3A_13] : memref<10240xf32, #tpu.memory_space<vmem>>[vector<16xi32>], vector<16xf32>,
      %mul3A_14 = arith.constant 16 : i32
      %mul3A_15 = arith.muli %scan3A_9, %mul3A_14 : i32
      %swap3A = arith.index_cast %mul3A_15 : i32 to index
      %swap3A_16 = tpu.vector_load %arg7[%swap3A] {strides = array<i32>} : memref<10000xf32, #tpu.memory_space<vmem>>, vector<16xf32>,
      tpu.vector_store %arg7[%swap3A], %gather3A {strides = array<i32>} : memref<10000xf32, #tpu.memory_space<vmem>>, vector<16xf32>,
      %scan3A_17 = arith.constant 0 : i32
      scf.yield %scan3A_17 : i32
    }
    %scan3A_8 = arith.constant 625 : i32
    "tpu.region"() ({
      %run_scoped3A = tpu.sem_alloc : memref<!tpu.dma_semaphore, #tpu.memory_space<semaphore_mem>>
      %dma_start3A = tpu.memref_slice %arg4[%mul3A_2] : memref<320000xf32, #tpu.memory_space<hbm>> -> memref<10000xf32, #tpu.memory_space<hbm>>
      %dma_start3A_9 = tpu.memref_slice %arg4[%mul3A_2] : memref<320000xf32, #tpu.memory_space<hbm>> -> memref<10000xf32, #tpu.memory_space<hbm>>
      tpu.enqueue_dma source(%arg7 : memref<10000xf32, #tpu.memory_space<vmem>>) target(%dma_start3A_9 : memref<10000xf32, #tpu.memory_space<hbm>>) target_semaphore(%run_scoped3A : memref<!tpu.dma_semaphore, #tpu.memory_space<semaphore_mem>>)
      %dma_wait3A = tpu.memref_slice %arg4[%mul3A_2] : memref<320000xf32, #tpu.memory_space<hbm>> -> memref<10000xf32, #tpu.memory_space<hbm>>
      %dma_wait3A_10 = tpu.memref_slice %arg4[%mul3A_2] : memref<320000xf32, #tpu.memory_space<hbm>> -> memref<10000xf32, #tpu.memory_space<hbm>>
      tpu.wait_dma2 semaphore(%run_scoped3A : memref<!tpu.dma_semaphore, #tpu.memory_space<semaphore_mem>>) src(%arg7 : memref<10000xf32, #tpu.memory_space<vmem>>) dst(%dma_wait3A_10 : memref<10000xf32, #tpu.memory_space<hbm>>)
      tpu.yield
    }) : () -> ()
    return
  }
}

#map = affine_map<(d0, d1) -> (0)>
module attributes {stable_mosaic.version = 14 : i64} {
  func.func @segmax_k(%arg0: i32, %arg1: i32, %arg2: memref<320000xi32, #tpu.memory_space<hbm>>, %arg3: memref<320000xf32, #tpu.memory_space<hbm>>, %arg4: memref<10240xf32, #tpu.memory_space<hbm>>, %arg5: memref<320x16xf32, #tpu.memory_space<vmem>>, %arg6: memref<2000xi32, #tpu.memory_space<vmem>>, %arg7: memref<2000xf32, #tpu.memory_space<vmem>>, %arg8: memref<13056xf32, #tpu.memory_space<vmem>>, %arg9: memref<13056xi32, #tpu.memory_space<vmem>>, %arg10: memref<320xf32, #tpu.memory_space<vmem>>) attributes {dimension_semantics = [#tpu.dimension_semantics<core_parallel>, #tpu.dimension_semantics<subcore_parallel>], iteration_bounds = array<i64: 2, 16>, scalar_prefetch = 0 : i64, scratch_operands = 6 : i64, tpu.core_type = #tpu.core_type<sc_vector_subcore>, window_params = [{transform_indices = #map}, {transform_indices = #map}, {transform_indices = #map}]} {
    %mul3A = arith.constant 16 : i32
    %mul3A_0 = arith.muli %arg0, %mul3A : i32
    %add3A = arith.addi %mul3A_0, %arg1 : i32
    %mul3A_1 = arith.constant 320 : i32
    %mul3A_2 = arith.muli %add3A, %mul3A_1 : i32
    %iota3A = tpu.iota {dimensions = array<i32: 0>} : vector<16xi32>
    %scan3A = arith.constant 0 : i32
    %scan3A_3 = arith.constant 0 : i32
    %scan3A_4 = arith.constant 320 : i32
    %scan3A_5 = arith.addi %scan3A_3, %scan3A_4 : i32
    %scan3A_6 = arith.constant 1 : i32
    %scan3A_7 = scf.for %scan3A_34 = %scan3A_3 to %scan3A_5 step %scan3A_6 iter_args(%scan3A_35 = %scan3A) -> (i32)  : i32 {
      %broadcast_in_dim3A = arith.constant -1.000000e+30 : f32
      %broadcast_in_dim3A_36 = vector.broadcast %broadcast_in_dim3A : f32 to vector<16xf32>
      %swap3A = arith.index_cast %scan3A_34 : i32 to index
      %swap3A_37 = arith.constant 0 : index
      %swap3A_38 = tpu.vector_load %arg5[%swap3A, %swap3A_37] {strides = array<i32>} : memref<320x16xf32, #tpu.memory_space<vmem>>, vector<16xf32>,
      tpu.vector_store %arg5[%swap3A, %swap3A_37], %broadcast_in_dim3A_36 {strides = array<i32>} : memref<320x16xf32, #tpu.memory_space<vmem>>, vector<16xf32>,
      %scan3A_39 = arith.constant 0 : i32
      scf.yield %scan3A_39 : i32
    }
    %scan3A_8 = arith.constant 320 : i32
    %scan3A_9 = arith.constant 0 : i32
    %scan3A_10 = arith.constant 0 : i32
    %scan3A_11 = arith.constant 160 : i32
    %scan3A_12 = arith.addi %scan3A_10, %scan3A_11 : i32
    %scan3A_13 = arith.constant 1 : i32
    %scan3A_14 = scf.for %scan3A_34 = %scan3A_10 to %scan3A_12 step %scan3A_13 iter_args(%scan3A_35 = %scan3A_9) -> (i32)  : i32 {
      %min3A = arith.constant 11040 : i32
      %min3A_36 = arith.minsi %scan3A_35, %min3A : i32
      %mul3A_37 = arith.constant 2000 : i32
      %mul3A_38 = arith.muli %scan3A_34, %mul3A_37 : i32
      "tpu.region"() ({
        %run_scoped3A = tpu.sem_alloc : memref<!tpu.dma_semaphore, #tpu.memory_space<semaphore_mem>>
        %dma_start3A = tpu.memref_slice %arg2[%mul3A_38] : memref<320000xi32, #tpu.memory_space<hbm>> -> memref<2000xi32, #tpu.memory_space<hbm>>
        %dma_start3A_47 = tpu.memref_slice %arg2[%mul3A_38] : memref<320000xi32, #tpu.memory_space<hbm>> -> memref<2000xi32, #tpu.memory_space<hbm>>
        tpu.enqueue_dma source(%dma_start3A_47 : memref<2000xi32, #tpu.memory_space<hbm>>) target(%arg6 : memref<2000xi32, #tpu.memory_space<vmem>>) target_semaphore(%run_scoped3A : memref<!tpu.dma_semaphore, #tpu.memory_space<semaphore_mem>>)
        %dma_wait3A = tpu.memref_slice %arg2[%mul3A_38] : memref<320000xi32, #tpu.memory_space<hbm>> -> memref<2000xi32, #tpu.memory_space<hbm>>
        %dma_wait3A_48 = tpu.memref_slice %arg2[%mul3A_38] : memref<320000xi32, #tpu.memory_space<hbm>> -> memref<2000xi32, #tpu.memory_space<hbm>>
        tpu.wait_dma2 semaphore(%run_scoped3A : memref<!tpu.dma_semaphore, #tpu.memory_space<semaphore_mem>>) src(%dma_wait3A_48 : memref<2000xi32, #tpu.memory_space<hbm>>) dst(%arg6 : memref<2000xi32, #tpu.memory_space<vmem>>)
        tpu.yield
      }) : () -> ()
      %mul3A_39 = arith.constant 2000 : i32
      %mul3A_40 = arith.muli %scan3A_34, %mul3A_39 : i32
      "tpu.region"() ({
        %run_scoped3A = tpu.sem_alloc : memref<!tpu.dma_semaphore, #tpu.memory_space<semaphore_mem>>
        %dma_start3A = tpu.memref_slice %arg3[%mul3A_40] : memref<320000xf32, #tpu.memory_space<hbm>> -> memref<2000xf32, #tpu.memory_space<hbm>>
        %dma_start3A_47 = tpu.memref_slice %arg3[%mul3A_40] : memref<320000xf32, #tpu.memory_space<hbm>> -> memref<2000xf32, #tpu.memory_space<hbm>>
        tpu.enqueue_dma source(%dma_start3A_47 : memref<2000xf32, #tpu.memory_space<hbm>>) target(%arg7 : memref<2000xf32, #tpu.memory_space<vmem>>) target_semaphore(%run_scoped3A : memref<!tpu.dma_semaphore, #tpu.memory_space<semaphore_mem>>)
        %dma_wait3A = tpu.memref_slice %arg3[%mul3A_40] : memref<320000xf32, #tpu.memory_space<hbm>> -> memref<2000xf32, #tpu.memory_space<hbm>>
        %dma_wait3A_48 = tpu.memref_slice %arg3[%mul3A_40] : memref<320000xf32, #tpu.memory_space<hbm>> -> memref<2000xf32, #tpu.memory_space<hbm>>
        tpu.wait_dma2 semaphore(%run_scoped3A : memref<!tpu.dma_semaphore, #tpu.memory_space<semaphore_mem>>) src(%dma_wait3A_48 : memref<2000xf32, #tpu.memory_space<hbm>>) dst(%arg7 : memref<2000xf32, #tpu.memory_space<vmem>>)
        tpu.yield
      }) : () -> ()
      %scan3A_41 = arith.constant 0 : i32
      %scan3A_42 = arith.constant 125 : i32
      %scan3A_43 = arith.addi %scan3A_41, %scan3A_42 : i32
      %scan3A_44 = arith.constant 1 : i32
      %scan3A_45 = scf.for %scan3A_47 = %scan3A_41 to %scan3A_43 step %scan3A_44 iter_args(%scan3A_48 = %min3A_36) -> (i32)  : i32 {
        %mul3A_49 = arith.constant 16 : i32
        %mul3A_50 = arith.muli %scan3A_47, %mul3A_49 : i32
        %get3A = arith.index_cast %mul3A_50 : i32 to index
        %get3A_51 = tpu.vector_load %arg6[%get3A] {strides = array<i32>} : memref<2000xi32, #tpu.memory_space<vmem>>, vector<16xi32>,
        %mul3A_52 = arith.constant 16 : i32
        %mul3A_53 = arith.muli %scan3A_47, %mul3A_52 : i32
        %get3A_54 = arith.index_cast %mul3A_53 : i32 to index
        %get3A_55 = tpu.vector_load %arg7[%get3A_54] {strides = array<i32>} : memref<2000xf32, #tpu.memory_space<vmem>>, vector<16xf32>,
        %sub3A = vector.broadcast %mul3A_2 : i32 to vector<16xi32>
        %sub3A_56 = arith.subi %get3A_51, %sub3A : vector<16xi32>
        %ge3A = arith.constant 0 : i32
        %ge3A_57 = vector.broadcast %ge3A : i32 to vector<16xi32>
        %ge3A_58 = arith.cmpi sge, %sub3A_56, %ge3A_57 : vector<16xi32>
        %lt3A = arith.constant 320 : i32
        %lt3A_59 = vector.broadcast %lt3A : i32 to vector<16xi32>
        %lt3A_60 = arith.cmpi slt, %sub3A_56, %lt3A_59 : vector<16xi32>
        %and3A = arith.andi %ge3A_58, %lt3A_60 : vector<16xi1>
        %jit3A = arith.constant 1 : i32
        %jit3A_61 = arith.constant 0 : i32
        %broadcast_in_dim3A = vector.broadcast %jit3A : i32 to vector<16xi32>
        %broadcast_in_dim3A_62 = vector.broadcast %jit3A_61 : i32 to vector<16xi32>
        %select_n3A = arith.select %and3A, %broadcast_in_dim3A, %broadcast_in_dim3A_62 : vector<16xi1>, vector<16xi32>
        %broadcast_in_dim3A_63 = arith.constant true
        %broadcast_in_dim3A_64 = vector.broadcast %broadcast_in_dim3A_63 : i1 to vector<16xi1>
        %masked_cumsum3A = tpu.scan <sum>, %select_n3A masked %broadcast_in_dim3A_64 : vector<16xi32>, vector<16xi1> -> vector<16xi32>
        %add3A_65 = vector.broadcast %scan3A_48 : i32 to vector<16xi32>
        %add3A_66 = arith.addi %add3A_65, %masked_cumsum3A : vector<16xi32>
        %sub3A_67 = arith.constant 1 : i32
        %sub3A_68 = vector.broadcast %sub3A_67 : i32 to vector<16xi32>
        %sub3A_69 = arith.subi %add3A_66, %sub3A_68 : vector<16xi32>
        tpu.vector_store_idx %arg8[%sub3A_69], %get3A_55 masked %and3A : memref<13056xf32, #tpu.memory_space<vmem>>[vector<16xi32>], vector<16xf32>, vector<16xi1>
        tpu.vector_store_idx %arg9[%sub3A_69], %sub3A_56 masked %and3A : memref<13056xi32, #tpu.memory_space<vmem>>[vector<16xi32>], vector<16xi32>, vector<16xi1>
        %slice3A = vector.extract_strided_slice %masked_cumsum3A {offsets = [15], sizes = [1], strides = [1]} : vector<16xi32> to vector<1xi32>
        %squeeze3A = vector.extract %slice3A[0] : i32 from vector<1xi32>
        %add3A_70 = arith.addi %scan3A_48, %squeeze3A : i32
        scf.yield %add3A_70 : i32
      }
      %scan3A_46 = arith.constant 125 : i32
      scf.yield %scan3A_45 : i32
    }
    %scan3A_15 = arith.constant 160 : i32
    %while3A = arith.constant 0 : i32
    %while3A_16 = arith.constant 0 : i32
    %while3A_17 = arith.subi %scan3A_14, %while3A : i32
    %while3A_18 = arith.addi %while3A, %while3A_17 : i32
    %while3A_19 = arith.constant 1 : i32
    %while3A_20 = arith.divsi %while3A_17, %while3A_19 : i32
    %while3A_21 = arith.muli %while3A_20, %while3A_19 : i32
    %while3A_22 = arith.addi %while3A, %while3A_21 : i32
    %while3A_23 = arith.constant 1 : i32
    %while3A_24 = scf.for %while3A_34 = %while3A to %while3A_22 step %while3A_23 iter_args(%while3A_35 = %while3A_16) -> (i32)  : i32 {
      %broadcast_in_dim3A = vector.broadcast %while3A_34 : i32 to vector<16xi32>
      %gather3A = tpu.vector_load_idx %arg8[%broadcast_in_dim3A] : memref<13056xf32, #tpu.memory_space<vmem>>[vector<16xi32>], vector<16xf32>,
      %broadcast_in_dim3A_36 = vector.broadcast %while3A_34 : i32 to vector<16xi32>
      %gather3A_37 = tpu.vector_load_idx %arg9[%broadcast_in_dim3A_36] : memref<13056xi32, #tpu.memory_space<vmem>>[vector<16xi32>], vector<16xi32>,
      %slice3A = vector.extract_strided_slice %gather3A_37 {offsets = [0], sizes = [1], strides = [1]} : vector<16xi32> to vector<1xi32>
      %squeeze3A = vector.extract %slice3A[0] : i32 from vector<1xi32>
      %get3A = arith.index_cast %squeeze3A : i32 to index
      %get3A_38 = arith.constant 0 : index
      %get3A_39 = tpu.vector_load %arg5[%get3A, %get3A_38] {strides = array<i32>} : memref<320x16xf32, #tpu.memory_space<vmem>>, vector<16xf32>,
      %max3A = arith.maximumf %get3A_39, %gather3A : vector<16xf32>
      %swap3A = arith.index_cast %squeeze3A : i32 to index
      %swap3A_40 = arith.constant 0 : index
      %swap3A_41 = tpu.vector_load %arg5[%swap3A, %swap3A_40] {strides = array<i32>} : memref<320x16xf32, #tpu.memory_space<vmem>>, vector<16xf32>,
      tpu.vector_store %arg5[%swap3A, %swap3A_40], %max3A {strides = array<i32>} : memref<320x16xf32, #tpu.memory_space<vmem>>, vector<16xf32>,
      %while3A_42 = arith.constant 0 : i32
      scf.yield %while3A_42 : i32
    }
    %while3A_25 = arith.constant 1 : i32
    %while3A_26 = scf.for %while3A_34 = %while3A_22 to %while3A_18 step %while3A_25 iter_args(%while3A_35 = %while3A_24) -> (i32)  : i32 {
      %broadcast_in_dim3A = vector.broadcast %while3A_34 : i32 to vector<16xi32>
      %gather3A = tpu.vector_load_idx %arg8[%broadcast_in_dim3A] : memref<13056xf32, #tpu.memory_space<vmem>>[vector<16xi32>], vector<16xf32>,
      %broadcast_in_dim3A_36 = vector.broadcast %while3A_34 : i32 to vector<16xi32>
      %gather3A_37 = tpu.vector_load_idx %arg9[%broadcast_in_dim3A_36] : memref<13056xi32, #tpu.memory_space<vmem>>[vector<16xi32>], vector<16xi32>,
      %slice3A = vector.extract_strided_slice %gather3A_37 {offsets = [0], sizes = [1], strides = [1]} : vector<16xi32> to vector<1xi32>
      %squeeze3A = vector.extract %slice3A[0] : i32 from vector<1xi32>
      %get3A = arith.index_cast %squeeze3A : i32 to index
      %get3A_38 = arith.constant 0 : index
      %get3A_39 = tpu.vector_load %arg5[%get3A, %get3A_38] {strides = array<i32>} : memref<320x16xf32, #tpu.memory_space<vmem>>, vector<16xf32>,
      %max3A = arith.maximumf %get3A_39, %gather3A : vector<16xf32>
      %swap3A = arith.index_cast %squeeze3A : i32 to index
      %swap3A_40 = arith.constant 0 : index
      %swap3A_41 = tpu.vector_load %arg5[%swap3A, %swap3A_40] {strides = array<i32>} : memref<320x16xf32, #tpu.memory_space<vmem>>, vector<16xf32>,
      tpu.vector_store %arg5[%swap3A, %swap3A_40], %max3A {strides = array<i32>} : memref<320x16xf32, #tpu.memory_space<vmem>>, vector<16xf32>,
      %while3A_42 = arith.constant 0 : i32
      scf.yield %while3A_42 : i32
    }
    %scan3A_27 = arith.constant 0 : i32
    %scan3A_28 = arith.constant 0 : i32
    %scan3A_29 = arith.constant 20 : i32
    %scan3A_30 = arith.addi %scan3A_28, %scan3A_29 : i32
    %scan3A_31 = arith.constant 1 : i32
    %scan3A_32 = scf.for %scan3A_34 = %scan3A_28 to %scan3A_30 step %scan3A_31 iter_args(%scan3A_35 = %scan3A_27) -> (i32)  : i32 {
      %mul3A_36 = arith.constant 16 : i32
      %mul3A_37 = arith.muli %scan3A_34, %mul3A_36 : i32
      %add3A_38 = vector.broadcast %mul3A_37 : i32 to vector<16xi32>
      %add3A_39 = arith.addi %add3A_38, %iota3A : vector<16xi32>
      %broadcast_in_dim3A = arith.constant 0 : i32
      %broadcast_in_dim3A_40 = vector.broadcast %broadcast_in_dim3A : i32 to vector<16xi32>
      %gather3A = tpu.vector_load_idx %arg5[%add3A_39, %broadcast_in_dim3A_40] : memref<320x16xf32, #tpu.memory_space<vmem>>[vector<16xi32>, vector<16xi32>], vector<16xf32>,
      %swap3A = arith.index_cast %mul3A_37 : i32 to index
      %swap3A_41 = tpu.vector_load %arg10[%swap3A] {strides = array<i32>} : memref<320xf32, #tpu.memory_space<vmem>>, vector<16xf32>,
      tpu.vector_store %arg10[%swap3A], %gather3A {strides = array<i32>} : memref<320xf32, #tpu.memory_space<vmem>>, vector<16xf32>,
      %scan3A_42 = arith.constant 0 : i32
      scf.yield %scan3A_42 : i32
    }
    %scan3A_33 = arith.constant 20 : i32
    "tpu.region"() ({
      %run_scoped3A = tpu.sem_alloc : memref<!tpu.dma_semaphore, #tpu.memory_space<semaphore_mem>>
      %dma_start3A = tpu.memref_slice %arg4[%mul3A_2] : memref<10240xf32, #tpu.memory_space<hbm>> -> memref<320xf32, #tpu.memory_space<hbm>>
      %dma_start3A_34 = tpu.memref_slice %arg4[%mul3A_2] : memref<10240xf32, #tpu.memory_space<hbm>> -> memref<320xf32, #tpu.memory_space<hbm>>
      tpu.enqueue_dma source(%arg10 : memref<320xf32, #tpu.memory_space<vmem>>) target(%dma_start3A_34 : memref<320xf32, #tpu.memory_space<hbm>>) target_semaphore(%run_scoped3A : memref<!tpu.dma_semaphore, #tpu.memory_space<semaphore_mem>>)
      %dma_wait3A = tpu.memref_slice %arg4[%mul3A_2] : memref<10240xf32, #tpu.memory_space<hbm>> -> memref<320xf32, #tpu.memory_space<hbm>>
      %dma_wait3A_35 = tpu.memref_slice %arg4[%mul3A_2] : memref<10240xf32, #tpu.memory_space<hbm>> -> memref<320xf32, #tpu.memory_space<hbm>>
      tpu.wait_dma2 semaphore(%run_scoped3A : memref<!tpu.dma_semaphore, #tpu.memory_space<semaphore_mem>>) src(%arg10 : memref<320xf32, #tpu.memory_space<vmem>>) dst(%dma_wait3A_35 : memref<320xf32, #tpu.memory_space<hbm>>)
      tpu.yield
    }) : () -> ()
    return
  }
}

#map = affine_map<(d0, d1) -> (0)>
module attributes {stable_mosaic.version = 14 : i64} {
  func.func @gsum_k(%arg0: i32, %arg1: i32, %arg2: memref<10000xf32, #tpu.memory_space<hbm>>, %arg3: memref<320000xi32, #tpu.memory_space<hbm>>, %arg4: memref<320000xf32, #tpu.memory_space<hbm>>, %arg5: memref<10000xf32, #tpu.memory_space<vmem>>, %arg6: memref<10000xi32, #tpu.memory_space<vmem>>, %arg7: memref<10000xf32, #tpu.memory_space<vmem>>) attributes {dimension_semantics = [#tpu.dimension_semantics<core_parallel>, #tpu.dimension_semantics<subcore_parallel>], iteration_bounds = array<i64: 2, 16>, scalar_prefetch = 0 : i64, scratch_operands = 3 : i64, tpu.core_type = #tpu.core_type<sc_vector_subcore>, window_params = [{transform_indices = #map}, {transform_indices = #map}, {transform_indices = #map}]} {
    %mul3A = arith.constant 16 : i32
    %mul3A_0 = arith.muli %arg0, %mul3A : i32
    %add3A = arith.addi %mul3A_0, %arg1 : i32
    %mul3A_1 = arith.constant 10000 : i32
    %mul3A_2 = arith.muli %add3A, %mul3A_1 : i32
    "tpu.region"() ({
      %run_scoped3A = tpu.sem_alloc : memref<!tpu.dma_semaphore, #tpu.memory_space<semaphore_mem>>
      tpu.enqueue_dma source(%arg2 : memref<10000xf32, #tpu.memory_space<hbm>>) target(%arg5 : memref<10000xf32, #tpu.memory_space<vmem>>) target_semaphore(%run_scoped3A : memref<!tpu.dma_semaphore, #tpu.memory_space<semaphore_mem>>)
      tpu.wait_dma2 semaphore(%run_scoped3A : memref<!tpu.dma_semaphore, #tpu.memory_space<semaphore_mem>>) src(%arg2 : memref<10000xf32, #tpu.memory_space<hbm>>) dst(%arg5 : memref<10000xf32, #tpu.memory_space<vmem>>)
      tpu.yield
    }) : () -> ()
    "tpu.region"() ({
      %run_scoped3A = tpu.sem_alloc : memref<!tpu.dma_semaphore, #tpu.memory_space<semaphore_mem>>
      %dma_start3A = tpu.memref_slice %arg3[%mul3A_2] : memref<320000xi32, #tpu.memory_space<hbm>> -> memref<10000xi32, #tpu.memory_space<hbm>>
      %dma_start3A_9 = tpu.memref_slice %arg3[%mul3A_2] : memref<320000xi32, #tpu.memory_space<hbm>> -> memref<10000xi32, #tpu.memory_space<hbm>>
      tpu.enqueue_dma source(%dma_start3A_9 : memref<10000xi32, #tpu.memory_space<hbm>>) target(%arg6 : memref<10000xi32, #tpu.memory_space<vmem>>) target_semaphore(%run_scoped3A : memref<!tpu.dma_semaphore, #tpu.memory_space<semaphore_mem>>)
      %dma_wait3A = tpu.memref_slice %arg3[%mul3A_2] : memref<320000xi32, #tpu.memory_space<hbm>> -> memref<10000xi32, #tpu.memory_space<hbm>>
      %dma_wait3A_10 = tpu.memref_slice %arg3[%mul3A_2] : memref<320000xi32, #tpu.memory_space<hbm>> -> memref<10000xi32, #tpu.memory_space<hbm>>
      tpu.wait_dma2 semaphore(%run_scoped3A : memref<!tpu.dma_semaphore, #tpu.memory_space<semaphore_mem>>) src(%dma_wait3A_10 : memref<10000xi32, #tpu.memory_space<hbm>>) dst(%arg6 : memref<10000xi32, #tpu.memory_space<vmem>>)
      tpu.yield
    }) : () -> ()
    %scan3A = arith.constant 0 : i32
    %scan3A_3 = arith.constant 0 : i32
    %scan3A_4 = arith.constant 625 : i32
    %scan3A_5 = arith.addi %scan3A_3, %scan3A_4 : i32
    %scan3A_6 = arith.constant 1 : i32
    %scan3A_7 = scf.for %scan3A_9 = %scan3A_3 to %scan3A_5 step %scan3A_6 iter_args(%scan3A_10 = %scan3A) -> (i32)  : i32 {
      %mul3A_11 = arith.constant 16 : i32
      %mul3A_12 = arith.muli %scan3A_9, %mul3A_11 : i32
      %get3A = arith.index_cast %mul3A_12 : i32 to index
      %get3A_13 = tpu.vector_load %arg6[%get3A] {strides = array<i32>} : memref<10000xi32, #tpu.memory_space<vmem>>, vector<16xi32>,
      %gather3A = tpu.vector_load_idx %arg5[%get3A_13] : memref<10000xf32, #tpu.memory_space<vmem>>[vector<16xi32>], vector<16xf32>,
      %mul3A_14 = arith.constant 16 : i32
      %mul3A_15 = arith.muli %scan3A_9, %mul3A_14 : i32
      %swap3A = arith.index_cast %mul3A_15 : i32 to index
      %swap3A_16 = tpu.vector_load %arg7[%swap3A] {strides = array<i32>} : memref<10000xf32, #tpu.memory_space<vmem>>, vector<16xf32>,
      tpu.vector_store %arg7[%swap3A], %gather3A {strides = array<i32>} : memref<10000xf32, #tpu.memory_space<vmem>>, vector<16xf32>,
      %scan3A_17 = arith.constant 0 : i32
      scf.yield %scan3A_17 : i32
    }
    %scan3A_8 = arith.constant 625 : i32
    "tpu.region"() ({
      %run_scoped3A = tpu.sem_alloc : memref<!tpu.dma_semaphore, #tpu.memory_space<semaphore_mem>>
      %dma_start3A = tpu.memref_slice %arg4[%mul3A_2] : memref<320000xf32, #tpu.memory_space<hbm>> -> memref<10000xf32, #tpu.memory_space<hbm>>
      %dma_start3A_9 = tpu.memref_slice %arg4[%mul3A_2] : memref<320000xf32, #tpu.memory_space<hbm>> -> memref<10000xf32, #tpu.memory_space<hbm>>
      tpu.enqueue_dma source(%arg7 : memref<10000xf32, #tpu.memory_space<vmem>>) target(%dma_start3A_9 : memref<10000xf32, #tpu.memory_space<hbm>>) target_semaphore(%run_scoped3A : memref<!tpu.dma_semaphore, #tpu.memory_space<semaphore_mem>>)
      %dma_wait3A = tpu.memref_slice %arg4[%mul3A_2] : memref<320000xf32, #tpu.memory_space<hbm>> -> memref<10000xf32, #tpu.memory_space<hbm>>
      %dma_wait3A_10 = tpu.memref_slice %arg4[%mul3A_2] : memref<320000xf32, #tpu.memory_space<hbm>> -> memref<10000xf32, #tpu.memory_space<hbm>>
      tpu.wait_dma2 semaphore(%run_scoped3A : memref<!tpu.dma_semaphore, #tpu.memory_space<semaphore_mem>>) src(%arg7 : memref<10000xf32, #tpu.memory_space<vmem>>) dst(%dma_wait3A_10 : memref<10000xf32, #tpu.memory_space<hbm>>)
      tpu.yield
    }) : () -> ()
    return
  }
}

#map = affine_map<(d0, d1) -> (0)>
#map1 = affine_map<(d0, d1) -> (0, 0)>
module attributes {stable_mosaic.version = 14 : i64} {
  func.func @wk(%arg0: i32, %arg1: i32, %arg2: memref<320000xi32, #tpu.memory_space<hbm>>, %arg3: memref<320000xf32, #tpu.memory_space<hbm>>, %arg4: memref<320000x128xf32, #tpu.memory_space<hbm>>, %arg5: memref<10240x128xf32, #tpu.memory_space<hbm>>, %arg6: memref<10240x128xf32, #tpu.memory_space<hbm>>, %arg7: memref<320x128xf32, #tpu.memory_space<vmem>>, %arg8: memref<2000xi32, #tpu.memory_space<vmem>>, %arg9: memref<13056xi32, #tpu.memory_space<vmem>>, %arg10: memref<13056xi32, #tpu.memory_space<vmem>>, %arg11: memref<64x128xf32, #tpu.memory_space<vmem>>, %arg12: memref<80xf32, #tpu.memory_space<vmem>>, %arg13: memref<!tpu.dma_semaphore, #tpu.memory_space<semaphore_mem>>, %arg14: memref<!tpu.dma_semaphore, #tpu.memory_space<semaphore_mem>>) attributes {dimension_semantics = [#tpu.dimension_semantics<core_parallel>, #tpu.dimension_semantics<subcore_parallel>], iteration_bounds = array<i64: 2, 16>, scalar_prefetch = 0 : i64, scratch_operands = 8 : i64, tpu.core_type = #tpu.core_type<sc_vector_subcore>, window_params = [{transform_indices = #map}, {transform_indices = #map}, {transform_indices = #map1}, {transform_indices = #map1}, {transform_indices = #map1}]} {
    %mul3A = arith.constant 16 : i32
    %mul3A_0 = arith.muli %arg0, %mul3A : i32
    %add3A = arith.addi %mul3A_0, %arg1 : i32
    %mul3A_1 = arith.constant 320 : i32
    %mul3A_2 = arith.muli %add3A, %mul3A_1 : i32
    %iota3A = tpu.iota {dimensions = array<i32: 0>} : vector<16xi32>
    "tpu.region"() ({
      %run_scoped3A = tpu.sem_alloc : memref<!tpu.dma_semaphore, #tpu.memory_space<semaphore_mem>>
      %dma_start3A = arith.constant 0 : i32
      %dma_start3A_52 = tpu.memref_slice %arg5[%mul3A_2, %dma_start3A] : memref<10240x128xf32, #tpu.memory_space<hbm>> -> memref<320x128xf32, #tpu.memory_space<hbm>>
      %dma_start3A_53 = arith.constant 0 : i32
      %dma_start3A_54 = tpu.memref_slice %arg5[%mul3A_2, %dma_start3A_53] : memref<10240x128xf32, #tpu.memory_space<hbm>> -> memref<320x128xf32, #tpu.memory_space<hbm>>
      tpu.enqueue_dma source(%dma_start3A_54 : memref<320x128xf32, #tpu.memory_space<hbm>>) target(%arg7 : memref<320x128xf32, #tpu.memory_space<vmem>>) target_semaphore(%run_scoped3A : memref<!tpu.dma_semaphore, #tpu.memory_space<semaphore_mem>>)
      %dma_wait3A = arith.constant 0 : i32
      %dma_wait3A_55 = tpu.memref_slice %arg5[%mul3A_2, %dma_wait3A] : memref<10240x128xf32, #tpu.memory_space<hbm>> -> memref<320x128xf32, #tpu.memory_space<hbm>>
      %dma_wait3A_56 = arith.constant 0 : i32
      %dma_wait3A_57 = tpu.memref_slice %arg5[%mul3A_2, %dma_wait3A_56] : memref<10240x128xf32, #tpu.memory_space<hbm>> -> memref<320x128xf32, #tpu.memory_space<hbm>>
      tpu.wait_dma2 semaphore(%run_scoped3A : memref<!tpu.dma_semaphore, #tpu.memory_space<semaphore_mem>>) src(%dma_wait3A_57 : memref<320x128xf32, #tpu.memory_space<hbm>>) dst(%arg7 : memref<320x128xf32, #tpu.memory_space<vmem>>)
      tpu.yield
    }) : () -> ()
    %scan3A = arith.constant 0 : i32
    %scan3A_3 = arith.constant 0 : i32
    %scan3A_4 = arith.constant 160 : i32
    %scan3A_5 = arith.addi %scan3A_3, %scan3A_4 : i32
    %scan3A_6 = arith.constant 1 : i32
    %scan3A_7 = scf.for %scan3A_52 = %scan3A_3 to %scan3A_5 step %scan3A_6 iter_args(%scan3A_53 = %scan3A) -> (i32)  : i32 {
      %min3A = arith.constant 11040 : i32
      %min3A_54 = arith.minsi %scan3A_53, %min3A : i32
      %mul3A_55 = arith.constant 2000 : i32
      %mul3A_56 = arith.muli %scan3A_52, %mul3A_55 : i32
      "tpu.region"() ({
        %run_scoped3A = tpu.sem_alloc : memref<!tpu.dma_semaphore, #tpu.memory_space<semaphore_mem>>
        %dma_start3A = tpu.memref_slice %arg2[%mul3A_56] : memref<320000xi32, #tpu.memory_space<hbm>> -> memref<2000xi32, #tpu.memory_space<hbm>>
        %dma_start3A_63 = tpu.memref_slice %arg2[%mul3A_56] : memref<320000xi32, #tpu.memory_space<hbm>> -> memref<2000xi32, #tpu.memory_space<hbm>>
        tpu.enqueue_dma source(%dma_start3A_63 : memref<2000xi32, #tpu.memory_space<hbm>>) target(%arg8 : memref<2000xi32, #tpu.memory_space<vmem>>) target_semaphore(%run_scoped3A : memref<!tpu.dma_semaphore, #tpu.memory_space<semaphore_mem>>)
        %dma_wait3A = tpu.memref_slice %arg2[%mul3A_56] : memref<320000xi32, #tpu.memory_space<hbm>> -> memref<2000xi32, #tpu.memory_space<hbm>>
        %dma_wait3A_64 = tpu.memref_slice %arg2[%mul3A_56] : memref<320000xi32, #tpu.memory_space<hbm>> -> memref<2000xi32, #tpu.memory_space<hbm>>
        tpu.wait_dma2 semaphore(%run_scoped3A : memref<!tpu.dma_semaphore, #tpu.memory_space<semaphore_mem>>) src(%dma_wait3A_64 : memref<2000xi32, #tpu.memory_space<hbm>>) dst(%arg8 : memref<2000xi32, #tpu.memory_space<vmem>>)
        tpu.yield
      }) : () -> ()
      %scan3A_57 = arith.constant 0 : i32
      %scan3A_58 = arith.constant 125 : i32
      %scan3A_59 = arith.addi %scan3A_57, %scan3A_58 : i32
      %scan3A_60 = arith.constant 1 : i32
      %scan3A_61 = scf.for %scan3A_63 = %scan3A_57 to %scan3A_59 step %scan3A_60 iter_args(%scan3A_64 = %min3A_54) -> (i32)  : i32 {
        %mul3A_65 = arith.constant 16 : i32
        %mul3A_66 = arith.muli %scan3A_63, %mul3A_65 : i32
        %get3A = arith.index_cast %mul3A_66 : i32 to index
        %get3A_67 = tpu.vector_load %arg8[%get3A] {strides = array<i32>} : memref<2000xi32, #tpu.memory_space<vmem>>, vector<16xi32>,
        %sub3A = vector.broadcast %mul3A_2 : i32 to vector<16xi32>
        %sub3A_68 = arith.subi %get3A_67, %sub3A : vector<16xi32>
        %ge3A = arith.constant 0 : i32
        %ge3A_69 = vector.broadcast %ge3A : i32 to vector<16xi32>
        %ge3A_70 = arith.cmpi sge, %sub3A_68, %ge3A_69 : vector<16xi32>
        %lt3A = arith.constant 320 : i32
        %lt3A_71 = vector.broadcast %lt3A : i32 to vector<16xi32>
        %lt3A_72 = arith.cmpi slt, %sub3A_68, %lt3A_71 : vector<16xi32>
        %and3A = arith.andi %ge3A_70, %lt3A_72 : vector<16xi1>
        %mul3A_73 = arith.constant 2000 : i32
        %mul3A_74 = arith.muli %scan3A_52, %mul3A_73 : i32
        %mul3A_75 = arith.constant 16 : i32
        %mul3A_76 = arith.muli %scan3A_63, %mul3A_75 : i32
        %add3A_77 = arith.addi %mul3A_74, %mul3A_76 : i32
        %add3A_78 = vector.broadcast %add3A_77 : i32 to vector<16xi32>
        %add3A_79 = arith.addi %add3A_78, %iota3A : vector<16xi32>
        %jit3A = arith.constant 1 : i32
        %jit3A_80 = arith.constant 0 : i32
        %broadcast_in_dim3A_81 = vector.broadcast %jit3A : i32 to vector<16xi32>
        %broadcast_in_dim3A_82 = vector.broadcast %jit3A_80 : i32 to vector<16xi32>
        %select_n3A = arith.select %and3A, %broadcast_in_dim3A_81, %broadcast_in_dim3A_82 : vector<16xi1>, vector<16xi32>
        %broadcast_in_dim3A_83 = arith.constant true
        %broadcast_in_dim3A_84 = vector.broadcast %broadcast_in_dim3A_83 : i1 to vector<16xi1>
        %masked_cumsum3A = tpu.scan <sum>, %select_n3A masked %broadcast_in_dim3A_84 : vector<16xi32>, vector<16xi1> -> vector<16xi32>
        %add3A_85 = vector.broadcast %scan3A_64 : i32 to vector<16xi32>
        %add3A_86 = arith.addi %add3A_85, %masked_cumsum3A : vector<16xi32>
        %sub3A_87 = arith.constant 1 : i32
        %sub3A_88 = vector.broadcast %sub3A_87 : i32 to vector<16xi32>
        %sub3A_89 = arith.subi %add3A_86, %sub3A_88 : vector<16xi32>
        tpu.vector_store_idx %arg9[%sub3A_89], %add3A_79 masked %and3A : memref<13056xi32, #tpu.memory_space<vmem>>[vector<16xi32>], vector<16xi32>, vector<16xi1>
        tpu.vector_store_idx %arg10[%sub3A_89], %sub3A_68 masked %and3A : memref<13056xi32, #tpu.memory_space<vmem>>[vector<16xi32>], vector<16xi32>, vector<16xi1>
        %slice3A = vector.extract_strided_slice %masked_cumsum3A {offsets = [15], sizes = [1], strides = [1]} : vector<16xi32> to vector<1xi32>
        %squeeze3A = vector.extract %slice3A[0] : i32 from vector<1xi32>
        %add3A_90 = arith.addi %scan3A_64, %squeeze3A : i32
        scf.yield %add3A_90 : i32
      }
      %scan3A_62 = arith.constant 125 : i32
      scf.yield %scan3A_61 : i32
    }
    %scan3A_8 = arith.constant 160 : i32
    %add3A_9 = arith.constant 0 : i32
    %add3A_10 = arith.addi %scan3A_7, %add3A_9 : i32
    %add3A_11 = vector.broadcast %add3A_10 : i32 to vector<16xi32>
    %add3A_12 = arith.addi %add3A_11, %iota3A : vector<16xi32>
    %broadcast_in_dim3A = arith.constant 0 : i32
    %broadcast_in_dim3A_13 = vector.broadcast %broadcast_in_dim3A : i32 to vector<16xi32>
    tpu.vector_store_idx %arg9[%add3A_12], %broadcast_in_dim3A_13 : memref<13056xi32, #tpu.memory_space<vmem>>[vector<16xi32>], vector<16xi32>,
    %add3A_14 = arith.constant 16 : i32
    %add3A_15 = arith.addi %scan3A_7, %add3A_14 : i32
    %add3A_16 = vector.broadcast %add3A_15 : i32 to vector<16xi32>
    %add3A_17 = arith.addi %add3A_16, %iota3A : vector<16xi32>
    %broadcast_in_dim3A_18 = arith.constant 0 : i32
    %broadcast_in_dim3A_19 = vector.broadcast %broadcast_in_dim3A_18 : i32 to vector<16xi32>
    tpu.vector_store_idx %arg9[%add3A_17], %broadcast_in_dim3A_19 : memref<13056xi32, #tpu.memory_space<vmem>>[vector<16xi32>], vector<16xi32>,
    %add3A_20 = arith.constant 32 : i32
    %add3A_21 = arith.addi %scan3A_7, %add3A_20 : i32
    %add3A_22 = vector.broadcast %add3A_21 : i32 to vector<16xi32>
    %add3A_23 = arith.addi %add3A_22, %iota3A : vector<16xi32>
    %broadcast_in_dim3A_24 = arith.constant 0 : i32
    %broadcast_in_dim3A_25 = vector.broadcast %broadcast_in_dim3A_24 : i32 to vector<16xi32>
    tpu.vector_store_idx %arg9[%add3A_23], %broadcast_in_dim3A_25 : memref<13056xi32, #tpu.memory_space<vmem>>[vector<16xi32>], vector<16xi32>,
    %add3A_26 = arith.constant 48 : i32
    %add3A_27 = arith.addi %scan3A_7, %add3A_26 : i32
    %add3A_28 = vector.broadcast %add3A_27 : i32 to vector<16xi32>
    %add3A_29 = arith.addi %add3A_28, %iota3A : vector<16xi32>
    %broadcast_in_dim3A_30 = arith.constant 0 : i32
    %broadcast_in_dim3A_31 = vector.broadcast %broadcast_in_dim3A_30 : i32 to vector<16xi32>
    tpu.vector_store_idx %arg9[%add3A_29], %broadcast_in_dim3A_31 : memref<13056xi32, #tpu.memory_space<vmem>>[vector<16xi32>], vector<16xi32>,
    %add3A_32 = arith.constant 64 : i32
    %add3A_33 = arith.addi %scan3A_7, %add3A_32 : i32
    %add3A_34 = vector.broadcast %add3A_33 : i32 to vector<16xi32>
    %add3A_35 = arith.addi %add3A_34, %iota3A : vector<16xi32>
    %broadcast_in_dim3A_36 = arith.constant 0 : i32
    %broadcast_in_dim3A_37 = vector.broadcast %broadcast_in_dim3A_36 : i32 to vector<16xi32>
    tpu.vector_store_idx %arg9[%add3A_35], %broadcast_in_dim3A_37 : memref<13056xi32, #tpu.memory_space<vmem>>[vector<16xi32>], vector<16xi32>,
    %add3A_38 = arith.constant 63 : i32
    %add3A_39 = arith.addi %scan3A_7, %add3A_38 : i32
    %div3A = arith.constant 64 : i32
    %div3A_40 = arith.divsi %add3A_39, %div3A : i32
    %while3A = arith.constant 0 : i32
    %while3A_41 = arith.constant 0 : i32
    %while3A_42 = arith.subi %div3A_40, %while3A : i32
    %while3A_43 = arith.addi %while3A, %while3A_42 : i32
    %while3A_44 = arith.constant 1 : i32
    %while3A_45 = arith.divsi %while3A_42, %while3A_44 : i32
    %while3A_46 = arith.muli %while3A_45, %while3A_44 : i32
    %while3A_47 = arith.addi %while3A, %while3A_46 : i32
    %while3A_48 = arith.constant 1 : i32
    %while3A_49 = scf.for %while3A_52 = %while3A to %while3A_47 step %while3A_48 iter_args(%while3A_53 = %while3A_41) -> (i32)  : i32 {
      %mul3A_54 = arith.constant 64 : i32
      %mul3A_55 = arith.muli %while3A_52, %mul3A_54 : i32
      %dma_start3A = tpu.memref_slice %arg9[%mul3A_55] : memref<13056xi32, #tpu.memory_space<vmem>> -> memref<64xi32, #tpu.memory_space<vmem>>
      %dma_start3A_56 = arith.constant 0 : i32
      %dma_start3A_57 = arith.constant 0 : i32
      %dma_start3A_58 = tpu.memref_slice %arg4[%dma_start3A_56, %dma_start3A_57] : memref<320000x128xf32, #tpu.memory_space<hbm>> -> memref<320000x128xf32, #tpu.memory_space<hbm>>
      tpu.enqueue_indirect_dma source(%dma_start3A_58 : memref<320000x128xf32, #tpu.memory_space<hbm>>) target(%arg11 : memref<64x128xf32, #tpu.memory_space<vmem>>) offsets(%dma_start3A : memref<64xi32, #tpu.memory_space<vmem>>) semaphore(%arg13 : memref<!tpu.dma_semaphore, #tpu.memory_space<semaphore_mem>>)
      %dma_start3A_59 = arith.constant 0 : i32
      %dma_start3A_60 = tpu.memref_slice %arg12[%dma_start3A_59] : memref<80xf32, #tpu.memory_space<vmem>> -> memref<64xf32, #tpu.memory_space<vmem>>
      %dma_start3A_61 = tpu.memref_slice %arg9[%mul3A_55] : memref<13056xi32, #tpu.memory_space<vmem>> -> memref<64xi32, #tpu.memory_space<vmem>>
      %dma_start3A_62 = arith.constant 0 : i32
      %dma_start3A_63 = tpu.memref_slice %arg3[%dma_start3A_62] : memref<320000xf32, #tpu.memory_space<hbm>> -> memref<320000xf32, #tpu.memory_space<hbm>>
      tpu.enqueue_indirect_dma source(%dma_start3A_63 : memref<320000xf32, #tpu.memory_space<hbm>>) target(%dma_start3A_60 : memref<64xf32, #tpu.memory_space<vmem>>) offsets(%dma_start3A_61 : memref<64xi32, #tpu.memory_space<vmem>>) semaphore(%arg14 : memref<!tpu.dma_semaphore, #tpu.memory_space<semaphore_mem>>)
      %dma_wait3A = tpu.memref_slice %arg9[%mul3A_55] : memref<13056xi32, #tpu.memory_space<vmem>> -> memref<64xi32, #tpu.memory_space<vmem>>
      %dma_wait3A_64 = arith.constant 0 : i32
      %dma_wait3A_65 = arith.constant 0 : i32
      %dma_wait3A_66 = tpu.memref_slice %arg4[%dma_wait3A_64, %dma_wait3A_65] : memref<320000x128xf32, #tpu.memory_space<hbm>> -> memref<320000x128xf32, #tpu.memory_space<hbm>>
      tpu.wait_indirect_dma semaphore(%arg13 : memref<!tpu.dma_semaphore, #tpu.memory_space<semaphore_mem>>) src(%dma_wait3A_66 : memref<320000x128xf32, #tpu.memory_space<hbm>>) dst(%arg11 : memref<64x128xf32, #tpu.memory_space<vmem>>)
      %dma_wait3A_67 = arith.constant 0 : i32
      %dma_wait3A_68 = tpu.memref_slice %arg12[%dma_wait3A_67] : memref<80xf32, #tpu.memory_space<vmem>> -> memref<64xf32, #tpu.memory_space<vmem>>
      %dma_wait3A_69 = tpu.memref_slice %arg9[%mul3A_55] : memref<13056xi32, #tpu.memory_space<vmem>> -> memref<64xi32, #tpu.memory_space<vmem>>
      %dma_wait3A_70 = arith.constant 0 : i32
      %dma_wait3A_71 = tpu.memref_slice %arg3[%dma_wait3A_70] : memref<320000xf32, #tpu.memory_space<hbm>> -> memref<320000xf32, #tpu.memory_space<hbm>>
      tpu.wait_indirect_dma semaphore(%arg14 : memref<!tpu.dma_semaphore, #tpu.memory_space<semaphore_mem>>) src(%dma_wait3A_71 : memref<320000xf32, #tpu.memory_space<hbm>>) dst(%dma_wait3A_68 : memref<64xf32, #tpu.memory_space<vmem>>)
      %sub3A = arith.subi %scan3A_7, %mul3A_55 : i32
      %min3A = arith.constant 64 : i32
      %min3A_72 = arith.minsi %sub3A, %min3A : i32
      %while3A_73 = arith.constant 0 : i32
      %while3A_74 = arith.constant 0 : i32
      %while3A_75 = arith.subi %min3A_72, %while3A_73 : i32
      %while3A_76 = arith.addi %while3A_73, %while3A_75 : i32
      %while3A_77 = arith.constant 1 : i32
      %while3A_78 = arith.divsi %while3A_75, %while3A_77 : i32
      %while3A_79 = arith.muli %while3A_78, %while3A_77 : i32
      %while3A_80 = arith.addi %while3A_73, %while3A_79 : i32
      %while3A_81 = arith.constant 1 : i32
      %while3A_82 = scf.for %while3A_86 = %while3A_73 to %while3A_80 step %while3A_81 iter_args(%while3A_87 = %while3A_74) -> (i32)  : i32 {
        %broadcast_in_dim3A_88 = vector.broadcast %while3A_86 : i32 to vector<16xi32>
        %gather3A = tpu.vector_load_idx %arg12[%broadcast_in_dim3A_88] : memref<80xf32, #tpu.memory_space<vmem>>[vector<16xi32>], vector<16xf32>,
        %add3A_89 = arith.addi %mul3A_55, %while3A_86 : i32
        %broadcast_in_dim3A_90 = vector.broadcast %add3A_89 : i32 to vector<16xi32>
        %gather3A_91 = tpu.vector_load_idx %arg10[%broadcast_in_dim3A_90] : memref<13056xi32, #tpu.memory_space<vmem>>[vector<16xi32>], vector<16xi32>,
        %slice3A = vector.extract_strided_slice %gather3A_91 {offsets = [0], sizes = [1], strides = [1]} : vector<16xi32> to vector<1xi32>
        %squeeze3A = vector.extract %slice3A[0] : i32 from vector<1xi32>
        %get3A = arith.index_cast %while3A_86 : i32 to index
        %get3A_92 = arith.constant 0 : index
        %get3A_93 = tpu.vector_load %arg11[%get3A, %get3A_92] {strides = array<i32>} : memref<64x128xf32, #tpu.memory_space<vmem>>, vector<16xf32>,
        %mul3A_94 = arith.mulf %gather3A, %get3A_93 : vector<16xf32>
        %get3A_95 = arith.index_cast %squeeze3A : i32 to index
        %get3A_96 = arith.constant 0 : index
        %get3A_97 = tpu.vector_load %arg7[%get3A_95, %get3A_96] {strides = array<i32>} : memref<320x128xf32, #tpu.memory_space<vmem>>, vector<16xf32>,
        %add3A_98 = arith.addf %get3A_97, %mul3A_94 : vector<16xf32>
        %swap3A = arith.index_cast %squeeze3A : i32 to index
        %swap3A_99 = arith.constant 0 : index
        %swap3A_100 = tpu.vector_load %arg7[%swap3A, %swap3A_99] {strides = array<i32>} : memref<320x128xf32, #tpu.memory_space<vmem>>, vector<16xf32>,
        tpu.vector_store %arg7[%swap3A, %swap3A_99], %add3A_98 {strides = array<i32>} : memref<320x128xf32, #tpu.memory_space<vmem>>, vector<16xf32>,
        %get3A_101 = arith.index_cast %while3A_86 : i32 to index
        %get3A_102 = arith.constant 16 : index
        %get3A_103 = tpu.vector_load %arg11[%get3A_101, %get3A_102] {strides = array<i32>} : memref<64x128xf32, #tpu.memory_space<vmem>>, vector<16xf32>,
        %mul3A_104 = arith.mulf %gather3A, %get3A_103 : vector<16xf32>
        %get3A_105 = arith.index_cast %squeeze3A : i32 to index
        %get3A_106 = arith.constant 16 : index
        %get3A_107 = tpu.vector_load %arg7[%get3A_105, %get3A_106] {strides = array<i32>} : memref<320x128xf32, #tpu.memory_space<vmem>>, vector<16xf32>,
        %add3A_108 = arith.addf %get3A_107, %mul3A_104 : vector<16xf32>
        %swap3A_109 = arith.index_cast %squeeze3A : i32 to index
        %swap3A_110 = arith.constant 16 : index
        %swap3A_111 = tpu.vector_load %arg7[%swap3A_109, %swap3A_110] {strides = array<i32>} : memref<320x128xf32, #tpu.memory_space<vmem>>, vector<16xf32>,
        tpu.vector_store %arg7[%swap3A_109, %swap3A_110], %add3A_108 {strides = array<i32>} : memref<320x128xf32, #tpu.memory_space<vmem>>, vector<16xf32>,
        %get3A_112 = arith.index_cast %while3A_86 : i32 to index
        %get3A_113 = arith.constant 32 : index
        %get3A_114 = tpu.vector_load %arg11[%get3A_112, %get3A_113] {strides = array<i32>} : memref<64x128xf32, #tpu.memory_space<vmem>>, vector<16xf32>,
        %mul3A_115 = arith.mulf %gather3A, %get3A_114 : vector<16xf32>
        %get3A_116 = arith.index_cast %squeeze3A : i32 to index
        %get3A_117 = arith.constant 32 : index
        %get3A_118 = tpu.vector_load %arg7[%get3A_116, %get3A_117] {strides = array<i32>} : memref<320x128xf32, #tpu.memory_space<vmem>>, vector<16xf32>,
        %add3A_119 = arith.addf %get3A_118, %mul3A_115 : vector<16xf32>
        %swap3A_120 = arith.index_cast %squeeze3A : i32 to index
        %swap3A_121 = arith.constant 32 : index
        %swap3A_122 = tpu.vector_load %arg7[%swap3A_120, %swap3A_121] {strides = array<i32>} : memref<320x128xf32, #tpu.memory_space<vmem>>, vector<16xf32>,
        tpu.vector_store %arg7[%swap3A_120, %swap3A_121], %add3A_119 {strides = array<i32>} : memref<320x128xf32, #tpu.memory_space<vmem>>, vector<16xf32>,
        %get3A_123 = arith.index_cast %while3A_86 : i32 to index
        %get3A_124 = arith.constant 48 : index
        %get3A_125 = tpu.vector_load %arg11[%get3A_123, %get3A_124] {strides = array<i32>} : memref<64x128xf32, #tpu.memory_space<vmem>>, vector<16xf32>,
        %mul3A_126 = arith.mulf %gather3A, %get3A_125 : vector<16xf32>
        %get3A_127 = arith.index_cast %squeeze3A : i32 to index
        %get3A_128 = arith.constant 48 : index
        %get3A_129 = tpu.vector_load %arg7[%get3A_127, %get3A_128] {strides = array<i32>} : memref<320x128xf32, #tpu.memory_space<vmem>>, vector<16xf32>,
        %add3A_130 = arith.addf %get3A_129, %mul3A_126 : vector<16xf32>
        %swap3A_131 = arith.index_cast %squeeze3A : i32 to index
        %swap3A_132 = arith.constant 48 : index
        %swap3A_133 = tpu.vector_load %arg7[%swap3A_131, %swap3A_132] {strides = array<i32>} : memref<320x128xf32, #tpu.memory_space<vmem>>, vector<16xf32>,
        tpu.vector_store %arg7[%swap3A_131, %swap3A_132], %add3A_130 {strides = array<i32>} : memref<320x128xf32, #tpu.memory_space<vmem>>, vector<16xf32>,
        %get3A_134 = arith.index_cast %while3A_86 : i32 to index
        %get3A_135 = arith.constant 64 : index
        %get3A_136 = tpu.vector_load %arg11[%get3A_134, %get3A_135] {strides = array<i32>} : memref<64x128xf32, #tpu.memory_space<vmem>>, vector<16xf32>,
        %mul3A_137 = arith.mulf %gather3A, %get3A_136 : vector<16xf32>
        %get3A_138 = arith.index_cast %squeeze3A : i32 to index
        %get3A_139 = arith.constant 64 : index
        %get3A_140 = tpu.vector_load %arg7[%get3A_138, %get3A_139] {strides = array<i32>} : memref<320x128xf32, #tpu.memory_space<vmem>>, vector<16xf32>,
        %add3A_141 = arith.addf %get3A_140, %mul3A_137 : vector<16xf32>
        %swap3A_142 = arith.index_cast %squeeze3A : i32 to index
        %swap3A_143 = arith.constant 64 : index
        %swap3A_144 = tpu.vector_load %arg7[%swap3A_142, %swap3A_143] {strides = array<i32>} : memref<320x128xf32, #tpu.memory_space<vmem>>, vector<16xf32>,
        tpu.vector_store %arg7[%swap3A_142, %swap3A_143], %add3A_141 {strides = array<i32>} : memref<320x128xf32, #tpu.memory_space<vmem>>, vector<16xf32>,
        %get3A_145 = arith.index_cast %while3A_86 : i32 to index
        %get3A_146 = arith.constant 80 : index
        %get3A_147 = tpu.vector_load %arg11[%get3A_145, %get3A_146] {strides = array<i32>} : memref<64x128xf32, #tpu.memory_space<vmem>>, vector<16xf32>,
        %mul3A_148 = arith.mulf %gather3A, %get3A_147 : vector<16xf32>
        %get3A_149 = arith.index_cast %squeeze3A : i32 to index
        %get3A_150 = arith.constant 80 : index
        %get3A_151 = tpu.vector_load %arg7[%get3A_149, %get3A_150] {strides = array<i32>} : memref<320x128xf32, #tpu.memory_space<vmem>>, vector<16xf32>,
        %add3A_152 = arith.addf %get3A_151, %mul3A_148 : vector<16xf32>
        %swap3A_153 = arith.index_cast %squeeze3A : i32 to index
        %swap3A_154 = arith.constant 80 : index
        %swap3A_155 = tpu.vector_load %arg7[%swap3A_153, %swap3A_154] {strides = array<i32>} : memref<320x128xf32, #tpu.memory_space<vmem>>, vector<16xf32>,
        tpu.vector_store %arg7[%swap3A_153, %swap3A_154], %add3A_152 {strides = array<i32>} : memref<320x128xf32, #tpu.memory_space<vmem>>, vector<16xf32>,
        %get3A_156 = arith.index_cast %while3A_86 : i32 to index
        %get3A_157 = arith.constant 96 : index
        %get3A_158 = tpu.vector_load %arg11[%get3A_156, %get3A_157] {strides = array<i32>} : memref<64x128xf32, #tpu.memory_space<vmem>>, vector<16xf32>,
        %mul3A_159 = arith.mulf %gather3A, %get3A_158 : vector<16xf32>
        %get3A_160 = arith.index_cast %squeeze3A : i32 to index
        %get3A_161 = arith.constant 96 : index
        %get3A_162 = tpu.vector_load %arg7[%get3A_160, %get3A_161] {strides = array<i32>} : memref<320x128xf32, #tpu.memory_space<vmem>>, vector<16xf32>,
        %add3A_163 = arith.addf %get3A_162, %mul3A_159 : vector<16xf32>
        %swap3A_164 = arith.index_cast %squeeze3A : i32 to index
        %swap3A_165 = arith.constant 96 : index
        %swap3A_166 = tpu.vector_load %arg7[%swap3A_164, %swap3A_165] {strides = array<i32>} : memref<320x128xf32, #tpu.memory_space<vmem>>, vector<16xf32>,
        tpu.vector_store %arg7[%swap3A_164, %swap3A_165], %add3A_163 {strides = array<i32>} : memref<320x128xf32, #tpu.memory_space<vmem>>, vector<16xf32>,
        %get3A_167 = arith.index_cast %while3A_86 : i32 to index
        %get3A_168 = arith.constant 112 : index
        %get3A_169 = tpu.vector_load %arg11[%get3A_167, %get3A_168] {strides = array<i32>} : memref<64x128xf32, #tpu.memory_space<vmem>>, vector<16xf32>,
        %mul3A_170 = arith.mulf %gather3A, %get3A_169 : vector<16xf32>
        %get3A_171 = arith.index_cast %squeeze3A : i32 to index
        %get3A_172 = arith.constant 112 : index
        %get3A_173 = tpu.vector_load %arg7[%get3A_171, %get3A_172] {strides = array<i32>} : memref<320x128xf32, #tpu.memory_space<vmem>>, vector<16xf32>,
        %add3A_174 = arith.addf %get3A_173, %mul3A_170 : vector<16xf32>
        %swap3A_175 = arith.index_cast %squeeze3A : i32 to index
        %swap3A_176 = arith.constant 112 : index
        %swap3A_177 = tpu.vector_load %arg7[%swap3A_175, %swap3A_176] {strides = array<i32>} : memref<320x128xf32, #tpu.memory_space<vmem>>, vector<16xf32>,
        tpu.vector_store %arg7[%swap3A_175, %swap3A_176], %add3A_174 {strides = array<i32>} : memref<320x128xf32, #tpu.memory_space<vmem>>, vector<16xf32>,
        %while3A_178 = arith.constant 0 : i32
        scf.yield %while3A_178 : i32
      }
      %while3A_83 = arith.constant 1 : i32
      %while3A_84 = scf.for %while3A_86 = %while3A_80 to %while3A_76 step %while3A_83 iter_args(%while3A_87 = %while3A_82) -> (i32)  : i32 {
        %broadcast_in_dim3A_88 = vector.broadcast %while3A_86 : i32 to vector<16xi32>
        %gather3A = tpu.vector_load_idx %arg12[%broadcast_in_dim3A_88] : memref<80xf32, #tpu.memory_space<vmem>>[vector<16xi32>], vector<16xf32>,
        %add3A_89 = arith.addi %mul3A_55, %while3A_86 : i32
        %broadcast_in_dim3A_90 = vector.broadcast %add3A_89 : i32 to vector<16xi32>
        %gather3A_91 = tpu.vector_load_idx %arg10[%broadcast_in_dim3A_90] : memref<13056xi32, #tpu.memory_space<vmem>>[vector<16xi32>], vector<16xi32>,
        %slice3A = vector.extract_strided_slice %gather3A_91 {offsets = [0], sizes = [1], strides = [1]} : vector<16xi32> to vector<1xi32>
        %squeeze3A = vector.extract %slice3A[0] : i32 from vector<1xi32>
        %get3A = arith.index_cast %while3A_86 : i32 to index
        %get3A_92 = arith.constant 0 : index
        %get3A_93 = tpu.vector_load %arg11[%get3A, %get3A_92] {strides = array<i32>} : memref<64x128xf32, #tpu.memory_space<vmem>>, vector<16xf32>,
        %mul3A_94 = arith.mulf %gather3A, %get3A_93 : vector<16xf32>
        %get3A_95 = arith.index_cast %squeeze3A : i32 to index
        %get3A_96 = arith.constant 0 : index
        %get3A_97 = tpu.vector_load %arg7[%get3A_95, %get3A_96] {strides = array<i32>} : memref<320x128xf32, #tpu.memory_space<vmem>>, vector<16xf32>,
        %add3A_98 = arith.addf %get3A_97, %mul3A_94 : vector<16xf32>
        %swap3A = arith.index_cast %squeeze3A : i32 to index
        %swap3A_99 = arith.constant 0 : index
        %swap3A_100 = tpu.vector_load %arg7[%swap3A, %swap3A_99] {strides = array<i32>} : memref<320x128xf32, #tpu.memory_space<vmem>>, vector<16xf32>,
        tpu.vector_store %arg7[%swap3A, %swap3A_99], %add3A_98 {strides = array<i32>} : memref<320x128xf32, #tpu.memory_space<vmem>>, vector<16xf32>,
        %get3A_101 = arith.index_cast %while3A_86 : i32 to index
        %get3A_102 = arith.constant 16 : index
        %get3A_103 = tpu.vector_load %arg11[%get3A_101, %get3A_102] {strides = array<i32>} : memref<64x128xf32, #tpu.memory_space<vmem>>, vector<16xf32>,
        %mul3A_104 = arith.mulf %gather3A, %get3A_103 : vector<16xf32>
        %get3A_105 = arith.index_cast %squeeze3A : i32 to index
        %get3A_106 = arith.constant 16 : index
        %get3A_107 = tpu.vector_load %arg7[%get3A_105, %get3A_106] {strides = array<i32>} : memref<320x128xf32, #tpu.memory_space<vmem>>, vector<16xf32>,
        %add3A_108 = arith.addf %get3A_107, %mul3A_104 : vector<16xf32>
        %swap3A_109 = arith.index_cast %squeeze3A : i32 to index
        %swap3A_110 = arith.constant 16 : index
        %swap3A_111 = tpu.vector_load %arg7[%swap3A_109, %swap3A_110] {strides = array<i32>} : memref<320x128xf32, #tpu.memory_space<vmem>>, vector<16xf32>,
        tpu.vector_store %arg7[%swap3A_109, %swap3A_110], %add3A_108 {strides = array<i32>} : memref<320x128xf32, #tpu.memory_space<vmem>>, vector<16xf32>,
        %get3A_112 = arith.index_cast %while3A_86 : i32 to index
        %get3A_113 = arith.constant 32 : index
        %get3A_114 = tpu.vector_load %arg11[%get3A_112, %get3A_113] {strides = array<i32>} : memref<64x128xf32, #tpu.memory_space<vmem>>, vector<16xf32>,
        %mul3A_115 = arith.mulf %gather3A, %get3A_114 : vector<16xf32>
        %get3A_116 = arith.index_cast %squeeze3A : i32 to index
        %get3A_117 = arith.constant 32 : index
        %get3A_118 = tpu.vector_load %arg7[%get3A_116, %get3A_117] {strides = array<i32>} : memref<320x128xf32, #tpu.memory_space<vmem>>, vector<16xf32>,
        %add3A_119 = arith.addf %get3A_118, %mul3A_115 : vector<16xf32>
        %swap3A_120 = arith.index_cast %squeeze3A : i32 to index
        %swap3A_121 = arith.constant 32 : index
        %swap3A_122 = tpu.vector_load %arg7[%swap3A_120, %swap3A_121] {strides = array<i32>} : memref<320x128xf32, #tpu.memory_space<vmem>>, vector<16xf32>,
        tpu.vector_store %arg7[%swap3A_120, %swap3A_121], %add3A_119 {strides = array<i32>} : memref<320x128xf32, #tpu.memory_space<vmem>>, vector<16xf32>,
        %get3A_123 = arith.index_cast %while3A_86 : i32 to index
        %get3A_124 = arith.constant 48 : index
        %get3A_125 = tpu.vector_load %arg11[%get3A_123, %get3A_124] {strides = array<i32>} : memref<64x128xf32, #tpu.memory_space<vmem>>, vector<16xf32>,
        %mul3A_126 = arith.mulf %gather3A, %get3A_125 : vector<16xf32>
        %get3A_127 = arith.index_cast %squeeze3A : i32 to index
        %get3A_128 = arith.constant 48 : index
        %get3A_129 = tpu.vector_load %arg7[%get3A_127, %get3A_128] {strides = array<i32>} : memref<320x128xf32, #tpu.memory_space<vmem>>, vector<16xf32>,
        %add3A_130 = arith.addf %get3A_129, %mul3A_126 : vector<16xf32>
        %swap3A_131 = arith.index_cast %squeeze3A : i32 to index
        %swap3A_132 = arith.constant 48 : index
        %swap3A_133 = tpu.vector_load %arg7[%swap3A_131, %swap3A_132] {strides = array<i32>} : memref<320x128xf32, #tpu.memory_space<vmem>>, vector<16xf32>,
        tpu.vector_store %arg7[%swap3A_131, %swap3A_132], %add3A_130 {strides = array<i32>} : memref<320x128xf32, #tpu.memory_space<vmem>>, vector<16xf32>,
        %get3A_134 = arith.index_cast %while3A_86 : i32 to index
        %get3A_135 = arith.constant 64 : index
        %get3A_136 = tpu.vector_load %arg11[%get3A_134, %get3A_135] {strides = array<i32>} : memref<64x128xf32, #tpu.memory_space<vmem>>, vector<16xf32>,
        %mul3A_137 = arith.mulf %gather3A, %get3A_136 : vector<16xf32>
        %get3A_138 = arith.index_cast %squeeze3A : i32 to index
        %get3A_139 = arith.constant 64 : index
        %get3A_140 = tpu.vector_load %arg7[%get3A_138, %get3A_139] {strides = array<i32>} : memref<320x128xf32, #tpu.memory_space<vmem>>, vector<16xf32>,
        %add3A_141 = arith.addf %get3A_140, %mul3A_137 : vector<16xf32>
        %swap3A_142 = arith.index_cast %squeeze3A : i32 to index
        %swap3A_143 = arith.constant 64 : index
        %swap3A_144 = tpu.vector_load %arg7[%swap3A_142, %swap3A_143] {strides = array<i32>} : memref<320x128xf32, #tpu.memory_space<vmem>>, vector<16xf32>,
        tpu.vector_store %arg7[%swap3A_142, %swap3A_143], %add3A_141 {strides = array<i32>} : memref<320x128xf32, #tpu.memory_space<vmem>>, vector<16xf32>,
        %get3A_145 = arith.index_cast %while3A_86 : i32 to index
        %get3A_146 = arith.constant 80 : index
        %get3A_147 = tpu.vector_load %arg11[%get3A_145, %get3A_146] {strides = array<i32>} : memref<64x128xf32, #tpu.memory_space<vmem>>, vector<16xf32>,
        %mul3A_148 = arith.mulf %gather3A, %get3A_147 : vector<16xf32>
        %get3A_149 = arith.index_cast %squeeze3A : i32 to index
        %get3A_150 = arith.constant 80 : index
        %get3A_151 = tpu.vector_load %arg7[%get3A_149, %get3A_150] {strides = array<i32>} : memref<320x128xf32, #tpu.memory_space<vmem>>, vector<16xf32>,
        %add3A_152 = arith.addf %get3A_151, %mul3A_148 : vector<16xf32>
        %swap3A_153 = arith.index_cast %squeeze3A : i32 to index
        %swap3A_154 = arith.constant 80 : index
        %swap3A_155 = tpu.vector_load %arg7[%swap3A_153, %swap3A_154] {strides = array<i32>} : memref<320x128xf32, #tpu.memory_space<vmem>>, vector<16xf32>,
        tpu.vector_store %arg7[%swap3A_153, %swap3A_154], %add3A_152 {strides = array<i32>} : memref<320x128xf32, #tpu.memory_space<vmem>>, vector<16xf32>,
        %get3A_156 = arith.index_cast %while3A_86 : i32 to index
        %get3A_157 = arith.constant 96 : index
        %get3A_158 = tpu.vector_load %arg11[%get3A_156, %get3A_157] {strides = array<i32>} : memref<64x128xf32, #tpu.memory_space<vmem>>, vector<16xf32>,
        %mul3A_159 = arith.mulf %gather3A, %get3A_158 : vector<16xf32>
        %get3A_160 = arith.index_cast %squeeze3A : i32 to index
        %get3A_161 = arith.constant 96 : index
        %get3A_162 = tpu.vector_load %arg7[%get3A_160, %get3A_161] {strides = array<i32>} : memref<320x128xf32, #tpu.memory_space<vmem>>, vector<16xf32>,
        %add3A_163 = arith.addf %get3A_162, %mul3A_159 : vector<16xf32>
        %swap3A_164 = arith.index_cast %squeeze3A : i32 to index
        %swap3A_165 = arith.constant 96 : index
        %swap3A_166 = tpu.vector_load %arg7[%swap3A_164, %swap3A_165] {strides = array<i32>} : memref<320x128xf32, #tpu.memory_space<vmem>>, vector<16xf32>,
        tpu.vector_store %arg7[%swap3A_164, %swap3A_165], %add3A_163 {strides = array<i32>} : memref<320x128xf32, #tpu.memory_space<vmem>>, vector<16xf32>,
        %get3A_167 = arith.index_cast %while3A_86 : i32 to index
        %get3A_168 = arith.constant 112 : index
        %get3A_169 = tpu.vector_load %arg11[%get3A_167, %get3A_168] {strides = array<i32>} : memref<64x128xf32, #tpu.memory_space<vmem>>, vector<16xf32>,
        %mul3A_170 = arith.mulf %gather3A, %get3A_169 : vector<16xf32>
        %get3A_171 = arith.index_cast %squeeze3A : i32 to index
        %get3A_172 = arith.constant 112 : index
        %get3A_173 = tpu.vector_load %arg7[%get3A_171, %get3A_172] {strides = array<i32>} : memref<320x128xf32, #tpu.memory_space<vmem>>, vector<16xf32>,
        %add3A_174 = arith.addf %get3A_173, %mul3A_170 : vector<16xf32>
        %swap3A_175 = arith.index_cast %squeeze3A : i32 to index
        %swap3A_176 = arith.constant 112 : index
        %swap3A_177 = tpu.vector_load %arg7[%swap3A_175, %swap3A_176] {strides = array<i32>} : memref<320x128xf32, #tpu.memory_space<vmem>>, vector<16xf32>,
        tpu.vector_store %arg7[%swap3A_175, %swap3A_176], %add3A_174 {strides = array<i32>} : memref<320x128xf32, #tpu.memory_space<vmem>>, vector<16xf32>,
        %while3A_178 = arith.constant 0 : i32
        scf.yield %while3A_178 : i32
      }
      %while3A_85 = arith.constant 0 : i32
      scf.yield %while3A_85 : i32
    }
    %while3A_50 = arith.constant 1 : i32
    %while3A_51 = scf.for %while3A_52 = %while3A_47 to %while3A_43 step %while3A_50 iter_args(%while3A_53 = %while3A_49) -> (i32)  : i32 {
      %mul3A_54 = arith.constant 64 : i32
      %mul3A_55 = arith.muli %while3A_52, %mul3A_54 : i32
      %dma_start3A = tpu.memref_slice %arg9[%mul3A_55] : memref<13056xi32, #tpu.memory_space<vmem>> -> memref<64xi32, #tpu.memory_space<vmem>>
      %dma_start3A_56 = arith.constant 0 : i32
      %dma_start3A_57 = arith.constant 0 : i32
      %dma_start3A_58 = tpu.memref_slice %arg4[%dma_start3A_56, %dma_start3A_57] : memref<320000x128xf32, #tpu.memory_space<hbm>> -> memref<320000x128xf32, #tpu.memory_space<hbm>>
      tpu.enqueue_indirect_dma source(%dma_start3A_58 : memref<320000x128xf32, #tpu.memory_space<hbm>>) target(%arg11 : memref<64x128xf32, #tpu.memory_space<vmem>>) offsets(%dma_start3A : memref<64xi32, #tpu.memory_space<vmem>>) semaphore(%arg13 : memref<!tpu.dma_semaphore, #tpu.memory_space<semaphore_mem>>)
      %dma_start3A_59 = arith.constant 0 : i32
      %dma_start3A_60 = tpu.memref_slice %arg12[%dma_start3A_59] : memref<80xf32, #tpu.memory_space<vmem>> -> memref<64xf32, #tpu.memory_space<vmem>>
      %dma_start3A_61 = tpu.memref_slice %arg9[%mul3A_55] : memref<13056xi32, #tpu.memory_space<vmem>> -> memref<64xi32, #tpu.memory_space<vmem>>
      %dma_start3A_62 = arith.constant 0 : i32
      %dma_start3A_63 = tpu.memref_slice %arg3[%dma_start3A_62] : memref<320000xf32, #tpu.memory_space<hbm>> -> memref<320000xf32, #tpu.memory_space<hbm>>
      tpu.enqueue_indirect_dma source(%dma_start3A_63 : memref<320000xf32, #tpu.memory_space<hbm>>) target(%dma_start3A_60 : memref<64xf32, #tpu.memory_space<vmem>>) offsets(%dma_start3A_61 : memref<64xi32, #tpu.memory_space<vmem>>) semaphore(%arg14 : memref<!tpu.dma_semaphore, #tpu.memory_space<semaphore_mem>>)
      %dma_wait3A = tpu.memref_slice %arg9[%mul3A_55] : memref<13056xi32, #tpu.memory_space<vmem>> -> memref<64xi32, #tpu.memory_space<vmem>>
      %dma_wait3A_64 = arith.constant 0 : i32
      %dma_wait3A_65 = arith.constant 0 : i32
      %dma_wait3A_66 = tpu.memref_slice %arg4[%dma_wait3A_64, %dma_wait3A_65] : memref<320000x128xf32, #tpu.memory_space<hbm>> -> memref<320000x128xf32, #tpu.memory_space<hbm>>
      tpu.wait_indirect_dma semaphore(%arg13 : memref<!tpu.dma_semaphore, #tpu.memory_space<semaphore_mem>>) src(%dma_wait3A_66 : memref<320000x128xf32, #tpu.memory_space<hbm>>) dst(%arg11 : memref<64x128xf32, #tpu.memory_space<vmem>>)
      %dma_wait3A_67 = arith.constant 0 : i32
      %dma_wait3A_68 = tpu.memref_slice %arg12[%dma_wait3A_67] : memref<80xf32, #tpu.memory_space<vmem>> -> memref<64xf32, #tpu.memory_space<vmem>>
      %dma_wait3A_69 = tpu.memref_slice %arg9[%mul3A_55] : memref<13056xi32, #tpu.memory_space<vmem>> -> memref<64xi32, #tpu.memory_space<vmem>>
      %dma_wait3A_70 = arith.constant 0 : i32
      %dma_wait3A_71 = tpu.memref_slice %arg3[%dma_wait3A_70] : memref<320000xf32, #tpu.memory_space<hbm>> -> memref<320000xf32, #tpu.memory_space<hbm>>
      tpu.wait_indirect_dma semaphore(%arg14 : memref<!tpu.dma_semaphore, #tpu.memory_space<semaphore_mem>>) src(%dma_wait3A_71 : memref<320000xf32, #tpu.memory_space<hbm>>) dst(%dma_wait3A_68 : memref<64xf32, #tpu.memory_space<vmem>>)
      %sub3A = arith.subi %scan3A_7, %mul3A_55 : i32
      %min3A = arith.constant 64 : i32
      %min3A_72 = arith.minsi %sub3A, %min3A : i32
      %while3A_73 = arith.constant 0 : i32
      %while3A_74 = arith.constant 0 : i32
      %while3A_75 = arith.subi %min3A_72, %while3A_73 : i32
      %while3A_76 = arith.addi %while3A_73, %while3A_75 : i32
      %while3A_77 = arith.constant 1 : i32
      %while3A_78 = arith.divsi %while3A_75, %while3A_77 : i32
      %while3A_79 = arith.muli %while3A_78, %while3A_77 : i32
      %while3A_80 = arith.addi %while3A_73, %while3A_79 : i32
      %while3A_81 = arith.constant 1 : i32
      %while3A_82 = scf.for %while3A_86 = %while3A_73 to %while3A_80 step %while3A_81 iter_args(%while3A_87 = %while3A_74) -> (i32)  : i32 {
        %broadcast_in_dim3A_88 = vector.broadcast %while3A_86 : i32 to vector<16xi32>
        %gather3A = tpu.vector_load_idx %arg12[%broadcast_in_dim3A_88] : memref<80xf32, #tpu.memory_space<vmem>>[vector<16xi32>], vector<16xf32>,
        %add3A_89 = arith.addi %mul3A_55, %while3A_86 : i32
        %broadcast_in_dim3A_90 = vector.broadcast %add3A_89 : i32 to vector<16xi32>
        %gather3A_91 = tpu.vector_load_idx %arg10[%broadcast_in_dim3A_90] : memref<13056xi32, #tpu.memory_space<vmem>>[vector<16xi32>], vector<16xi32>,
        %slice3A = vector.extract_strided_slice %gather3A_91 {offsets = [0], sizes = [1], strides = [1]} : vector<16xi32> to vector<1xi32>
        %squeeze3A = vector.extract %slice3A[0] : i32 from vector<1xi32>
        %get3A = arith.index_cast %while3A_86 : i32 to index
        %get3A_92 = arith.constant 0 : index
        %get3A_93 = tpu.vector_load %arg11[%get3A, %get3A_92] {strides = array<i32>} : memref<64x128xf32, #tpu.memory_space<vmem>>, vector<16xf32>,
        %mul3A_94 = arith.mulf %gather3A, %get3A_93 : vector<16xf32>
        %get3A_95 = arith.index_cast %squeeze3A : i32 to index
        %get3A_96 = arith.constant 0 : index
        %get3A_97 = tpu.vector_load %arg7[%get3A_95, %get3A_96] {strides = array<i32>} : memref<320x128xf32, #tpu.memory_space<vmem>>, vector<16xf32>,
        %add3A_98 = arith.addf %get3A_97, %mul3A_94 : vector<16xf32>
        %swap3A = arith.index_cast %squeeze3A : i32 to index
        %swap3A_99 = arith.constant 0 : index
        %swap3A_100 = tpu.vector_load %arg7[%swap3A, %swap3A_99] {strides = array<i32>} : memref<320x128xf32, #tpu.memory_space<vmem>>, vector<16xf32>,
        tpu.vector_store %arg7[%swap3A, %swap3A_99], %add3A_98 {strides = array<i32>} : memref<320x128xf32, #tpu.memory_space<vmem>>, vector<16xf32>,
        %get3A_101 = arith.index_cast %while3A_86 : i32 to index
        %get3A_102 = arith.constant 16 : index
        %get3A_103 = tpu.vector_load %arg11[%get3A_101, %get3A_102] {strides = array<i32>} : memref<64x128xf32, #tpu.memory_space<vmem>>, vector<16xf32>,
        %mul3A_104 = arith.mulf %gather3A, %get3A_103 : vector<16xf32>
        %get3A_105 = arith.index_cast %squeeze3A : i32 to index
        %get3A_106 = arith.constant 16 : index
        %get3A_107 = tpu.vector_load %arg7[%get3A_105, %get3A_106] {strides = array<i32>} : memref<320x128xf32, #tpu.memory_space<vmem>>, vector<16xf32>,
        %add3A_108 = arith.addf %get3A_107, %mul3A_104 : vector<16xf32>
        %swap3A_109 = arith.index_cast %squeeze3A : i32 to index
        %swap3A_110 = arith.constant 16 : index
        %swap3A_111 = tpu.vector_load %arg7[%swap3A_109, %swap3A_110] {strides = array<i32>} : memref<320x128xf32, #tpu.memory_space<vmem>>, vector<16xf32>,
        tpu.vector_store %arg7[%swap3A_109, %swap3A_110], %add3A_108 {strides = array<i32>} : memref<320x128xf32, #tpu.memory_space<vmem>>, vector<16xf32>,
        %get3A_112 = arith.index_cast %while3A_86 : i32 to index
        %get3A_113 = arith.constant 32 : index
        %get3A_114 = tpu.vector_load %arg11[%get3A_112, %get3A_113] {strides = array<i32>} : memref<64x128xf32, #tpu.memory_space<vmem>>, vector<16xf32>,
        %mul3A_115 = arith.mulf %gather3A, %get3A_114 : vector<16xf32>
        %get3A_116 = arith.index_cast %squeeze3A : i32 to index
        %get3A_117 = arith.constant 32 : index
        %get3A_118 = tpu.vector_load %arg7[%get3A_116, %get3A_117] {strides = array<i32>} : memref<320x128xf32, #tpu.memory_space<vmem>>, vector<16xf32>,
        %add3A_119 = arith.addf %get3A_118, %mul3A_115 : vector<16xf32>
        %swap3A_120 = arith.index_cast %squeeze3A : i32 to index
        %swap3A_121 = arith.constant 32 : index
        %swap3A_122 = tpu.vector_load %arg7[%swap3A_120, %swap3A_121] {strides = array<i32>} : memref<320x128xf32, #tpu.memory_space<vmem>>, vector<16xf32>,
        tpu.vector_store %arg7[%swap3A_120, %swap3A_121], %add3A_119 {strides = array<i32>} : memref<320x128xf32, #tpu.memory_space<vmem>>, vector<16xf32>,
        %get3A_123 = arith.index_cast %while3A_86 : i32 to index
        %get3A_124 = arith.constant 48 : index
        %get3A_125 = tpu.vector_load %arg11[%get3A_123, %get3A_124] {strides = array<i32>} : memref<64x128xf32, #tpu.memory_space<vmem>>, vector<16xf32>,
        %mul3A_126 = arith.mulf %gather3A, %get3A_125 : vector<16xf32>
        %get3A_127 = arith.index_cast %squeeze3A : i32 to index
        %get3A_128 = arith.constant 48 : index
        %get3A_129 = tpu.vector_load %arg7[%get3A_127, %get3A_128] {strides = array<i32>} : memref<320x128xf32, #tpu.memory_space<vmem>>, vector<16xf32>,
        %add3A_130 = arith.addf %get3A_129, %mul3A_126 : vector<16xf32>
        %swap3A_131 = arith.index_cast %squeeze3A : i32 to index
        %swap3A_132 = arith.constant 48 : index
        %swap3A_133 = tpu.vector_load %arg7[%swap3A_131, %swap3A_132] {strides = array<i32>} : memref<320x128xf32, #tpu.memory_space<vmem>>, vector<16xf32>,
        tpu.vector_store %arg7[%swap3A_131, %swap3A_132], %add3A_130 {strides = array<i32>} : memref<320x128xf32, #tpu.memory_space<vmem>>, vector<16xf32>,
        %get3A_134 = arith.index_cast %while3A_86 : i32 to index
        %get3A_135 = arith.constant 64 : index
        %get3A_136 = tpu.vector_load %arg11[%get3A_134, %get3A_135] {strides = array<i32>} : memref<64x128xf32, #tpu.memory_space<vmem>>, vector<16xf32>,
        %mul3A_137 = arith.mulf %gather3A, %get3A_136 : vector<16xf32>
        %get3A_138 = arith.index_cast %squeeze3A : i32 to index
        %get3A_139 = arith.constant 64 : index
        %get3A_140 = tpu.vector_load %arg7[%get3A_138, %get3A_139] {strides = array<i32>} : memref<320x128xf32, #tpu.memory_space<vmem>>, vector<16xf32>,
        %add3A_141 = arith.addf %get3A_140, %mul3A_137 : vector<16xf32>
        %swap3A_142 = arith.index_cast %squeeze3A : i32 to index
        %swap3A_143 = arith.constant 64 : index
        %swap3A_144 = tpu.vector_load %arg7[%swap3A_142, %swap3A_143] {strides = array<i32>} : memref<320x128xf32, #tpu.memory_space<vmem>>, vector<16xf32>,
        tpu.vector_store %arg7[%swap3A_142, %swap3A_143], %add3A_141 {strides = array<i32>} : memref<320x128xf32, #tpu.memory_space<vmem>>, vector<16xf32>,
        %get3A_145 = arith.index_cast %while3A_86 : i32 to index
        %get3A_146 = arith.constant 80 : index
        %get3A_147 = tpu.vector_load %arg11[%get3A_145, %get3A_146] {strides = array<i32>} : memref<64x128xf32, #tpu.memory_space<vmem>>, vector<16xf32>,
        %mul3A_148 = arith.mulf %gather3A, %get3A_147 : vector<16xf32>
        %get3A_149 = arith.index_cast %squeeze3A : i32 to index
        %get3A_150 = arith.constant 80 : index
        %get3A_151 = tpu.vector_load %arg7[%get3A_149, %get3A_150] {strides = array<i32>} : memref<320x128xf32, #tpu.memory_space<vmem>>, vector<16xf32>,
        %add3A_152 = arith.addf %get3A_151, %mul3A_148 : vector<16xf32>
        %swap3A_153 = arith.index_cast %squeeze3A : i32 to index
        %swap3A_154 = arith.constant 80 : index
        %swap3A_155 = tpu.vector_load %arg7[%swap3A_153, %swap3A_154] {strides = array<i32>} : memref<320x128xf32, #tpu.memory_space<vmem>>, vector<16xf32>,
        tpu.vector_store %arg7[%swap3A_153, %swap3A_154], %add3A_152 {strides = array<i32>} : memref<320x128xf32, #tpu.memory_space<vmem>>, vector<16xf32>,
        %get3A_156 = arith.index_cast %while3A_86 : i32 to index
        %get3A_157 = arith.constant 96 : index
        %get3A_158 = tpu.vector_load %arg11[%get3A_156, %get3A_157] {strides = array<i32>} : memref<64x128xf32, #tpu.memory_space<vmem>>, vector<16xf32>,
        %mul3A_159 = arith.mulf %gather3A, %get3A_158 : vector<16xf32>
        %get3A_160 = arith.index_cast %squeeze3A : i32 to index
        %get3A_161 = arith.constant 96 : index
        %get3A_162 = tpu.vector_load %arg7[%get3A_160, %get3A_161] {strides = array<i32>} : memref<320x128xf32, #tpu.memory_space<vmem>>, vector<16xf32>,
        %add3A_163 = arith.addf %get3A_162, %mul3A_159 : vector<16xf32>
        %swap3A_164 = arith.index_cast %squeeze3A : i32 to index
        %swap3A_165 = arith.constant 96 : index
        %swap3A_166 = tpu.vector_load %arg7[%swap3A_164, %swap3A_165] {strides = array<i32>} : memref<320x128xf32, #tpu.memory_space<vmem>>, vector<16xf32>,
        tpu.vector_store %arg7[%swap3A_164, %swap3A_165], %add3A_163 {strides = array<i32>} : memref<320x128xf32, #tpu.memory_space<vmem>>, vector<16xf32>,
        %get3A_167 = arith.index_cast %while3A_86 : i32 to index
        %get3A_168 = arith.constant 112 : index
        %get3A_169 = tpu.vector_load %arg11[%get3A_167, %get3A_168] {strides = array<i32>} : memref<64x128xf32, #tpu.memory_space<vmem>>, vector<16xf32>,
        %mul3A_170 = arith.mulf %gather3A, %get3A_169 : vector<16xf32>
        %get3A_171 = arith.index_cast %squeeze3A : i32 to index
        %get3A_172 = arith.constant 112 : index
        %get3A_173 = tpu.vector_load %arg7[%get3A_171, %get3A_172] {strides = array<i32>} : memref<320x128xf32, #tpu.memory_space<vmem>>, vector<16xf32>,
        %add3A_174 = arith.addf %get3A_173, %mul3A_170 : vector<16xf32>
        %swap3A_175 = arith.index_cast %squeeze3A : i32 to index
        %swap3A_176 = arith.constant 112 : index
        %swap3A_177 = tpu.vector_load %arg7[%swap3A_175, %swap3A_176] {strides = array<i32>} : memref<320x128xf32, #tpu.memory_space<vmem>>, vector<16xf32>,
        tpu.vector_store %arg7[%swap3A_175, %swap3A_176], %add3A_174 {strides = array<i32>} : memref<320x128xf32, #tpu.memory_space<vmem>>, vector<16xf32>,
        %while3A_178 = arith.constant 0 : i32
        scf.yield %while3A_178 : i32
      }
      %while3A_83 = arith.constant 1 : i32
      %while3A_84 = scf.for %while3A_86 = %while3A_80 to %while3A_76 step %while3A_83 iter_args(%while3A_87 = %while3A_82) -> (i32)  : i32 {
        %broadcast_in_dim3A_88 = vector.broadcast %while3A_86 : i32 to vector<16xi32>
        %gather3A = tpu.vector_load_idx %arg12[%broadcast_in_dim3A_88] : memref<80xf32, #tpu.memory_space<vmem>>[vector<16xi32>], vector<16xf32>,
        %add3A_89 = arith.addi %mul3A_55, %while3A_86 : i32
        %broadcast_in_dim3A_90 = vector.broadcast %add3A_89 : i32 to vector<16xi32>
        %gather3A_91 = tpu.vector_load_idx %arg10[%broadcast_in_dim3A_90] : memref<13056xi32, #tpu.memory_space<vmem>>[vector<16xi32>], vector<16xi32>,
        %slice3A = vector.extract_strided_slice %gather3A_91 {offsets = [0], sizes = [1], strides = [1]} : vector<16xi32> to vector<1xi32>
        %squeeze3A = vector.extract %slice3A[0] : i32 from vector<1xi32>
        %get3A = arith.index_cast %while3A_86 : i32 to index
        %get3A_92 = arith.constant 0 : index
        %get3A_93 = tpu.vector_load %arg11[%get3A, %get3A_92] {strides = array<i32>} : memref<64x128xf32, #tpu.memory_space<vmem>>, vector<16xf32>,
        %mul3A_94 = arith.mulf %gather3A, %get3A_93 : vector<16xf32>
        %get3A_95 = arith.index_cast %squeeze3A : i32 to index
        %get3A_96 = arith.constant 0 : index
        %get3A_97 = tpu.vector_load %arg7[%get3A_95, %get3A_96] {strides = array<i32>} : memref<320x128xf32, #tpu.memory_space<vmem>>, vector<16xf32>,
        %add3A_98 = arith.addf %get3A_97, %mul3A_94 : vector<16xf32>
        %swap3A = arith.index_cast %squeeze3A : i32 to index
        %swap3A_99 = arith.constant 0 : index
        %swap3A_100 = tpu.vector_load %arg7[%swap3A, %swap3A_99] {strides = array<i32>} : memref<320x128xf32, #tpu.memory_space<vmem>>, vector<16xf32>,
        tpu.vector_store %arg7[%swap3A, %swap3A_99], %add3A_98 {strides = array<i32>} : memref<320x128xf32, #tpu.memory_space<vmem>>, vector<16xf32>,
        %get3A_101 = arith.index_cast %while3A_86 : i32 to index
        %get3A_102 = arith.constant 16 : index
        %get3A_103 = tpu.vector_load %arg11[%get3A_101, %get3A_102] {strides = array<i32>} : memref<64x128xf32, #tpu.memory_space<vmem>>, vector<16xf32>,
        %mul3A_104 = arith.mulf %gather3A, %get3A_103 : vector<16xf32>
        %get3A_105 = arith.index_cast %squeeze3A : i32 to index
        %get3A_106 = arith.constant 16 : index
        %get3A_107 = tpu.vector_load %arg7[%get3A_105, %get3A_106] {strides = array<i32>} : memref<320x128xf32, #tpu.memory_space<vmem>>, vector<16xf32>,
        %add3A_108 = arith.addf %get3A_107, %mul3A_104 : vector<16xf32>
        %swap3A_109 = arith.index_cast %squeeze3A : i32 to index
        %swap3A_110 = arith.constant 16 : index
        %swap3A_111 = tpu.vector_load %arg7[%swap3A_109, %swap3A_110] {strides = array<i32>} : memref<320x128xf32, #tpu.memory_space<vmem>>, vector<16xf32>,
        tpu.vector_store %arg7[%swap3A_109, %swap3A_110], %add3A_108 {strides = array<i32>} : memref<320x128xf32, #tpu.memory_space<vmem>>, vector<16xf32>,
        %get3A_112 = arith.index_cast %while3A_86 : i32 to index
        %get3A_113 = arith.constant 32 : index
        %get3A_114 = tpu.vector_load %arg11[%get3A_112, %get3A_113] {strides = array<i32>} : memref<64x128xf32, #tpu.memory_space<vmem>>, vector<16xf32>,
        %mul3A_115 = arith.mulf %gather3A, %get3A_114 : vector<16xf32>
        %get3A_116 = arith.index_cast %squeeze3A : i32 to index
        %get3A_117 = arith.constant 32 : index
        %get3A_118 = tpu.vector_load %arg7[%get3A_116, %get3A_117] {strides = array<i32>} : memref<320x128xf32, #tpu.memory_space<vmem>>, vector<16xf32>,
        %add3A_119 = arith.addf %get3A_118, %mul3A_115 : vector<16xf32>
        %swap3A_120 = arith.index_cast %squeeze3A : i32 to index
        %swap3A_121 = arith.constant 32 : index
        %swap3A_122 = tpu.vector_load %arg7[%swap3A_120, %swap3A_121] {strides = array<i32>} : memref<320x128xf32, #tpu.memory_space<vmem>>, vector<16xf32>,
        tpu.vector_store %arg7[%swap3A_120, %swap3A_121], %add3A_119 {strides = array<i32>} : memref<320x128xf32, #tpu.memory_space<vmem>>, vector<16xf32>,
        %get3A_123 = arith.index_cast %while3A_86 : i32 to index
        %get3A_124 = arith.constant 48 : index
        %get3A_125 = tpu.vector_load %arg11[%get3A_123, %get3A_124] {strides = array<i32>} : memref<64x128xf32, #tpu.memory_space<vmem>>, vector<16xf32>,
        %mul3A_126 = arith.mulf %gather3A, %get3A_125 : vector<16xf32>
        %get3A_127 = arith.index_cast %squeeze3A : i32 to index
        %get3A_128 = arith.constant 48 : index
        %get3A_129 = tpu.vector_load %arg7[%get3A_127, %get3A_128] {strides = array<i32>} : memref<320x128xf32, #tpu.memory_space<vmem>>, vector<16xf32>,
        %add3A_130 = arith.addf %get3A_129, %mul3A_126 : vector<16xf32>
        %swap3A_131 = arith.index_cast %squeeze3A : i32 to index
        %swap3A_132 = arith.constant 48 : index
        %swap3A_133 = tpu.vector_load %arg7[%swap3A_131, %swap3A_132] {strides = array<i32>} : memref<320x128xf32, #tpu.memory_space<vmem>>, vector<16xf32>,
        tpu.vector_store %arg7[%swap3A_131, %swap3A_132], %add3A_130 {strides = array<i32>} : memref<320x128xf32, #tpu.memory_space<vmem>>, vector<16xf32>,
        %get3A_134 = arith.index_cast %while3A_86 : i32 to index
        %get3A_135 = arith.constant 64 : index
        %get3A_136 = tpu.vector_load %arg11[%get3A_134, %get3A_135] {strides = array<i32>} : memref<64x128xf32, #tpu.memory_space<vmem>>, vector<16xf32>,
        %mul3A_137 = arith.mulf %gather3A, %get3A_136 : vector<16xf32>
        %get3A_138 = arith.index_cast %squeeze3A : i32 to index
        %get3A_139 = arith.constant 64 : index
        %get3A_140 = tpu.vector_load %arg7[%get3A_138, %get3A_139] {strides = array<i32>} : memref<320x128xf32, #tpu.memory_space<vmem>>, vector<16xf32>,
        %add3A_141 = arith.addf %get3A_140, %mul3A_137 : vector<16xf32>
        %swap3A_142 = arith.index_cast %squeeze3A : i32 to index
        %swap3A_143 = arith.constant 64 : index
        %swap3A_144 = tpu.vector_load %arg7[%swap3A_142, %swap3A_143] {strides = array<i32>} : memref<320x128xf32, #tpu.memory_space<vmem>>, vector<16xf32>,
        tpu.vector_store %arg7[%swap3A_142, %swap3A_143], %add3A_141 {strides = array<i32>} : memref<320x128xf32, #tpu.memory_space<vmem>>, vector<16xf32>,
        %get3A_145 = arith.index_cast %while3A_86 : i32 to index
        %get3A_146 = arith.constant 80 : index
        %get3A_147 = tpu.vector_load %arg11[%get3A_145, %get3A_146] {strides = array<i32>} : memref<64x128xf32, #tpu.memory_space<vmem>>, vector<16xf32>,
        %mul3A_148 = arith.mulf %gather3A, %get3A_147 : vector<16xf32>
        %get3A_149 = arith.index_cast %squeeze3A : i32 to index
        %get3A_150 = arith.constant 80 : index
        %get3A_151 = tpu.vector_load %arg7[%get3A_149, %get3A_150] {strides = array<i32>} : memref<320x128xf32, #tpu.memory_space<vmem>>, vector<16xf32>,
        %add3A_152 = arith.addf %get3A_151, %mul3A_148 : vector<16xf32>
        %swap3A_153 = arith.index_cast %squeeze3A : i32 to index
        %swap3A_154 = arith.constant 80 : index
        %swap3A_155 = tpu.vector_load %arg7[%swap3A_153, %swap3A_154] {strides = array<i32>} : memref<320x128xf32, #tpu.memory_space<vmem>>, vector<16xf32>,
        tpu.vector_store %arg7[%swap3A_153, %swap3A_154], %add3A_152 {strides = array<i32>} : memref<320x128xf32, #tpu.memory_space<vmem>>, vector<16xf32>,
        %get3A_156 = arith.index_cast %while3A_86 : i32 to index
        %get3A_157 = arith.constant 96 : index
        %get3A_158 = tpu.vector_load %arg11[%get3A_156, %get3A_157] {strides = array<i32>} : memref<64x128xf32, #tpu.memory_space<vmem>>, vector<16xf32>,
        %mul3A_159 = arith.mulf %gather3A, %get3A_158 : vector<16xf32>
        %get3A_160 = arith.index_cast %squeeze3A : i32 to index
        %get3A_161 = arith.constant 96 : index
        %get3A_162 = tpu.vector_load %arg7[%get3A_160, %get3A_161] {strides = array<i32>} : memref<320x128xf32, #tpu.memory_space<vmem>>, vector<16xf32>,
        %add3A_163 = arith.addf %get3A_162, %mul3A_159 : vector<16xf32>
        %swap3A_164 = arith.index_cast %squeeze3A : i32 to index
        %swap3A_165 = arith.constant 96 : index
        %swap3A_166 = tpu.vector_load %arg7[%swap3A_164, %swap3A_165] {strides = array<i32>} : memref<320x128xf32, #tpu.memory_space<vmem>>, vector<16xf32>,
        tpu.vector_store %arg7[%swap3A_164, %swap3A_165], %add3A_163 {strides = array<i32>} : memref<320x128xf32, #tpu.memory_space<vmem>>, vector<16xf32>,
        %get3A_167 = arith.index_cast %while3A_86 : i32 to index
        %get3A_168 = arith.constant 112 : index
        %get3A_169 = tpu.vector_load %arg11[%get3A_167, %get3A_168] {strides = array<i32>} : memref<64x128xf32, #tpu.memory_space<vmem>>, vector<16xf32>,
        %mul3A_170 = arith.mulf %gather3A, %get3A_169 : vector<16xf32>
        %get3A_171 = arith.index_cast %squeeze3A : i32 to index
        %get3A_172 = arith.constant 112 : index
        %get3A_173 = tpu.vector_load %arg7[%get3A_171, %get3A_172] {strides = array<i32>} : memref<320x128xf32, #tpu.memory_space<vmem>>, vector<16xf32>,
        %add3A_174 = arith.addf %get3A_173, %mul3A_170 : vector<16xf32>
        %swap3A_175 = arith.index_cast %squeeze3A : i32 to index
        %swap3A_176 = arith.constant 112 : index
        %swap3A_177 = tpu.vector_load %arg7[%swap3A_175, %swap3A_176] {strides = array<i32>} : memref<320x128xf32, #tpu.memory_space<vmem>>, vector<16xf32>,
        tpu.vector_store %arg7[%swap3A_175, %swap3A_176], %add3A_174 {strides = array<i32>} : memref<320x128xf32, #tpu.memory_space<vmem>>, vector<16xf32>,
        %while3A_178 = arith.constant 0 : i32
        scf.yield %while3A_178 : i32
      }
      %while3A_85 = arith.constant 0 : i32
      scf.yield %while3A_85 : i32
    }
    "tpu.region"() ({
      %run_scoped3A = tpu.sem_alloc : memref<!tpu.dma_semaphore, #tpu.memory_space<semaphore_mem>>
      %dma_start3A = arith.constant 0 : i32
      %dma_start3A_52 = tpu.memref_slice %arg6[%mul3A_2, %dma_start3A] : memref<10240x128xf32, #tpu.memory_space<hbm>> -> memref<320x128xf32, #tpu.memory_space<hbm>>
      %dma_start3A_53 = arith.constant 0 : i32
      %dma_start3A_54 = tpu.memref_slice %arg6[%mul3A_2, %dma_start3A_53] : memref<10240x128xf32, #tpu.memory_space<hbm>> -> memref<320x128xf32, #tpu.memory_space<hbm>>
      tpu.enqueue_dma source(%arg7 : memref<320x128xf32, #tpu.memory_space<vmem>>) target(%dma_start3A_54 : memref<320x128xf32, #tpu.memory_space<hbm>>) target_semaphore(%run_scoped3A : memref<!tpu.dma_semaphore, #tpu.memory_space<semaphore_mem>>)
      %dma_wait3A = arith.constant 0 : i32
      %dma_wait3A_55 = tpu.memref_slice %arg6[%mul3A_2, %dma_wait3A] : memref<10240x128xf32, #tpu.memory_space<hbm>> -> memref<320x128xf32, #tpu.memory_space<hbm>>
      %dma_wait3A_56 = arith.constant 0 : i32
      %dma_wait3A_57 = tpu.memref_slice %arg6[%mul3A_2, %dma_wait3A_56] : memref<10240x128xf32, #tpu.memory_space<hbm>> -> memref<320x128xf32, #tpu.memory_space<hbm>>
      tpu.wait_dma2 semaphore(%run_scoped3A : memref<!tpu.dma_semaphore, #tpu.memory_space<semaphore_mem>>) src(%arg7 : memref<320x128xf32, #tpu.memory_space<vmem>>) dst(%dma_wait3A_57 : memref<320x128xf32, #tpu.memory_space<hbm>>)
      tpu.yield
    }) : () -> ()
    return
  }
}

module attributes {stable_mosaic.version = 14 : i64} {
  func.func @body(%arg0: i32, %arg1: memref<640x128xf32, #tpu.memory_space<vmem>>, %arg2: memref<640x128xf32, #tpu.memory_space<vmem>>, %arg3: memref<128x128xf32, #tpu.memory_space<vmem>>, %arg4: memref<1x128xf32, #tpu.memory_space<vmem>>, %arg5: memref<128x1xf32, #tpu.memory_space<vmem>>, %arg6: memref<1x1x640xf32, #tpu.memory_space<vmem>>) attributes {dimension_semantics = [#tpu.dimension_semantics<arbitrary>], iteration_bounds = array<i64: 500>, scalar_prefetch = 0 : i64, scratch_operands = 0 : i64, tpu.core_type = #tpu.core_type<tc>, window_params = [{transform_indices = @transform_0, window_bounds = array<i64: 640, 128>}, {transform_indices = @transform_1, window_bounds = array<i64: 640, 128>}, {pipeline_mode = #tpu.pipeline_mode<synchronous>, transform_indices = @transform_2, window_bounds = array<i64: 128, 128>}, {pipeline_mode = #tpu.pipeline_mode<synchronous>, transform_indices = @transform_3, window_bounds = array<i64: 1, 128>}, {pipeline_mode = #tpu.pipeline_mode<synchronous>, transform_indices = @transform_4, window_bounds = array<i64: 128, 1>}, {transform_indices = @transform_5, window_bounds = array<i64: 1, 1, 640>}]} {
    %get3A = arith.constant 0 : index
    %get3A_0 = arith.constant 0 : index
    %get3A_1 = vector.load %arg1[%get3A, %get3A_0] : memref<640x128xf32, #tpu.memory_space<vmem>>, vector<640x128xf32>
    %get3A_2 = arith.constant 0 : index
    %get3A_3 = arith.constant 0 : index
    %get3A_4 = vector.load %arg2[%get3A_2, %get3A_3] : memref<640x128xf32, #tpu.memory_space<vmem>>, vector<640x128xf32>
    %mul3A = arith.mulf %get3A_1, %get3A_4 : vector<640x128xf32>
    %get3A_5 = arith.constant 0 : index
    %get3A_6 = arith.constant 0 : index
    %get3A_7 = vector.load %arg3[%get3A_5, %get3A_6] : memref<128x128xf32, #tpu.memory_space<vmem>>, vector<128x128xf32>
    %dot_general3A = arith.constant dense<0.000000e+00> : vector<640x128xf32>
    %dot_general3A_8 = tpu.matmul %mul3A, %get3A_7, %dot_general3A {dimension_numbers = #tpu.dot_dimension_numbers<[1], [0], [0], [1], [0, 0, 1, 1], [], []>, transpose_lhs_hint = false} : vector<640x128xf32>, vector<128x128xf32>, vector<640x128xf32> -> vector<640x128xf32>
    %get3A_9 = arith.constant 0 : index
    %get3A_10 = arith.constant 0 : index
    %get3A_11 = vector.load %arg4[%get3A_9, %get3A_10] : memref<1x128xf32, #tpu.memory_space<vmem>>, vector<1x128xf32>
    %add3A = vector.broadcast %get3A_11 : vector<1x128xf32> to vector<640x128xf32>
    %add3A_12 = arith.addf %dot_general3A_8, %add3A : vector<640x128xf32>
    %tanh3A = math.tanh %add3A_12 : vector<640x128xf32>
    %get3A_13 = arith.constant 0 : index
    %get3A_14 = arith.constant 0 : index
    %get3A_15 = vector.load %arg5[%get3A_13, %get3A_14] : memref<128x1xf32, #tpu.memory_space<vmem>>, vector<128x1xf32>
    %dot_general3A_16 = arith.constant dense<0.000000e+00> : vector<1x640xf32>
    %dot_general3A_17 = tpu.matmul %get3A_15, %tanh3A, %dot_general3A_16 {dimension_numbers = #tpu.dot_dimension_numbers<[0], [1], [1], [0], [0, 1, 1, 0], [], []>, transpose_lhs_hint = false} : vector<128x1xf32>, vector<640x128xf32>, vector<1x640xf32> -> vector<1x640xf32>
    %swap3A = arith.constant 0 : index
    %swap3A_18 = arith.constant 0 : index
    %swap3A_19 = arith.constant 0 : index
    %swap3A_20 = vector.load %arg6[%swap3A, %swap3A_18, %swap3A_19] : memref<1x1x640xf32, #tpu.memory_space<vmem>>, vector<1x1x640xf32>
    %swap3A_21 = vector.shape_cast %swap3A_20 : vector<1x1x640xf32> to vector<1x640xf32>
    %swap3A_22 = vector.shape_cast %dot_general3A_17 : vector<1x640xf32> to vector<1x1x640xf32>
    tpu.vector_store %arg6[%swap3A, %swap3A_18, %swap3A_19], %swap3A_22 {strides = array<i32>} : memref<1x1x640xf32, #tpu.memory_space<vmem>>, vector<1x1x640xf32>,
    return
  }
  func.func @transform_0(%arg0: i32) -> (i32, i32) {
    %c0_i32 = arith.constant 0 : i32
    %c0_i32_0 = arith.constant 0 : i32
    return %arg0, %c0_i32 : i32, i32
  }
  func.func @transform_1(%arg0: i32) -> (i32, i32) {
    %c0_i32 = arith.constant 0 : i32
    %c0_i32_0 = arith.constant 0 : i32
    return %arg0, %c0_i32 : i32, i32
  }
  func.func @transform_2(%arg0: i32) -> (i32, i32) {
    %c0_i32 = arith.constant 0 : i32
    %c0_i32_0 = arith.constant 0 : i32
    %c0_i32_1 = arith.constant 0 : i32
    return %c0_i32, %c0_i32_0 : i32, i32
  }
  func.func @transform_3(%arg0: i32) -> (i32, i32) {
    %c0_i32 = arith.constant 0 : i32
    %c0_i32_0 = arith.constant 0 : i32
    %c0_i32_1 = arith.constant 0 : i32
    return %c0_i32, %c0_i32_0 : i32, i32
  }
  func.func @transform_4(%arg0: i32) -> (i32, i32) {
    %c0_i32 = arith.constant 0 : i32
    %c0_i32_0 = arith.constant 0 : i32
    %c0_i32_1 = arith.constant 0 : i32
    return %c0_i32, %c0_i32_0 : i32, i32
  }
  func.func @transform_5(%arg0: i32) -> (i32, i32, i32) {
    %c0_i32 = arith.constant 0 : i32
    %c0_i32_0 = arith.constant 0 : i32
    %c0_i32_1 = arith.constant 0 : i32
    return %arg0, %c0_i32, %c0_i32_0 : i32, i32, i32
  }
}

module attributes {stable_mosaic.version = 14 : i64} {
  func.func @body(%arg0: memref<2500x128xf32, #tpu.memory_space<vmem>>, %arg1: memref<2500x128xf32, #tpu.memory_space<vmem>>, %arg2: memref<2500x128xf32, #tpu.memory_space<vmem>>) attributes {dimension_semantics = [], scalar_prefetch = 0 : i64, scratch_operands = 0 : i64, tpu.core_type = #tpu.core_type<tc>} {
    %get3A = arith.constant 0 : index
    %get3A_0 = arith.constant 0 : index
    %get3A_1 = vector.load %arg0[%get3A, %get3A_0] : memref<2500x128xf32, #tpu.memory_space<vmem>>, vector<2500x128xf32>
    %get3A_2 = arith.constant 0 : index
    %get3A_3 = arith.constant 0 : index
    %get3A_4 = vector.load %arg1[%get3A_2, %get3A_3] : memref<2500x128xf32, #tpu.memory_space<vmem>>, vector<2500x128xf32>
    %sub3A = arith.subf %get3A_1, %get3A_4 : vector<2500x128xf32>
    %exp3A = math.exp %sub3A : vector<2500x128xf32>
    %swap3A = arith.constant 0 : index
    %swap3A_5 = arith.constant 0 : index
    %swap3A_6 = vector.load %arg2[%swap3A, %swap3A_5] : memref<2500x128xf32, #tpu.memory_space<vmem>>, vector<2500x128xf32>
    tpu.vector_store %arg2[%swap3A, %swap3A_5], %exp3A {strides = array<i32>} : memref<2500x128xf32, #tpu.memory_space<vmem>>, vector<2500x128xf32>,
    return
  }
}

module attributes {stable_mosaic.version = 14 : i64} {
  func.func @body(%arg0: memref<2500x128xf32, #tpu.memory_space<vmem>>, %arg1: memref<2500x128xf32, #tpu.memory_space<vmem>>, %arg2: memref<2500x128xf32, #tpu.memory_space<vmem>>) attributes {dimension_semantics = [], scalar_prefetch = 0 : i64, scratch_operands = 0 : i64, tpu.core_type = #tpu.core_type<tc>} {
    %get3A = arith.constant 0 : index
    %get3A_0 = arith.constant 0 : index
    %get3A_1 = vector.load %arg0[%get3A, %get3A_0] : memref<2500x128xf32, #tpu.memory_space<vmem>>, vector<2500x128xf32>
    %get3A_2 = arith.constant 0 : index
    %get3A_3 = arith.constant 0 : index
    %get3A_4 = vector.load %arg1[%get3A_2, %get3A_3] : memref<2500x128xf32, #tpu.memory_space<vmem>>, vector<2500x128xf32>
    %add3A = arith.constant 1.000000e-16 : f32
    %add3A_5 = vector.broadcast %add3A : f32 to vector<2500x128xf32>
    %add3A_6 = arith.addf %get3A_4, %add3A_5 : vector<2500x128xf32>
    %div3A = arith.divf %get3A_1, %add3A_6 : vector<2500x128xf32>
    %swap3A = arith.constant 0 : index
    %swap3A_7 = arith.constant 0 : index
    %swap3A_8 = vector.load %arg2[%swap3A, %swap3A_7] : memref<2500x128xf32, #tpu.memory_space<vmem>>, vector<2500x128xf32>
    tpu.vector_store %arg2[%swap3A, %swap3A_7], %div3A {strides = array<i32>} : memref<2500x128xf32, #tpu.memory_space<vmem>>, vector<2500x128xf32>,
    return
  }
}

module attributes {stable_mosaic.version = 14 : i64} {
  func.func @body(%arg0: memref<10000x128xf32, #tpu.memory_space<vmem>>, %arg1: memref<10000x128xf32, #tpu.memory_space<vmem>>, %arg2: memref<128x128xf32, #tpu.memory_space<vmem>>, %arg3: memref<1x128xf32, #tpu.memory_space<vmem>>, %arg4: memref<128x128xf32, #tpu.memory_space<vmem>>, %arg5: memref<1x128xf32, #tpu.memory_space<vmem>>, %arg6: memref<10000x128xf32, #tpu.memory_space<vmem>>) attributes {dimension_semantics = [], scalar_prefetch = 0 : i64, scratch_operands = 0 : i64, tpu.core_type = #tpu.core_type<tc>} {
    %get3A = arith.constant 0 : index
    %get3A_0 = arith.constant 0 : index
    %get3A_1 = vector.load %arg0[%get3A, %get3A_0] : memref<10000x128xf32, #tpu.memory_space<vmem>>, vector<10000x128xf32>
    %get3A_2 = arith.constant 0 : index
    %get3A_3 = arith.constant 0 : index
    %get3A_4 = vector.load %arg2[%get3A_2, %get3A_3] : memref<128x128xf32, #tpu.memory_space<vmem>>, vector<128x128xf32>
    %dot_general3A = arith.constant dense<0.000000e+00> : vector<10000x128xf32>
    %dot_general3A_5 = tpu.matmul %get3A_1, %get3A_4, %dot_general3A {dimension_numbers = #tpu.dot_dimension_numbers<[1], [0], [0], [1], [0, 0, 1, 1], [], []>, transpose_lhs_hint = false} : vector<10000x128xf32>, vector<128x128xf32>, vector<10000x128xf32> -> vector<10000x128xf32>
    %get3A_6 = arith.constant 0 : index
    %get3A_7 = arith.constant 0 : index
    %get3A_8 = vector.load %arg3[%get3A_6, %get3A_7] : memref<1x128xf32, #tpu.memory_space<vmem>>, vector<1x128xf32>
    %add3A = vector.broadcast %get3A_8 : vector<1x128xf32> to vector<10000x128xf32>
    %add3A_9 = arith.addf %dot_general3A_5, %add3A : vector<10000x128xf32>
    %get3A_10 = arith.constant 0 : index
    %get3A_11 = arith.constant 0 : index
    %get3A_12 = vector.load %arg1[%get3A_10, %get3A_11] : memref<10000x128xf32, #tpu.memory_space<vmem>>, vector<10000x128xf32>
    %get3A_13 = arith.constant 0 : index
    %get3A_14 = arith.constant 0 : index
    %get3A_15 = vector.load %arg4[%get3A_13, %get3A_14] : memref<128x128xf32, #tpu.memory_space<vmem>>, vector<128x128xf32>
    %dot_general3A_16 = arith.constant dense<0.000000e+00> : vector<10000x128xf32>
    %dot_general3A_17 = tpu.matmul %get3A_12, %get3A_15, %dot_general3A_16 {dimension_numbers = #tpu.dot_dimension_numbers<[1], [0], [0], [1], [0, 0, 1, 1], [], []>, transpose_lhs_hint = false} : vector<10000x128xf32>, vector<128x128xf32>, vector<10000x128xf32> -> vector<10000x128xf32>
    %add3A_18 = arith.addf %add3A_9, %dot_general3A_17 : vector<10000x128xf32>
    %get3A_19 = arith.constant 0 : index
    %get3A_20 = arith.constant 0 : index
    %get3A_21 = vector.load %arg5[%get3A_19, %get3A_20] : memref<1x128xf32, #tpu.memory_space<vmem>>, vector<1x128xf32>
    %add3A_22 = vector.broadcast %get3A_21 : vector<1x128xf32> to vector<10000x128xf32>
    %add3A_23 = arith.addf %add3A_18, %add3A_22 : vector<10000x128xf32>
    %swap3A = arith.constant 0 : index
    %swap3A_24 = arith.constant 0 : index
    %swap3A_25 = vector.load %arg6[%swap3A, %swap3A_24] : memref<10000x128xf32, #tpu.memory_space<vmem>>, vector<10000x128xf32>
    tpu.vector_store %arg6[%swap3A, %swap3A_24], %add3A_23 {strides = array<i32>} : memref<10000x128xf32, #tpu.memory_space<vmem>>, vector<10000x128xf32>,
    return
  }
}

module attributes {stable_mosaic.version = 14 : i64} {
  func.func @body(%arg0: i32, %arg1: memref<1x1250x128xf32, #tpu.memory_space<vmem>>, %arg2: memref<1x1x1250xf32, #tpu.memory_space<vmem>>, %arg3: memref<1x1250x1xf32, #tpu.memory_space<vmem>>, %arg4: memref<1x625x128xf32, #tpu.memory_space<vmem>>) attributes {dimension_semantics = [#tpu.dimension_semantics<arbitrary>], iteration_bounds = array<i64: 8>, scalar_prefetch = 0 : i64, scratch_operands = 0 : i64, tpu.core_type = #tpu.core_type<tc>, window_params = [{transform_indices = @transform_0, window_bounds = array<i64: 1, 1250, 128>}, {transform_indices = @transform_1, window_bounds = array<i64: 1, 1, 1250>}, {transform_indices = @transform_2, window_bounds = array<i64: 1, 1250, 1>}, {transform_indices = @transform_3, window_bounds = array<i64: 1, 625, 128>}]} {
    %get3A = arith.constant 0 : index
    %get3A_0 = arith.constant 0 : index
    %get3A_1 = arith.constant 0 : index
    %get3A_2 = vector.load %arg1[%get3A, %get3A_0, %get3A_1] : memref<1x1250x128xf32, #tpu.memory_space<vmem>>, vector<1x1250x128xf32>
    %get3A_3 = vector.shape_cast %get3A_2 : vector<1x1250x128xf32> to vector<1250x128xf32>
    %get3A_4 = arith.constant 0 : index
    %get3A_5 = arith.constant 0 : index
    %get3A_6 = arith.constant 0 : index
    %get3A_7 = vector.load %arg2[%get3A_4, %get3A_5, %get3A_6] : memref<1x1x1250xf32, #tpu.memory_space<vmem>>, vector<1x1x1250xf32>
    %get3A_8 = vector.shape_cast %get3A_7 : vector<1x1x1250xf32> to vector<1x1250xf32>
    %get3A_9 = arith.constant 0 : index
    %get3A_10 = arith.constant 0 : index
    %get3A_11 = arith.constant 0 : index
    %get3A_12 = vector.load %arg3[%get3A_9, %get3A_10, %get3A_11] : memref<1x1250x1xf32, #tpu.memory_space<vmem>>, vector<1x1250x1xf32>
    %get3A_13 = vector.shape_cast %get3A_12 : vector<1x1250x1xf32> to vector<1250x1xf32>
    %iota3A = tpu.iota {dimensions = array<i32: 0>} : vector<1250x1xi32>
    %iota3A_14 = tpu.iota {dimensions = array<i32: 1>} : vector<1x1250xi32>
    %gt3A = vector.broadcast %get3A_13 : vector<1250x1xf32> to vector<1250x1250xf32>
    %gt3A_15 = vector.broadcast %get3A_8 : vector<1x1250xf32> to vector<1250x1250xf32>
    %gt3A_16 = arith.cmpf ogt, %gt3A, %gt3A_15 : vector<1250x1250xf32>
    %eq3A = vector.broadcast %get3A_13 : vector<1250x1xf32> to vector<1250x1250xf32>
    %eq3A_17 = vector.broadcast %get3A_8 : vector<1x1250xf32> to vector<1250x1250xf32>
    %eq3A_18 = arith.cmpf oeq, %eq3A, %eq3A_17 : vector<1250x1250xf32>
    %lt3A = vector.broadcast %iota3A : vector<1250x1xi32> to vector<1250x1250xi32>
    %lt3A_19 = vector.broadcast %iota3A_14 : vector<1x1250xi32> to vector<1250x1250xi32>
    %lt3A_20 = arith.cmpi slt, %lt3A, %lt3A_19 : vector<1250x1250xi32>
    %and3A = arith.andi %eq3A_18, %lt3A_20 : vector<1250x1250xi1>
    %or3A = arith.ori %gt3A_16, %and3A : vector<1250x1250xi1>
    %convert_element_type3A = arith.extui %or3A : vector<1250x1250xi1> to vector<1250x1250xi32>
    %convert_element_type3A_21 = arith.sitofp %convert_element_type3A : vector<1250x1250xi32> to vector<1250x1250xf32>
    %broadcast_in_dim3A = arith.constant 1.000000e+00 : f32
    %broadcast_in_dim3A_22 = vector.broadcast %broadcast_in_dim3A : f32 to vector<1x1250xf32>
    %dot_general3A = arith.constant dense<0.000000e+00> : vector<1x1250xf32>
    %dot_general3A_23 = tpu.matmul %broadcast_in_dim3A_22, %convert_element_type3A_21, %dot_general3A {dimension_numbers = #tpu.dot_dimension_numbers<[1], [0], [0], [1], [0, 0, 1, 1], [], []>, transpose_lhs_hint = false} : vector<1x1250xf32>, vector<1250x1250xf32>, vector<1x1250xf32> -> vector<1x1250xf32>
    %iota3A_24 = tpu.iota {dimensions = array<i32: 0>} : vector<625x1xi32>
    %convert_element_type3A_25 = arith.sitofp %iota3A_24 : vector<625x1xi32> to vector<625x1xf32>
    %eq3A_26 = vector.broadcast %dot_general3A_23 : vector<1x1250xf32> to vector<625x1250xf32>
    %eq3A_27 = vector.broadcast %convert_element_type3A_25 : vector<625x1xf32> to vector<625x1250xf32>
    %eq3A_28 = arith.cmpf oeq, %eq3A_26, %eq3A_27 : vector<625x1250xf32>
    %convert_element_type3A_29 = arith.extui %eq3A_28 : vector<625x1250xi1> to vector<625x1250xi32>
    %convert_element_type3A_30 = arith.sitofp %convert_element_type3A_29 : vector<625x1250xi32> to vector<625x1250xf32>
    %mul3A = vector.broadcast %get3A_13 : vector<1250x1xf32> to vector<1250x128xf32>
    %mul3A_31 = arith.mulf %get3A_3, %mul3A : vector<1250x128xf32>
    %dot_general3A_32 = arith.constant dense<0.000000e+00> : vector<625x128xf32>
    %dot_general3A_33 = tpu.matmul %convert_element_type3A_30, %mul3A_31, %dot_general3A_32 {dimension_numbers = #tpu.dot_dimension_numbers<[1], [0], [0], [1], [0, 0, 1, 1], [], []>, precision = #tpu.contract_precision<fp32>, transpose_lhs_hint = false} : vector<625x1250xf32>, vector<1250x128xf32>, vector<625x128xf32> -> vector<625x128xf32>
    %swap3A = arith.constant 0 : index
    %swap3A_34 = arith.constant 0 : index
    %swap3A_35 = arith.constant 0 : index
    %swap3A_36 = vector.load %arg4[%swap3A, %swap3A_34, %swap3A_35] : memref<1x625x128xf32, #tpu.memory_space<vmem>>, vector<1x625x128xf32>
    %swap3A_37 = vector.shape_cast %swap3A_36 : vector<1x625x128xf32> to vector<625x128xf32>
    %swap3A_38 = vector.shape_cast %dot_general3A_33 : vector<625x128xf32> to vector<1x625x128xf32>
    tpu.vector_store %arg4[%swap3A, %swap3A_34, %swap3A_35], %swap3A_38 {strides = array<i32>} : memref<1x625x128xf32, #tpu.memory_space<vmem>>, vector<1x625x128xf32>,
    return
  }
  func.func @transform_0(%arg0: i32) -> (i32, i32, i32) {
    %c0_i32 = arith.constant 0 : i32
    %c0_i32_0 = arith.constant 0 : i32
    %c0_i32_1 = arith.constant 0 : i32
    return %arg0, %c0_i32, %c0_i32_0 : i32, i32, i32
  }
  func.func @transform_1(%arg0: i32) -> (i32, i32, i32) {
    %c0_i32 = arith.constant 0 : i32
    %c0_i32_0 = arith.constant 0 : i32
    %c0_i32_1 = arith.constant 0 : i32
    return %arg0, %c0_i32, %c0_i32_0 : i32, i32, i32
  }
  func.func @transform_2(%arg0: i32) -> (i32, i32, i32) {
    %c0_i32 = arith.constant 0 : i32
    %c0_i32_0 = arith.constant 0 : i32
    %c0_i32_1 = arith.constant 0 : i32
    return %arg0, %c0_i32, %c0_i32_0 : i32, i32, i32
  }
  func.func @transform_3(%arg0: i32) -> (i32, i32, i32) {
    %c0_i32 = arith.constant 0 : i32
    %c0_i32_0 = arith.constant 0 : i32
    %c0_i32_1 = arith.constant 0 : i32
    return %arg0, %c0_i32, %c0_i32_0 : i32, i32, i32
  }
}

</mosaic_0001>

<sc_bundles>
// kernel: kernel.12.cloned.1.call-start
scs
__scs_entry_jumppad:
0x0: {  	(pc) =	sbr.rel $0x88, $3  }
0x1: {  	(tag) =	ssettag $0x0;
	lr =	simm.s32 $0x1  }
0x2: {  	[smem:$0x3F94] =	sst lr;
	_ =	strace $0xD0000000  }
0x3: {  	_ = 	snop  }
0x4: {  	_ = 	snop  }
0x5: {  	_ = 	snop  }
0x6: {  	_ = 	snop  }
0x7: {  	_ = 	snop  }
__scs_overlays_trampoline_lowered:
0x8: {  	[smem:$0x3FA3] =	sst s0  }
0x9: {  	[smem:$0x3FA4] =	sst s1  }
0xa: {  	[smem:$0x3FA5] =	sst s2  }
0xb: {  	[smem:$0x3FA6] =	sst s3  }
0xc: {  	[smem:$0x3FA7] =	sst s4  }
0xd: {  	[smem:$0x3FA8] =	sst s5  }
0xe: {  	[smem:$0x3FA9] =	sst s6  }
0xf: {  	[smem:$0x3FAA] =	sst s7  }
0x10: {  	[smem:$0x3FAB] =	sst s8  }
0x11: {  	[smem:$0x3FAC] =	sst s9;
	s0 =	simm.s32 @!p0 $0x0  }
0x12: {  	s1 =	sld [smem:$0x3F92];
	s0 =	simm.s32 @p0 $0x1  }
0x13: {  	[smem:$0x3FAD] =	sst s0;
	s0 =	simm.s32 @!p1 $0x0  }
0x14: {  	s2 =	sld [smem:$0x3F91];
	s0 =	simm.s32 @p1 $0x1  }
0x15: {  	[smem:$0x3FAE] =	sst s0;
	s0 =	simm.s32 @!p2 $0x0  }
0x16: {  	s3 =	sld [smem:$0x3FDB];
	s0 =	simm.s32 @p2 $0x1  }
0x17: {  	s4 =	simm.s32 $0x1BF5;
	[smem:$0x3FB0] =	sst s0  }
0x18: {  	s0 =	sld [smem:$0x3F93];
	_ =	swait.ge [sflag:s4], $0x0  }
0x19: {  	s7 =	sld [smem:$0x3F94]  }
0x1a: {  	s8 =	sadd.s32 $0xFFFFE003, lr  }
0x1b: {  	s9 =	sadd.s32 $0xFFFFFEF7, lr;
	s5 =	simm.s32 $0xFFFFFFFF;
	p2 =	slt.u32 s8, $0xFFFFF086  }
0x1c: {  	p1 =	slt.u32 s9, $0xF7A;
	s5 =	simm.s32 @!p2 $0x0  }
0x1d: {  	s5 =	simm.s32 @p1 $0x1;
	p0 =	seq.s32 s7, s2  }
0x1e: {  	s7 =	smul.u32 @!p0 $0xF7A, s2;
	p2 =	seq.s32 @!p0 s5, $0x0  }
0x1f: {  	s9 =	smul.u32 $0xF7A, s1;
	s8 =	simm.s32 @!p0 $0x1BF5;
	p2 =	por !p2, p0  }
0x20: {  	[sflag:s8] =	ssyncset.s32 @!p0 $0xFFFFF086;
	s6 =	sadd.s32 @!p0 s3, s7;
	s7 =	simm.s32 @!p0 $0x108  }
0x21: {  	s3 =	sadd.s32 s3, s9;
	s6 =	sadd.s32 @!p0 $0x88, s6;
	s7 =	simm.s32 @p2 $0x1082  }
0x22: {  	[simem:s7], [sflag:s8] =	dma.local @!p0 [hbm:s6], $0xF7A  }
0x23: {  	s9 =	sor.u32 $0xD0000000, s2;
	s6 =	simm.s32 $0x108;
	_ =	swait.ge @!p0 [sflag:s8], $0x0  }
0x24: {  	s3 =	sadd.s32 $0x88, s3;
	s6 =	simm.s32 @!p1 $0x1082;
	[sflag:s4] =	ssyncset.s32 $0xFFFFF086  }
0x25: {  	[simem:s6], [sflag:s4] =	dma.local [hbm:s3], $0xF7A  }
0x26: {  	[smem:$0x3F94] =	sst s1;
	(tag) =	ssettag s2;
	_ =	strace s9  }
0x27: {  	s1 =	sld [smem:$0x3FA4]  }
0x28: {  	s2 =	sld [smem:$0x3FA5]  }
0x29: {  	s4 =	sld [smem:$0x3FA7]  }
0x2a: {  	p0 =	seq.s32 s5, $0x0;
	s5 =	sld [smem:$0x3FA8]  }
0x2b: {  	s6 =	sld [smem:$0x3FA9]  }
0x2c: {  	s7 =	sld [smem:$0x3FAA]  }
0x2d: {  	s3 =	simm.s32 $0x108;
	s8 =	sld [smem:$0x3FAB]  }
0x2e: {  	s3 =	simm.s32 @!p0 $0x1082;
	s9 =	sld [smem:$0x3FAC]  }
0x2f: {  	lr =	sadd.s32 s0, s3;
	s0 =	sld [smem:$0x3FA3]  }
0x30: {  	s3 =	sld [smem:$0x3FA6]  }
0x31: {  	[smem:$0x3FAF] =	sst s10  }
0x32: {  	s10 =	sld [smem:$0x3FAD];
	_ =	sdelay $0x3  }
0x33: {  	p0 =	seq.s32 s10, $0x1;
	s10 =	sld [smem:$0x3FAF];
	_ =	sdelay $0x3  }
0x34: {  	[smem:$0x3FAF] =	sst s10  }
0x35: {  	s10 =	sld [smem:$0x3FAE];
	_ =	sdelay $0x3  }
0x36: {  	p1 =	seq.s32 s10, $0x1;
	s10 =	sld [smem:$0x3FAF];
	_ =	sdelay $0x3  }
0x37: {  	[smem:$0x3FAF] =	sst s10  }
0x38: {  	s10 =	sld [smem:$0x3FB0]  }
0x39: {  	_ = 	snop;
	(pc) =	sbr.ind lr, $3  }
0x3a: {  	_ = 	snop  }
0x3b: {  	_ = 	snop  }
0x3c: {  	p2 =	seq.s32 s10, $0x1;
	s10 =	sld [smem:$0x3FAF]  }
0x3d: {  	_ =	shalt  }
0x3e: {  	_ =	shalt  }
0x3f: {  	_ =	shalt  }
0x40: {  	_ =	shalt  }
0x41: {  	_ =	shalt  }
0x42: {  	_ =	shalt  }
0x43: {  	_ =	shalt  }
0x44: {  	_ =	shalt  }
0x45: {  	_ =	shalt  }
0x46: {  	_ =	shalt  }
0x47: {  	_ =	shalt  }
0x48: {  	_ =	shalt  }
0x49: {  	_ =	shalt  }
0x4a: {  	_ =	shalt  }
0x4b: {  	_ =	shalt  }
0x4c: {  	_ =	shalt  }
0x4d: {  	_ =	shalt  }
0x4e: {  	_ =	shalt  }
0x4f: {  	_ =	shalt  }
0x50: {  	_ =	shalt  }
0x51: {  	_ =	shalt  }
0x52: {  	_ =	shalt  }
0x53: {  	_ =	shalt  }
0x54: {  	_ =	shalt  }
0x55: {  	_ =	shalt  }
0x56: {  	_ =	shalt  }
0x57: {  	_ =	shalt  }
0x58: {  	_ =	shalt  }
0x59: {  	_ =	shalt  }
0x5a: {  	_ =	shalt  }
0x5b: {  	_ =	shalt  }
0x5c: {  	_ =	shalt  }
0x5d: {  	_ =	shalt  }
0x5e: {  	_ =	shalt  }
0x5f: {  	_ =	shalt  }
0x60: {  	_ =	shalt  }
0x61: {  	_ =	shalt  }
0x62: {  	_ =	shalt  }
0x63: {  	_ =	shalt  }
0x64: {  	_ =	shalt  }
0x65: {  	_ =	shalt  }
0x66: {  	_ =	shalt  }
0x67: {  	_ =	shalt  }
0x68: {  	_ =	shalt  }
0x69: {  	_ =	shalt  }
0x6a: {  	_ =	shalt  }
0x6b: {  	_ =	shalt  }
0x6c: {  	_ =	shalt  }
0x6d: {  	_ =	shalt  }
0x6e: {  	_ =	shalt  }
0x6f: {  	_ =	shalt  }
0x70: {  	_ =	shalt  }
0x71: {  	_ =	shalt  }
0x72: {  	_ =	shalt  }
0x73: {  	_ =	shalt  }
0x74: {  	_ =	shalt  }
0x75: {  	_ =	shalt  }
0x76: {  	_ =	shalt  }
0x77: {  	_ =	shalt  }
0x78: {  	_ =	shalt  }
0x79: {  	_ =	shalt  }
0x7a: {  	_ =	shalt  }
0x7b: {  	_ =	shalt  }
0x7c: {  	_ =	shalt  }
0x7d: {  	_ =	shalt  }
0x7e: {  	_ =	shalt  }
0x7f: {  	_ =	shalt  }
0x80: {  	_ =	shalt  }
0x81: {  	_ =	shalt  }
0x82: {  	_ =	shalt  }
0x83: {  	_ =	shalt  }
0x84: {  	_ =	shalt  }
0x85: {  	_ =	shalt  }
0x86: {  	_ =	shalt  }
0x87: {  	_ =	shalt  }
.Lfunc_end0:
.L_simem_size_0:
called_computation.1_lowered:
.L_overlay_start_0:
0x88: {  	s2 =	sld [smem:$0x3FD9]  }
0x89: {  	s3 =	sld [smem:$0x3FFE];
	_ =	sdelay $0x1  }
0x8a: {  	s1 =	srdreg.scid  }
0x8b: {  	s0 =	sand.u32 $0x1, s1  }
0x8c: {  	s17 =	sshll.u32 s0, $0xA;
	s2 =	sadd.s32 s3, s2  }
0x8d: {  	s2 =	sadd.s32 s2, s17  }
0x8e: {  	[smem:$0x3FBB] =	sst s2  }
0x8f: {  	_ = 	snop  }
0x90: {  	s2 =	sld [smem:$0x3FD0];
	(tm) =	ssettm $0x1  }
0x91: {  	s18 =	sld [smem:$0x3FFB];
	_ =	sdelay $0x3  }
0x92: {  	_ =	strace s18  }
0x93: {  	s3 =	sld [smem:$0x3FFC];
	_ =	sdelay $0x3  }
0x94: {  	_ =	strace s3  }
0x95: {  	s3 =	sld [smem:$0x3FFD];
	_ =	sdelay $0x3  }
0x96: {  	_ =	strace s3  }
0x97: {  	_ =	strace $0x8FFFFFFF  }
0x98: {  	s19 =	sld [smem:$0x3FDB];
	_ =	sdelay $0x1  }
0x99: {  	s4 =	simm.s32 $_scs_section_size  }
0x9a: {  	s5 =	simm.s32 $_size__tile_overlayer_lowered;
	s6 =	simm.s32 $_tile_overlayer_lowered  }
0x9b: {  	s22 =	simm.s32 $0x1BFF;
	s21 =	sshll.u32 s6, $0x1;
	s3 =	sadd.s32 s4, s19  }
0x9c: {  	s7 =	simm.s32 $0x0;
	s20 =	sshll.u32 s5, $0x1;
	s5 =	sadd.s32 s21, s3  }
0x9d: {  	[timem:s7], [sflag:s22] =	dma.local [hbm:s5], s20  }
0x9e: {  	_ =	swait.ge [sflag:s22], s20  }
0x9f: {  	s4 =	ssub.s32 $0x0, s20;
	[sflag:s22] =	ssyncset.done $0x0  }
0xa0: {  	[sflag:s22] =	ssyncadd.s32 s4;
	_ =	sdelay $0x1  }
0xa1: {  	s23 =	simm.s32 $0x1B8B  }
0xa2: {  	_ =	swait.ge [sflag:s23], $0x1  }
0xa3: {  	[sflag:s23] =	ssyncset.done $0x0  }
0xa4: {  	s25 =	simm.s32 $0x1B8E;
	s24 =	sld [smem:$0x3FFE];
	[sflag:s23] =	ssyncadd.s32 $0xFFFFFFFF  }
0xa5: {  	s26 =	simm.s32 $execute0_lowered;
	[smem:$0x3FD2] =	sst s25  }
0xa6: {  	s5 =	sshll.u32 s26, $0x1;
	_ =	strace $0x80000046;
	[dreg:$0x1] =	wrdreg $0xFFFFFFFF  }
0xa7: {  	s28 =	simm.s32 $_size_execute0_lowered;
	s3 =	sadd.s32 s3, s5;
	[dreg:$0x0] =	wrdreg $0x0  }
0xa8: {  	s5 =	sshll.u32 s28, $0x1;
	[dreg:$0x2] =	wrdreg s3  }
0xa9: {  	[dreg:$0x3] =	wrdreg s5  }
0xaa: {  	[dreg:$0x4] =	wrdreg $0xC0  }
0xab: {  	_ =	task [dreg:s7], $0x5FFFF  }
0xac: {  	[dreg:$0x1] =	wrdreg $0xFFFFFFFF  }
0xad: {  	[dreg:$0x0] =	wrdreg $0x60  }
0xae: {  	[dreg:$0x2] =	wrdreg s24  }
0xaf: {  	[dreg:$0x3] =	wrdreg s2  }
0xb0: {  	[dreg:$0x4] =	wrdreg $0x9  }
0xb1: {  	_ =	task.clear_ibuf [dreg:s7], $0x5FFFF;
	_ =	strace $0x90000046  }
0xb2: {  	s29 =	simm.s32 $0x9;
	_ =	strace $0x80000048  }
0xb3: {  	_ =	swait.ge [sflag:s29], $0x1  }
0xb4: {  	[sflag:s29] =	ssyncadd.s32 $0xFFFFFFFF  }
0xb5: {  	_ =	strace $0x90000048  }
0xb6: {  	_ =	sfence  }
0xb7: {  	s30 =	sld [smem:$0x0];
	_ =	sdelay $0x2  }
0xb8: {  	s31 =	sshll.u32 s1, $0xD;
	s1 =	sshrl.u32 s1, $0x2  }
0xb9: {  	s3 =	sand.u32 $0x4000, s31;
	s1 =	sadd.s32 s1, s30  }
0xba: {  	s0 =	sor.u32 s3, s0;
	s1 =	sshll.u32 s1, $0x11  }
0xbb: {  	s0 =	sor.u32 s1, s0  }
0xbc: {  	s0 =	sadd.s32 $0x8F2B, s0  }
0xbd: {  	[sflag:s0] =	ssyncadd.remote.s32 $0x1  }
0xbe: {  	_ =	sfence.sel $0xFFFF  }
0xbf: {  	[dreg:$0x0] =	wrdreg $0xFFFFFFFF;
	(pc) =	sbr.abs _section_cstart, $3  }
0xc0: {  	[dreg:$0x1] =	wrdreg $0xFFFFFFFF  }
0xc1: {  	_ =	task.clear_ibuf [dreg:s7], $0x2FFFF;
	_ =	strace $0x9FFFFFFF  }
0xc2: {  	(tm) =	ssettm $0x7FFFFFFF  }
0xc3: {  	_ =	shalt  }
tec
execute0_lowered:
.L_overlay_start_1:
0x0: {  	(tag) =	ssettag $0x1  }
0x1: {  	s4 =	rddreg [dreg:$0x0]  }
0x2: {  	s5 =	rddreg [dreg:$0x1]  }
0x3: {  	s0 =	rddreg [dreg:$0x2];
	s1 =	simm.s32 $0x0  }
0x4: {  	s6 =	srdreg.scid;
	s2 =	stileid.u32;
	s11 =	simm.s32 $0x50  }
0x5: {  	s12 =	simm.s32 $0x8000;
	s13 =	simm.s32 $0xA800;
	s14 =	simm.s32 $0x1  }
0x6: {  	s15 =	simm.s32 $0x2;
	s16 =	simm.s32 $0x0;
	[smem:$0x7FF] =	sst s1  }
0x7: {  	s3 =	sadd.s32 $0x1BE00, s4;
	s6 =	sand.u32 $0x1, s6;
	s30 =	smul.u32 $0x27100, s2  }
0x8: {  	s7 =	sshll.u32 s2, $0xB;
	s8 =	sshll.u32 s6, $0xF;
	s9 =	smul.u32 $0x271000, s6  }
0x9: {  	_ =	strace $0x80000047;
	s6 =	ssub.s32 $0x2, s6;
	s7 =	sor.u32 s7, s8  }
0xa: {  	s31 =	sshrl.u32 s6, $0x1;
	s10 =	sadd.s32 s7, s4;
	s9 =	sadd.s32 s9, s4  }
0xb: {  	s6 =	ssub.s32 s6, s31;
	s4 =	sadd.s32 s5, s7;
	s8 =	sadd.s32 s30, s9  }
0xc: {  	s5 =	sadd.s32 $0xBE00, s10;
	s6 =	smax.u32 s6, $0x1;
	s9 =	simm.s32 $0x3  }
0xd: {  	s10 =	simm.s32 $0x4000;
	s7 =	sadd.s32 $0x43000, s8;
	s8 =	sadd.s32 $0x525000, s8  }
.LBB2_1:
0xe: {  	[tilespmem:s1], [sflag:$0x3] =	stream.linear.gather [hbm4b:s4+s1], $0x3E80, $0x38;
	[tilespmem:$0xD000] =	vst v63  }
0xf: {  	_ =	swait.ge [sflag:s9], $0x3E80  }
0x10: {  	[sflag:s9] =	ssyncset.done $0x0  }
0x11: {  	[sflag:s9] =	ssyncadd.s32 $0xFFFFC180  }
0x12: {  	[tilespmem:s10], [sflag:$0x3] =	stream.linear.gather [hbm4b:s5+s1], $0x3E80, $0x38;
	[tilespmem:$0xD000] =	vst v63  }
0x13: {  	_ =	swait.ge [sflag:s9], $0x3E80  }
0x14: {  	[sflag:s9] =	ssyncset.done $0x0  }
0x15: {  	s17 =	simm.s32 $0x4000;
	[sflag:s9] =	ssyncadd.s32 $0xFFFFC180  }
0x16: {  	[tilespmem:s12], [sflag:$0x1] =	stream.indirect.gather [hbm4b:s3+s11], $0x80, s17, s11, $0xb8;
	[tilespmem:$0xD000] =	vst v63  }
0x17: {  	s31 =	simm.s32 $0x0  }
0x18: {  	[tilespmem:s13], [sflag:$0x2] =	stream.indirect.gather [hbm4b:s3+s11], $0x80, s31, s11, $0xb8;
	[tilespmem:$0xD000] =	vst v63  }
0x19: {  	_ =	swait.ge [sflag:s14], $0x2800  }
0x1a: {  	[sflag:s14] =	ssyncset.done $0x0  }
0x1b: {  	[sflag:s14] =	ssyncadd.s32 $0xFFFFD800  }
0x1c: {  	_ =	swait.ge [sflag:s15], $0x2800  }
0x1d: {  	[sflag:s15] =	ssyncset.done $0x0  }
0x1e: {  	[sflag:s15] =	ssyncadd.s32 $0xFFFFD800  }
0x1f: {  	[hbm4b:s7+s1] =	stream.linear.scatter [tilespmem:s12], [sflag:$0x3], $0x2800, $0x38;
	[tilespmem:$0xD000] =	vst v63  }
0x20: {  	_ =	swait.ge [sflag:s9], $0x2800  }
0x21: {  	[sflag:s9] =	ssyncset.done $0x0  }
0x22: {  	[sflag:s9] =	ssyncadd.s32 $0xFFFFD800  }
0x23: {  	[hbm4b:s8+s1] =	stream.linear.scatter [tilespmem:s13], [sflag:$0x3], $0x2800, $0x38;
	[tilespmem:$0xD000] =	vst v63  }
0x24: {  	s20 =	simm.s32 $0x400;
	s19 =	simm.s32 $0x80;
	_ =	swait.ge [sflag:s9], $0x2800  }
0x25: {  	s18 =	sadd.s32 $0x500, s7;
	s17 =	sadd.s32 $0x500, s8;
	[sflag:s9] =	ssyncset.done $0x0  }
.LBB2_2:
0x26: {  	s21 =	sadd.s32 $0x4000, s19  }
0x27: {  	[sflag:s9] =	ssyncadd.s32 $0xFFFFD800;
	s22 =	smov.u32 s20;
	s23 =	sadd.s32 $0x200, s20  }
0x28: {  	[tilespmem:s12], [sflag:$0x1] =	stream.indirect.gather [hbm4b:s3+s11], $0x80, s21, s11, $0xb8;
	[tilespmem:$0xD000] =	vst v63  }
0x29: {  	p0 =	sne.s32 s20, $0xF800  }
0x2a: {  	[tilespmem:s13], [sflag:$0x2] =	stream.indirect.gather [hbm4b:s3+s11], $0x80, s19, s11, $0xb8;
	[tilespmem:$0xD000] =	vst v63  }
0x2b: {  	_ =	swait.ge [sflag:s14], $0x2800  }
0x2c: {  	[sflag:s14] =	ssyncset.done $0x0  }
0x2d: {  	[sflag:s14] =	ssyncadd.s32 $0xFFFFD800  }
0x2e: {  	_ =	swait.ge [sflag:s15], $0x2800  }
0x2f: {  	[sflag:s15] =	ssyncset.done $0x0  }
0x30: {  	[sflag:s15] =	ssyncadd.s32 $0xFFFFD800  }
0x31: {  	[hbm4b:s18+s1] =	stream.linear.scatter [tilespmem:s12], [sflag:$0x3], $0x2800, $0x38;
	[tilespmem:$0xD000] =	vst v63  }
0x32: {  	_ =	swait.ge [sflag:s9], $0x2800  }
.Ltmp0:
0x33: {  	[sflag:s9] =	ssyncset.done $0x0;
	(pc) =	sbr.rel @p0 .LBB2_2-.Ltmp0, $4  }
0x34: {  	[sflag:s9] =	ssyncadd.s32 $0xFFFFD800  }
0x35: {  	[hbm4b:s17+s1] =	stream.linear.scatter [tilespmem:s13], [sflag:$0x3], $0x2800, $0x38;
	[tilespmem:$0xD000] =	vst v63  }
0x36: {  	s20 =	smov.u32 s23;
	s17 =	sadd.s32 $0x500, s17;
	_ =	swait.ge [sflag:s9], $0x2800  }
0x37: {  	s19 =	sshra.s32 s22, $0x2;
	s18 =	sadd.s32 $0x500, s18;
	[sflag:s9] =	ssyncset.done $0x0  }
0x38: {  	s20 =	sadd.s32 $0x4000, s19;
	[sflag:s9] =	ssyncadd.s32 $0xFFFFD800  }
0x39: {  	[tilespmem:s12], [sflag:$0x1] =	stream.indirect.gather [hbm4b:s3+s11], $0x80, s20, s11, $0xb8;
	[tilespmem:$0xD000] =	vst v63  }
0x3a: {  	_ = 	snop  }
0x3b: {  	[tilespmem:s13], [sflag:$0x2] =	stream.indirect.gather [hbm4b:s3+s11], $0x80, s19, s11, $0xb8;
	[tilespmem:$0xD000] =	vst v63  }
0x3c: {  	_ =	swait.ge [sflag:s14], $0x2800  }
0x3d: {  	[sflag:s14] =	ssyncset.done $0x0  }
0x3e: {  	[sflag:s14] =	ssyncadd.s32 $0xFFFFD800  }
0x3f: {  	_ =	swait.ge [sflag:s15], $0x2800  }
0x40: {  	[sflag:s15] =	ssyncset.done $0x0  }
0x41: {  	[sflag:s15] =	ssyncadd.s32 $0xFFFFD800  }
0x42: {  	[hbm4b:s18+s1] =	stream.linear.scatter [tilespmem:s12], [sflag:$0x3], $0x2800, $0x38;
	[tilespmem:$0xD000] =	vst v63  }
0x43: {  	s16 =	sadd.s32 $0x1, s16;
	_ =	swait.ge [sflag:s9], $0x2800  }
0x44: {  	p0 =	sne.s32 s16, s6;
	[sflag:s9] =	ssyncset.done $0x0  }
.Ltmp1:
0x45: {  	[sflag:s9] =	ssyncadd.s32 $0xFFFFD800;
	(pc) =	sbr.rel @p0 .LBB2_1-.Ltmp1, $4  }
0x46: {  	[hbm4b:s17+s1] =	stream.linear.scatter [tilespmem:s13], [sflag:$0x3], $0x2800, $0x38;
	[tilespmem:$0xD000] =	vst v63  }
0x47: {  	_ =	swait.ge [sflag:s9], $0x2800  }
0x48: {  	[sflag:s9] =	ssyncset.done $0x0  }
0x49: {  	[sflag:s9] =	ssyncadd.s32 $0xFFFFD800  }
0x4a: {  	_ =	sfence.sel $0x180000  }
0x4b: {  	[bflag:$0x0] =	sbarrier.arrive $0xFFFF  }
0x4c: {  	p0 =	sne.s32 s2, $0x0;
	_ =	strace $0x90000047  }
0x4d: {  	s0 =	sadd.s32 @!p0 $0x100000, s0;
	[bflag:$0x2] =	sbarrier.arrive $0xFFFF  }
0x4e: {  	[sflag:s0] =	ssyncadd.tile.s32 @!p0 $0x1;
	_ =	shalt  }
.Lfunc_end2:
_tile_overlayer_lowered:
.L_overlay_start_2:
0x4f: {  	(tag) =	ssettag $0x2  }
0x50: {  	s0 =	rddreg [dreg:$0x0];
	s2 =	stileid.u32  }
0x51: {  	s1 =	rddreg [dreg:$0x1];
	p0 =	sne.s32 s2, $0x0  }
0x52: {  	s3 =	rddreg [dreg:$0x2];
	[bflag:$0x3] =	sbarrier.arrive $0xFFFF;
	s2 =	simm.s32 @!p0 $0x1C03  }
0x53: {  	[timem:s3], [sflag:s2] =	dma.local @!p0 [hbm:s0], s1  }
0x54: {  	s0 =	simm.s32 @!p0 $0x3  }
0x55: {  	_ =	swait.ge @!p0 [sflag:s0], s1  }
0x56: {  	s1 =	ssub.s32 @!p0 $0x0, s1;
	[sflag:s0] =	ssyncset.done @!p0 $0x0  }
0x57: {  	[sflag:s0] =	ssyncadd.s32 @!p0 s1  }
0x58: {  	[bflag:$0x3] =	sbarrier.arrive $0xFFFF  }
0x59: {  	_ =	shalt  }

// kernel: kernel.15.cloned.1.call-start
scs
__scs_entry_jumppad:
0x0: {  	(pc) =	sbr.rel $0x88, $3  }
0x1: {  	(tag) =	ssettag $0x0;
	lr =	simm.s32 $0x1  }
0x2: {  	[smem:$0x3F94] =	sst lr;
	_ =	strace $0xD0000000  }
0x3: {  	_ = 	snop  }
0x4: {  	_ = 	snop  }
0x5: {  	_ = 	snop  }
0x6: {  	_ = 	snop  }
0x7: {  	_ = 	snop  }
__scs_overlays_trampoline_lowered:
0x8: {  	[smem:$0x3FA3] =	sst s0  }
0x9: {  	[smem:$0x3FA4] =	sst s1  }
0xa: {  	[smem:$0x3FA5] =	sst s2  }
0xb: {  	[smem:$0x3FA6] =	sst s3  }
0xc: {  	[smem:$0x3FA7] =	sst s4  }
0xd: {  	[smem:$0x3FA8] =	sst s5  }
0xe: {  	[smem:$0x3FA9] =	sst s6  }
0xf: {  	[smem:$0x3FAA] =	sst s7  }
0x10: {  	[smem:$0x3FAB] =	sst s8  }
0x11: {  	[smem:$0x3FAC] =	sst s9;
	s0 =	simm.s32 @!p0 $0x0  }
0x12: {  	s1 =	sld [smem:$0x3F92];
	s0 =	simm.s32 @p0 $0x1  }
0x13: {  	[smem:$0x3FAD] =	sst s0;
	s0 =	simm.s32 @!p1 $0x0  }
0x14: {  	s2 =	sld [smem:$0x3F91];
	s0 =	simm.s32 @p1 $0x1  }
0x15: {  	[smem:$0x3FAE] =	sst s0;
	s0 =	simm.s32 @!p2 $0x0  }
0x16: {  	s3 =	sld [smem:$0x3FDB];
	s0 =	simm.s32 @p2 $0x1  }
0x17: {  	s4 =	simm.s32 $0x1BF5;
	[smem:$0x3FB0] =	sst s0  }
0x18: {  	s0 =	sld [smem:$0x3F93];
	_ =	swait.ge [sflag:s4], $0x0  }
0x19: {  	s7 =	sld [smem:$0x3F94]  }
0x1a: {  	s8 =	sadd.s32 $0xFFFFE003, lr  }
0x1b: {  	s9 =	sadd.s32 $0xFFFFFEF7, lr;
	s5 =	simm.s32 $0xFFFFFFFF;
	p2 =	slt.u32 s8, $0xFFFFF086  }
0x1c: {  	p1 =	slt.u32 s9, $0xF7A;
	s5 =	simm.s32 @!p2 $0x0  }
0x1d: {  	s5 =	simm.s32 @p1 $0x1;
	p0 =	seq.s32 s7, s2  }
0x1e: {  	s7 =	smul.u32 @!p0 $0xF7A, s2;
	p2 =	seq.s32 @!p0 s5, $0x0  }
0x1f: {  	s9 =	smul.u32 $0xF7A, s1;
	s8 =	simm.s32 @!p0 $0x1BF5;
	p2 =	por !p2, p0  }
0x20: {  	[sflag:s8] =	ssyncset.s32 @!p0 $0xFFFFF086;
	s6 =	sadd.s32 @!p0 s3, s7;
	s7 =	simm.s32 @!p0 $0x108  }
0x21: {  	s3 =	sadd.s32 s3, s9;
	s6 =	sadd.s32 @!p0 $0x88, s6;
	s7 =	simm.s32 @p2 $0x1082  }
0x22: {  	[simem:s7], [sflag:s8] =	dma.local @!p0 [hbm:s6], $0xF7A  }
0x23: {  	s9 =	sor.u32 $0xD0000000, s2;
	s6 =	simm.s32 $0x108;
	_ =	swait.ge @!p0 [sflag:s8], $0x0  }
0x24: {  	s3 =	sadd.s32 $0x88, s3;
	s6 =	simm.s32 @!p1 $0x1082;
	[sflag:s4] =	ssyncset.s32 $0xFFFFF086  }
0x25: {  	[simem:s6], [sflag:s4] =	dma.local [hbm:s3], $0xF7A  }
0x26: {  	[smem:$0x3F94] =	sst s1;
	(tag) =	ssettag s2;
	_ =	strace s9  }
0x27: {  	s1 =	sld [smem:$0x3FA4]  }
0x28: {  	s2 =	sld [smem:$0x3FA5]  }
0x29: {  	s4 =	sld [smem:$0x3FA7]  }
0x2a: {  	p0 =	seq.s32 s5, $0x0;
	s5 =	sld [smem:$0x3FA8]  }
0x2b: {  	s6 =	sld [smem:$0x3FA9]  }
0x2c: {  	s7 =	sld [smem:$0x3FAA]  }
0x2d: {  	s3 =	simm.s32 $0x108;
	s8 =	sld [smem:$0x3FAB]  }
0x2e: {  	s3 =	simm.s32 @!p0 $0x1082;
	s9 =	sld [smem:$0x3FAC]  }
0x2f: {  	lr =	sadd.s32 s0, s3;
	s0 =	sld [smem:$0x3FA3]  }
0x30: {  	s3 =	sld [smem:$0x3FA6]  }
0x31: {  	[smem:$0x3FAF] =	sst s10  }
0x32: {  	s10 =	sld [smem:$0x3FAD];
	_ =	sdelay $0x3  }
0x33: {  	p0 =	seq.s32 s10, $0x1;
	s10 =	sld [smem:$0x3FAF];
	_ =	sdelay $0x3  }
0x34: {  	[smem:$0x3FAF] =	sst s10  }
0x35: {  	s10 =	sld [smem:$0x3FAE];
	_ =	sdelay $0x3  }
0x36: {  	p1 =	seq.s32 s10, $0x1;
	s10 =	sld [smem:$0x3FAF];
	_ =	sdelay $0x3  }
0x37: {  	[smem:$0x3FAF] =	sst s10  }
0x38: {  	s10 =	sld [smem:$0x3FB0]  }
0x39: {  	_ = 	snop;
	(pc) =	sbr.ind lr, $3  }
0x3a: {  	_ = 	snop  }
0x3b: {  	_ = 	snop  }
0x3c: {  	p2 =	seq.s32 s10, $0x1;
	s10 =	sld [smem:$0x3FAF]  }
0x3d: {  	_ =	shalt  }
0x3e: {  	_ =	shalt  }
0x3f: {  	_ =	shalt  }
0x40: {  	_ =	shalt  }
0x41: {  	_ =	shalt  }
0x42: {  	_ =	shalt  }
0x43: {  	_ =	shalt  }
0x44: {  	_ =	shalt  }
0x45: {  	_ =	shalt  }
0x46: {  	_ =	shalt  }
0x47: {  	_ =	shalt  }
0x48: {  	_ =	shalt  }
0x49: {  	_ =	shalt  }
0x4a: {  	_ =	shalt  }
0x4b: {  	_ =	shalt  }
0x4c: {  	_ =	shalt  }
0x4d: {  	_ =	shalt  }
0x4e: {  	_ =	shalt  }
0x4f: {  	_ =	shalt  }
0x50: {  	_ =	shalt  }
0x51: {  	_ =	shalt  }
0x52: {  	_ =	shalt  }
0x53: {  	_ =	shalt  }
0x54: {  	_ =	shalt  }
0x55: {  	_ =	shalt  }
0x56: {  	_ =	shalt  }
0x57: {  	_ =	shalt  }
0x58: {  	_ =	shalt  }
0x59: {  	_ =	shalt  }
0x5a: {  	_ =	shalt  }
0x5b: {  	_ =	shalt  }
0x5c: {  	_ =	shalt  }
0x5d: {  	_ =	shalt  }
0x5e: {  	_ =	shalt  }
0x5f: {  	_ =	shalt  }
0x60: {  	_ =	shalt  }
0x61: {  	_ =	shalt  }
0x62: {  	_ =	shalt  }
0x63: {  	_ =	shalt  }
0x64: {  	_ =	shalt  }
0x65: {  	_ =	shalt  }
0x66: {  	_ =	shalt  }
0x67: {  	_ =	shalt  }
0x68: {  	_ =	shalt  }
0x69: {  	_ =	shalt  }
0x6a: {  	_ =	shalt  }
0x6b: {  	_ =	shalt  }
0x6c: {  	_ =	shalt  }
0x6d: {  	_ =	shalt  }
0x6e: {  	_ =	shalt  }
0x6f: {  	_ =	shalt  }
0x70: {  	_ =	shalt  }
0x71: {  	_ =	shalt  }
0x72: {  	_ =	shalt  }
0x73: {  	_ =	shalt  }
0x74: {  	_ =	shalt  }
0x75: {  	_ =	shalt  }
0x76: {  	_ =	shalt  }
0x77: {  	_ =	shalt  }
0x78: {  	_ =	shalt  }
0x79: {  	_ =	shalt  }
0x7a: {  	_ =	shalt  }
0x7b: {  	_ =	shalt  }
0x7c: {  	_ =	shalt  }
0x7d: {  	_ =	shalt  }
0x7e: {  	_ =	shalt  }
0x7f: {  	_ =	shalt  }
0x80: {  	_ =	shalt  }
0x81: {  	_ =	shalt  }
0x82: {  	_ =	shalt  }
0x83: {  	_ =	shalt  }
0x84: {  	_ =	shalt  }
0x85: {  	_ =	shalt  }
0x86: {  	_ =	shalt  }
0x87: {  	_ =	shalt  }
.Lfunc_end0:
.L_simem_size_0:
called_computation.2_lowered:
.L_overlay_start_0:
0x88: {  	s2 =	sld [smem:$0x3FD9]  }
0x89: {  	s3 =	sld [smem:$0x3FFE];
	_ =	sdelay $0x1  }
0x8a: {  	s1 =	srdreg.scid  }
0x8b: {  	s0 =	sand.u32 $0x1, s1  }
0x8c: {  	s17 =	sshll.u32 s0, $0xA;
	s2 =	sadd.s32 s3, s2  }
0x8d: {  	s2 =	sadd.s32 s2, s17  }
0x8e: {  	[smem:$0x3FBB] =	sst s2  }
0x8f: {  	_ = 	snop  }
0x90: {  	s2 =	sld [smem:$0x3FD0];
	(tm) =	ssettm $0x1  }
0x91: {  	s18 =	sld [smem:$0x3FFB];
	_ =	sdelay $0x3  }
0x92: {  	_ =	strace s18  }
0x93: {  	s3 =	sld [smem:$0x3FFC];
	_ =	sdelay $0x3  }
0x94: {  	_ =	strace s3  }
0x95: {  	s3 =	sld [smem:$0x3FFD];
	_ =	sdelay $0x3  }
0x96: {  	_ =	strace s3  }
0x97: {  	_ =	strace $0x8FFFFFFF  }
0x98: {  	s19 =	sld [smem:$0x3FDB];
	_ =	sdelay $0x1  }
0x99: {  	s4 =	simm.s32 $_scs_section_size  }
0x9a: {  	s5 =	simm.s32 $_size__tile_overlayer_lowered;
	s6 =	simm.s32 $_tile_overlayer_lowered  }
0x9b: {  	s22 =	simm.s32 $0x1BFF;
	s21 =	sshll.u32 s6, $0x1;
	s3 =	sadd.s32 s4, s19  }
0x9c: {  	s7 =	simm.s32 $0x0;
	s20 =	sshll.u32 s5, $0x1;
	s5 =	sadd.s32 s21, s3  }
0x9d: {  	[timem:s7], [sflag:s22] =	dma.local [hbm:s5], s20  }
0x9e: {  	_ =	swait.ge [sflag:s22], s20  }
0x9f: {  	s4 =	ssub.s32 $0x0, s20;
	[sflag:s22] =	ssyncset.done $0x0  }
0xa0: {  	[sflag:s22] =	ssyncadd.s32 s4;
	_ =	sdelay $0x1  }
0xa1: {  	s23 =	simm.s32 $0x1B8B  }
0xa2: {  	_ =	swait.ge [sflag:s23], $0x1  }
0xa3: {  	[sflag:s23] =	ssyncset.done $0x0  }
0xa4: {  	s25 =	simm.s32 $0x1B8E;
	s24 =	sld [smem:$0x3FFE];
	[sflag:s23] =	ssyncadd.s32 $0xFFFFFFFF  }
0xa5: {  	s26 =	simm.s32 $execute0_lowered;
	[smem:$0x3FD2] =	sst s25  }
0xa6: {  	s5 =	sshll.u32 s26, $0x1;
	_ =	strace $0x80000049;
	[dreg:$0x1] =	wrdreg $0xFFFFFFFF  }
0xa7: {  	s28 =	simm.s32 $_size_execute0_lowered;
	s3 =	sadd.s32 s3, s5;
	[dreg:$0x0] =	wrdreg $0x0  }
0xa8: {  	s5 =	sshll.u32 s28, $0x1;
	[dreg:$0x2] =	wrdreg s3  }
0xa9: {  	[dreg:$0x3] =	wrdreg s5  }
0xaa: {  	[dreg:$0x4] =	wrdreg $0xC0  }
0xab: {  	_ =	task [dreg:s7], $0x5FFFF  }
0xac: {  	[dreg:$0x1] =	wrdreg $0xFFFFFFFF  }
0xad: {  	[dreg:$0x0] =	wrdreg $0x60  }
0xae: {  	[dreg:$0x2] =	wrdreg s24  }
0xaf: {  	[dreg:$0x3] =	wrdreg s2  }
0xb0: {  	[dreg:$0x4] =	wrdreg $0x9  }
0xb1: {  	_ =	task.clear_ibuf [dreg:s7], $0x5FFFF;
	_ =	strace $0x90000049  }
0xb2: {  	s29 =	simm.s32 $0x9;
	_ =	strace $0x8000004B  }
0xb3: {  	_ =	swait.ge [sflag:s29], $0x1  }
0xb4: {  	[sflag:s29] =	ssyncadd.s32 $0xFFFFFFFF  }
0xb5: {  	_ =	strace $0x9000004B  }
0xb6: {  	_ =	sfence  }
0xb7: {  	s30 =	sld [smem:$0x0];
	_ =	sdelay $0x2  }
0xb8: {  	s31 =	sshll.u32 s1, $0xD;
	s1 =	sshrl.u32 s1, $0x2  }
0xb9: {  	s3 =	sand.u32 $0x4000, s31;
	s1 =	sadd.s32 s1, s30  }
0xba: {  	s0 =	sor.u32 s3, s0;
	s1 =	sshll.u32 s1, $0x11  }
0xbb: {  	s0 =	sor.u32 s1, s0  }
0xbc: {  	s0 =	sadd.s32 $0x8F2B, s0  }
0xbd: {  	[sflag:s0] =	ssyncadd.remote.s32 $0x1  }
0xbe: {  	_ =	sfence.sel $0xFFFF  }
0xbf: {  	[dreg:$0x0] =	wrdreg $0xFFFFFFFF;
	(pc) =	sbr.abs _section_cstart, $3  }
0xc0: {  	[dreg:$0x1] =	wrdreg $0xFFFFFFFF  }
0xc1: {  	_ =	task.clear_ibuf [dreg:s7], $0x2FFFF;
	_ =	strace $0x9FFFFFFF  }
0xc2: {  	(tm) =	ssettm $0x7FFFFFFF  }
0xc3: {  	_ =	shalt  }
tec
execute0_lowered:
.L_overlay_start_1:
0x0: {  	(tag) =	ssettag $0x1  }
0x1: {  	s5 =	rddreg [dreg:$0x0]  }
0x2: {  	s0 =	srdreg.scid;
	s2 =	rddreg [dreg:$0x1]  }
0x3: {  	s3 =	simm.s32 $0x0;
	s10 =	simm.s32 $0xB000;
	s4 =	sand.u32 $0x1, s0  }
0x4: {  	s11 =	simm.s32 $0xE300;
	s0 =	stileid.u32;
	s1 =	sshll.u32 s4, $0x4  }
0x5: {  	s12 =	simm.s32 $0x11600;
	s13 =	simm.s32 $0x0;
	s6 =	sor.u32 s0, s1  }
0x6: {  	[smem:$0x7FF] =	sst s3;
	s31 =	ssub.s32 $0x2, s4;
	s8 =	smul.u32 $0x140, s6  }
0x7: {  	s4 =	sadd.s32 $0x2000, s5;
	s1 =	rddreg [dreg:$0x2];
	s9 =	sshrl.u32 s31, $0x1  }
0x8: {  	_ =	strace $0x8000004A;
	s6 =	ssub.s32 s31, s9;
	s7 =	sshrl.u32 s8, $0x3  }
0x9: {  	v3 =	vlaneseq.u32;
	v1 =	vimm.f32 $-1.000000020e+30;
	s9 =	simm.s32 $0xA800;
	s6 =	smax.u32 s6, $0x1;
	s5 =	sadd.s32 s7, s5  }
0xa: {  	v2 =	vimm.s32 $0x0;
	v3 =	vmul.u32 $0x80, v3;
	v0 =	vmov s8;
	s8 =	simm.s32 $0x1;
	s7 =	simm.s32 $0xA000;
	s5 =	sadd.s32 $0xBE00, s5  }
.LBB2_1:
0xb: {  	s14 =	simm.s32 $0x200;
	s15 =	simm.s32 $0x0  }
.LBB2_2:
0xc: {  	p0 =	seq.s32 s14, $0x27E00;
	[tilespmem:s15+$0x0] =	vst v1;
	s15 =	smov.u32 s14;
	s14 =	sadd.s32 $0x200, s14  }
.Ltmp0:
0xd: {  	(pc) =	sbr.rel @!p0 .LBB2_2-.Ltmp0, $2  }
0xe: {  	_ =	sdelay $0x2  }
0xf: {  	s15 =	sshra.s32 s15, $0x2  }
0x10: {  	[tilespmem:s15+$0x0] =	vst v1;
	s14 =	simm.s32 $0x0;
	s16 =	simm.s32 $0x0;
	s15 =	simm.s32 $0x0  }
.LBB2_4:
0x11: {  	s17 =	smul.u32 $0xFA, s15;
	_ =	sdelay $0x1  }
0x12: {  	s18 =	sadd.s32 s4, s17  }
0x13: {  	[tilespmem:s7], [sflag:$0x1] =	stream.linear.gather [hbm4b:s18+s14], $0x7D0, $0x38;
	[tilespmem:$0x11780] =	vst v63  }
0x14: {  	_ =	swait.ge [sflag:s8], $0x7D0  }
0x15: {  	[sflag:s8] =	ssyncset.done $0x0  }
0x16: {  	s17 =	sadd.s32 s2, s17;
	[sflag:s8] =	ssyncadd.s32 $0xFFFFF830  }
0x17: {  	[tilespmem:s9], [sflag:$0x1] =	stream.linear.gather [hbm4b:s17+s14], $0x7D0, $0x38;
	[tilespmem:$0x11780] =	vst v63  }
0x18: {  	_ =	swait.ge [sflag:s8], $0x7D0  }
0x19: {  	[sflag:s8] =	ssyncset.done $0x0  }
0x1a: {  	s31 =	simm.s32 $0x0;
	[sflag:s8] =	ssyncadd.s32 $0xFFFFF830  }
0x1b: {  	v4 =	vld [tilespmem:s31+$0xA000];
	_ =	sdelay $0x4  }
0x1c: {  	v4 =	vsub.s32 v4, v0  }
0x1d: {  	vm0 =	vlt.u32 v4, $0x140  }
0x1e: {  	v5 =	vsel vm0, $0x1, v2  }
0x1f: {  	(xrf0) =	vadd.scan.msk.s32 $0xffff, v5  }
0x20: {  	p0 =	slt.s32 s16, $0x2B20  }
0x21: {  	s16 =	simm.s32 @!p0 $0x2B20  }
0x22: {  	v5 =	vmov s16  }
0x23: {  	v5 =	vadd.s32 $0xFFFFFFFF, v5  }
0x24: {  	v5 =	vbroadcast v5, $0x0  }
0x25: {  	v6, _, _ =	vpop (xrf0)  }
0x26: {  	v7 =	vld [tilespmem:s31+$0xA800];
	v5 =	vadd.s32 v6, v5;
	(v2sf) =	vpush v6, $0xF;
	_ =	sdelay $0x4  }
0x27: {  	[tilespmem:v5+s10+$0x0] =	vst.idx.msk vm0, v7  }
0x28: {  	s18 =	simm.s32 $0x80;
	s17 =	simm.s32 $0x10;
	[tilespmem:v5+s11+$0x0] =	vst.idx.msk vm0, v4  }
.LBB2_5:
0x29: {  	p0 =	sne.s32 s18, $0x1F00;
	v4 =	vld [tilespmem:s17+$0xA000];
	_ =	sdelay $0x4  }
0x2a: {  	v4 =	vsub.s32 v4, v0  }
0x2b: {  	vm0 =	vlt.u32 v4, $0x140  }
0x2c: {  	v5 =	vsel vm0, $0x1, v2  }
0x2d: {  	(xrf0) =	vadd.scan.msk.s32 $0xffff, v5;
	s19 =	spop (v2sf)  }
0x2e: {  	s16 =	sadd.s32 s16, s19  }
0x2f: {  	v5 =	vmov s16  }
0x30: {  	v5 =	vadd.s32 $0xFFFFFFFF, v5  }
0x31: {  	v5 =	vbroadcast v5, $0x0;
	_ =	sdelay $0x1  }
0x32: {  	v6, _, _ =	vpop (xrf0)  }
0x33: {  	v7 =	vld [tilespmem:s17+$0xA800];
	v5 =	vadd.s32 v6, v5;
	(v2sf) =	vpush v6, $0xF;
	_ =	sdelay $0x1  }
.Ltmp1:
0x34: {  	(pc) =	sbr.rel @p0 .LBB2_5-.Ltmp1, $3  }
0x35: {  	_ =	sdelay $0x1  }
0x36: {  	[tilespmem:v5+s10+$0x0] =	vst.idx.msk vm0, v7  }
0x37: {  	s17 =	sshra.s32 s18, $0x2;
	s18 =	sadd.s32 $0x40, s18;
	[tilespmem:v5+s11+$0x0] =	vst.idx.msk vm0, v4  }
0x38: {  	v4 =	vld [tilespmem:s17+$0xA000];
	_ =	sdelay $0x4  }
0x39: {  	v4 =	vsub.s32 v4, v0  }
0x3a: {  	vm0 =	vlt.u32 v4, $0x140  }
0x3b: {  	v5 =	vsel vm0, $0x1, v2  }
0x3c: {  	(xrf0) =	vadd.scan.msk.s32 $0xffff, v5;
	_ =	sdelay $0x5  }
0x3d: {  	v5, _, _ =	vpop (xrf0)  }
0x3e: {  	(v2sf) =	vpush v5, $0xF;
	_ =	sdelay $0x3  }
0x3f: {  	s18 =	spop (v2sf)  }
0x40: {  	s18 =	sadd.s32 s16, s18  }
0x41: {  	v6 =	vmov s18  }
0x42: {  	v6 =	vadd.s32 $0xFFFFFFFF, v6  }
0x43: {  	v6 =	vbroadcast v6, $0x0;
	_ =	sdelay $0x1  }
0x44: {  	v7 =	vld [tilespmem:s17+$0xA800];
	s15 =	sadd.s32 $0x1, s15;
	v5 =	vadd.s32 v5, v6  }
0x45: {  	p0 =	seq.s32 s15, $0xA0  }
.Ltmp2:
0x46: {  	_ = 	snop;
	(pc) =	sbr.rel @!p0 .LBB2_4-.Ltmp2, $3  }
0x47: {  	_ =	sdelay $0x1  }
0x48: {  	[tilespmem:v5+s10+$0x0] =	vst.idx.msk vm0, v7;
	s17 =	spop (v2sf)  }
0x49: {  	[tilespmem:v5+s11+$0x0] =	vst.idx.msk vm0, v4;
	s16 =	sadd.s32 s18, s17  }
0x4a: {  	p0 =	slt.s32 s16, $0x1  }
.Ltmp3:
0x4b: {  	_ = 	snop;
	(pc) =	sbr.rel @p0 .LBB2_11-.Ltmp3, $1  }
0x4c: {  	_ =	sdelay $0x3  }
0x4d: {  	s15 =	simm.s32 $0x0  }
0x4e: {  	v4 =	vmov s15;
	_ =	sdelay $0x4  }
0x4f: {  	v5 =	vld.idx.msk [tilespmem:v4+s11+$0x0], $0xffff;
	_ =	sdelay $0x4  }
0x50: {  	(v2sf) =	vpush v5, $0x0;
	_ =	sdelay $0xb  }
0x51: {  	s14 =	sadd.s32 s18, s17  }
0x52: {  	p0 =	sne.s32 s14, $0x1  }
.Ltmp4:
0x53: {  	_ = 	snop;
	(pc) =	sbr.rel @!p0 .LBB2_10-.Ltmp4, $4  }
0x54: {  	s31 =	spop (v2sf)  }
0x55: {  	s15 =	sshll.u32 s31, $0x9  }
0x56: {  	v4 =	vld.idx.msk [tilespmem:v4+s10+$0x0], $0xffff;
	s16 =	sshra.s32 s15, $0x2  }
0x57: {  	s15 =	simm.s32 $0x1;
	v5 =	vld [tilespmem:s16+$0x0]  }
.LBB2_9:
0x58: {  	_ = 	snop  }
0x59: {  	v6 =	vmov s15;
	s15 =	sadd.s32 $0x1, s15  }
0x5a: {  	p0 =	sne.s32 s14, s15;
	_ =	sdelay $0x1  }
0x5b: {  	v4 =	vmax.f32 v5, v4  }
0x5c: {  	[tilespmem:s16+$0x0] =	vst v4  }
0x5d: {  	v4 =	vld.idx.msk [tilespmem:v6+s11+$0x0], $0xffff;
	_ =	sdelay $0x5  }
0x5e: {  	(v2sf) =	vpush v4, $0x0;
	_ =	sdelay $0xd  }
.Ltmp5:
0x5f: {  	(pc) =	sbr.rel @p0 .LBB2_9-.Ltmp5, $4  }
0x60: {  	s16 =	spop (v2sf)  }
0x61: {  	s16 =	sshll.u32 s16, $0x9  }
0x62: {  	v4 =	vld.idx.msk [tilespmem:v6+s10+$0x0], $0xffff;
	s16 =	sshra.s32 s16, $0x2  }
0x63: {  	v5 =	vld [tilespmem:s16+$0x0]  }
.LBB2_10:
0x64: {  	_ =	sdelay $0x3  }
0x65: {  	v4 =	vmax.f32 v5, v4  }
0x66: {  	[tilespmem:s16+$0x0] =	vst v4  }
.LBB2_11:
0x67: {  	s14 =	simm.s32 $0x0  }
0x68: {  	v4 =	vmov s14  }
0x69: {  	v4 =	vshll.u32 v4, $0x7  }
0x6a: {  	v4 =	vor.u32 v3, v4;
	_ =	sdelay $0x2  }
0x6b: {  	s31 =	simm.s32 $0x10  }
0x6c: {  	v5 =	vmov s31  }
0x6d: {  	v5 =	vshll.u32 v5, $0x7;
	v4 =	vld.idx.msk [tilespmem:v4+s3+$0x0], $0xffff  }
0x6e: {  	v6 =	vor.u32 v3, v5;
	_ =	sdelay $0x2  }
0x6f: {  	s14 =	simm.s32 $0x11600  }
0x70: {  	s15 =	simm.s32 $0x20;
	[tilespmem:s14+$0x0] =	vst v4  }
0x71: {  	v5 =	vmov s15;
	s15 =	simm.s32 $0x30;
	v4 =	vld.idx.msk [tilespmem:v6+s3+$0x0], $0xffff  }
.LBB2_12:
0x72: {  	p0 =	sne.s32 s15, $0x130;
	v5 =	vshll.u32 v5, $0x7  }
0x73: {  	v6 =	vor.u32 v3, v5  }
.Ltmp6:
0x74: {  	(pc) =	sbr.rel @p0 .LBB2_12-.Ltmp6, $4  }
0x75: {  	_ = 	snop  }
0x76: {  	s14 =	sadd.s32 $0x10, s14  }
0x77: {  	[tilespmem:s14+$0x0] =	vst v4  }
0x78: {  	v5 =	vmov s15;
	s15 =	sadd.s32 $0x10, s15;
	v4 =	vld.idx.msk [tilespmem:v6+s3+$0x0], $0xffff  }
0x79: {  	v5 =	vshll.u32 v5, $0x7  }
0x7a: {  	v5 =	vor.u32 v3, v5;
	_ =	sdelay $0x2  }
0x7b: {  	s14 =	sadd.s32 $0x10, s14  }
0x7c: {  	[tilespmem:s14+$0x0] =	vst v4  }
0x7d: {  	v4 =	vld.idx.msk [tilespmem:v5+s3+$0x0], $0xffff;
	_ =	sdelay $0x2  }
0x7e: {  	s13 =	sadd.s32 $0x1, s13  }
0x7f: {  	p0 =	sne.s32 s13, s6;
	s14 =	sadd.s32 $0x10, s14  }
.Ltmp7:
0x80: {  	[tilespmem:s14+$0x0] =	vst v4;
	(pc) =	sbr.rel @p0 .LBB2_1-.Ltmp7, $4  }
0x81: {  	[hbm4b:s5+s3] =	stream.linear.scatter [tilespmem:s12], [sflag:$0x1], $0x140, $0x38;
	[tilespmem:$0x11780] =	vst v63  }
0x82: {  	_ =	swait.ge [sflag:s8], $0x140  }
0x83: {  	[sflag:s8] =	ssyncset.done $0x0  }
0x84: {  	[sflag:s8] =	ssyncadd.s32 $0xFFFFFEC0  }
0x85: {  	_ =	sfence.sel $0x180000  }
0x86: {  	[bflag:$0x0] =	sbarrier.arrive $0xFFFF  }
0x87: {  	p0 =	sne.s32 s0, $0x0;
	_ =	strace $0x9000004A  }
0x88: {  	s0 =	sadd.s32 @!p0 $0x100000, s1;
	[bflag:$0x2] =	sbarrier.arrive $0xFFFF  }
0x89: {  	[sflag:s0] =	ssyncadd.tile.s32 @!p0 $0x1;
	_ =	shalt  }
.Lfunc_end2:
_tile_overlayer_lowered:
.L_overlay_start_2:
0x8a: {  	(tag) =	ssettag $0x2  }
0x8b: {  	s0 =	rddreg [dreg:$0x0];
	s2 =	stileid.u32  }
0x8c: {  	s1 =	rddreg [dreg:$0x1];
	p0 =	sne.s32 s2, $0x0  }
0x8d: {  	s3 =	rddreg [dreg:$0x2];
	[bflag:$0x3] =	sbarrier.arrive $0xFFFF;
	s2 =	simm.s32 @!p0 $0x1C01  }
0x8e: {  	[timem:s3], [sflag:s2] =	dma.local @!p0 [hbm:s0], s1  }
0x8f: {  	s0 =	simm.s32 @!p0 $0x1  }
0x90: {  	_ =	swait.ge @!p0 [sflag:s0], s1  }
0x91: {  	s1 =	ssub.s32 @!p0 $0x0, s1;
	[sflag:s0] =	ssyncset.done @!p0 $0x0  }
0x92: {  	[sflag:s0] =	ssyncadd.s32 @!p0 s1  }
0x93: {  	[bflag:$0x3] =	sbarrier.arrive $0xFFFF  }
0x94: {  	_ =	shalt  }

// kernel: kernel.18.cloned.1.call-start
scs
__scs_entry_jumppad:
0x0: {  	(pc) =	sbr.rel $0x88, $3  }
0x1: {  	(tag) =	ssettag $0x0;
	lr =	simm.s32 $0x1  }
0x2: {  	[smem:$0x3F94] =	sst lr;
	_ =	strace $0xD0000000  }
0x3: {  	_ = 	snop  }
0x4: {  	_ = 	snop  }
0x5: {  	_ = 	snop  }
0x6: {  	_ = 	snop  }
0x7: {  	_ = 	snop  }
__scs_overlays_trampoline_lowered:
0x8: {  	[smem:$0x3FA3] =	sst s0  }
0x9: {  	[smem:$0x3FA4] =	sst s1  }
0xa: {  	[smem:$0x3FA5] =	sst s2  }
0xb: {  	[smem:$0x3FA6] =	sst s3  }
0xc: {  	[smem:$0x3FA7] =	sst s4  }
0xd: {  	[smem:$0x3FA8] =	sst s5  }
0xe: {  	[smem:$0x3FA9] =	sst s6  }
0xf: {  	[smem:$0x3FAA] =	sst s7  }
0x10: {  	[smem:$0x3FAB] =	sst s8  }
0x11: {  	[smem:$0x3FAC] =	sst s9;
	s0 =	simm.s32 @!p0 $0x0  }
0x12: {  	s1 =	sld [smem:$0x3F92];
	s0 =	simm.s32 @p0 $0x1  }
0x13: {  	[smem:$0x3FAD] =	sst s0;
	s0 =	simm.s32 @!p1 $0x0  }
0x14: {  	s2 =	sld [smem:$0x3F91];
	s0 =	simm.s32 @p1 $0x1  }
0x15: {  	[smem:$0x3FAE] =	sst s0;
	s0 =	simm.s32 @!p2 $0x0  }
0x16: {  	s3 =	sld [smem:$0x3FDB];
	s0 =	simm.s32 @p2 $0x1  }
0x17: {  	s4 =	simm.s32 $0x1BF5;
	[smem:$0x3FB0] =	sst s0  }
0x18: {  	s0 =	sld [smem:$0x3F93];
	_ =	swait.ge [sflag:s4], $0x0  }
0x19: {  	s7 =	sld [smem:$0x3F94]  }
0x1a: {  	s8 =	sadd.s32 $0xFFFFE003, lr  }
0x1b: {  	s9 =	sadd.s32 $0xFFFFFEF7, lr;
	s5 =	simm.s32 $0xFFFFFFFF;
	p2 =	slt.u32 s8, $0xFFFFF086  }
0x1c: {  	p1 =	slt.u32 s9, $0xF7A;
	s5 =	simm.s32 @!p2 $0x0  }
0x1d: {  	s5 =	simm.s32 @p1 $0x1;
	p0 =	seq.s32 s7, s2  }
0x1e: {  	s7 =	smul.u32 @!p0 $0xF7A, s2;
	p2 =	seq.s32 @!p0 s5, $0x0  }
0x1f: {  	s9 =	smul.u32 $0xF7A, s1;
	s8 =	simm.s32 @!p0 $0x1BF5;
	p2 =	por !p2, p0  }
0x20: {  	[sflag:s8] =	ssyncset.s32 @!p0 $0xFFFFF086;
	s6 =	sadd.s32 @!p0 s3, s7;
	s7 =	simm.s32 @!p0 $0x108  }
0x21: {  	s3 =	sadd.s32 s3, s9;
	s6 =	sadd.s32 @!p0 $0x88, s6;
	s7 =	simm.s32 @p2 $0x1082  }
0x22: {  	[simem:s7], [sflag:s8] =	dma.local @!p0 [hbm:s6], $0xF7A  }
0x23: {  	s9 =	sor.u32 $0xD0000000, s2;
	s6 =	simm.s32 $0x108;
	_ =	swait.ge @!p0 [sflag:s8], $0x0  }
0x24: {  	s3 =	sadd.s32 $0x88, s3;
	s6 =	simm.s32 @!p1 $0x1082;
	[sflag:s4] =	ssyncset.s32 $0xFFFFF086  }
0x25: {  	[simem:s6], [sflag:s4] =	dma.local [hbm:s3], $0xF7A  }
0x26: {  	[smem:$0x3F94] =	sst s1;
	(tag) =	ssettag s2;
	_ =	strace s9  }
0x27: {  	s1 =	sld [smem:$0x3FA4]  }
0x28: {  	s2 =	sld [smem:$0x3FA5]  }
0x29: {  	s4 =	sld [smem:$0x3FA7]  }
0x2a: {  	p0 =	seq.s32 s5, $0x0;
	s5 =	sld [smem:$0x3FA8]  }
0x2b: {  	s6 =	sld [smem:$0x3FA9]  }
0x2c: {  	s7 =	sld [smem:$0x3FAA]  }
0x2d: {  	s3 =	simm.s32 $0x108;
	s8 =	sld [smem:$0x3FAB]  }
0x2e: {  	s3 =	simm.s32 @!p0 $0x1082;
	s9 =	sld [smem:$0x3FAC]  }
0x2f: {  	lr =	sadd.s32 s0, s3;
	s0 =	sld [smem:$0x3FA3]  }
0x30: {  	s3 =	sld [smem:$0x3FA6]  }
0x31: {  	[smem:$0x3FAF] =	sst s10  }
0x32: {  	s10 =	sld [smem:$0x3FAD];
	_ =	sdelay $0x3  }
0x33: {  	p0 =	seq.s32 s10, $0x1;
	s10 =	sld [smem:$0x3FAF];
	_ =	sdelay $0x3  }
0x34: {  	[smem:$0x3FAF] =	sst s10  }
0x35: {  	s10 =	sld [smem:$0x3FAE];
	_ =	sdelay $0x3  }
0x36: {  	p1 =	seq.s32 s10, $0x1;
	s10 =	sld [smem:$0x3FAF];
	_ =	sdelay $0x3  }
0x37: {  	[smem:$0x3FAF] =	sst s10  }
0x38: {  	s10 =	sld [smem:$0x3FB0]  }
0x39: {  	_ = 	snop;
	(pc) =	sbr.ind lr, $3  }
0x3a: {  	_ = 	snop  }
0x3b: {  	_ = 	snop  }
0x3c: {  	p2 =	seq.s32 s10, $0x1;
	s10 =	sld [smem:$0x3FAF]  }
0x3d: {  	_ =	shalt  }
0x3e: {  	_ =	shalt  }
0x3f: {  	_ =	shalt  }
0x40: {  	_ =	shalt  }
0x41: {  	_ =	shalt  }
0x42: {  	_ =	shalt  }
0x43: {  	_ =	shalt  }
0x44: {  	_ =	shalt  }
0x45: {  	_ =	shalt  }
0x46: {  	_ =	shalt  }
0x47: {  	_ =	shalt  }
0x48: {  	_ =	shalt  }
0x49: {  	_ =	shalt  }
0x4a: {  	_ =	shalt  }
0x4b: {  	_ =	shalt  }
0x4c: {  	_ =	shalt  }
0x4d: {  	_ =	shalt  }
0x4e: {  	_ =	shalt  }
0x4f: {  	_ =	shalt  }
0x50: {  	_ =	shalt  }
0x51: {  	_ =	shalt  }
0x52: {  	_ =	shalt  }
0x53: {  	_ =	shalt  }
0x54: {  	_ =	shalt  }
0x55: {  	_ =	shalt  }
0x56: {  	_ =	shalt  }
0x57: {  	_ =	shalt  }
0x58: {  	_ =	shalt  }
0x59: {  	_ =	shalt  }
0x5a: {  	_ =	shalt  }
0x5b: {  	_ =	shalt  }
0x5c: {  	_ =	shalt  }
0x5d: {  	_ =	shalt  }
0x5e: {  	_ =	shalt  }
0x5f: {  	_ =	shalt  }
0x60: {  	_ =	shalt  }
0x61: {  	_ =	shalt  }
0x62: {  	_ =	shalt  }
0x63: {  	_ =	shalt  }
0x64: {  	_ =	shalt  }
0x65: {  	_ =	shalt  }
0x66: {  	_ =	shalt  }
0x67: {  	_ =	shalt  }
0x68: {  	_ =	shalt  }
0x69: {  	_ =	shalt  }
0x6a: {  	_ =	shalt  }
0x6b: {  	_ =	shalt  }
0x6c: {  	_ =	shalt  }
0x6d: {  	_ =	shalt  }
0x6e: {  	_ =	shalt  }
0x6f: {  	_ =	shalt  }
0x70: {  	_ =	shalt  }
0x71: {  	_ =	shalt  }
0x72: {  	_ =	shalt  }
0x73: {  	_ =	shalt  }
0x74: {  	_ =	shalt  }
0x75: {  	_ =	shalt  }
0x76: {  	_ =	shalt  }
0x77: {  	_ =	shalt  }
0x78: {  	_ =	shalt  }
0x79: {  	_ =	shalt  }
0x7a: {  	_ =	shalt  }
0x7b: {  	_ =	shalt  }
0x7c: {  	_ =	shalt  }
0x7d: {  	_ =	shalt  }
0x7e: {  	_ =	shalt  }
0x7f: {  	_ =	shalt  }
0x80: {  	_ =	shalt  }
0x81: {  	_ =	shalt  }
0x82: {  	_ =	shalt  }
0x83: {  	_ =	shalt  }
0x84: {  	_ =	shalt  }
0x85: {  	_ =	shalt  }
0x86: {  	_ =	shalt  }
0x87: {  	_ =	shalt  }
.Lfunc_end0:
.L_simem_size_0:
called_computation.3_lowered:
.L_overlay_start_0:
0x88: {  	s2 =	sld [smem:$0x3FD9]  }
0x89: {  	s3 =	sld [smem:$0x3FFE];
	_ =	sdelay $0x1  }
0x8a: {  	s1 =	srdreg.scid  }
0x8b: {  	s0 =	sand.u32 $0x1, s1  }
0x8c: {  	s17 =	sshll.u32 s0, $0xA;
	s2 =	sadd.s32 s3, s2  }
0x8d: {  	s2 =	sadd.s32 s2, s17  }
0x8e: {  	[smem:$0x3FBB] =	sst s2  }
0x8f: {  	_ = 	snop  }
0x90: {  	s2 =	sld [smem:$0x3FD0];
	(tm) =	ssettm $0x1  }
0x91: {  	s18 =	sld [smem:$0x3FFB];
	_ =	sdelay $0x3  }
0x92: {  	_ =	strace s18  }
0x93: {  	s3 =	sld [smem:$0x3FFC];
	_ =	sdelay $0x3  }
0x94: {  	_ =	strace s3  }
0x95: {  	s3 =	sld [smem:$0x3FFD];
	_ =	sdelay $0x3  }
0x96: {  	_ =	strace s3  }
0x97: {  	_ =	strace $0x8FFFFFFF  }
0x98: {  	s19 =	sld [smem:$0x3FDB];
	_ =	sdelay $0x1  }
0x99: {  	s4 =	simm.s32 $_scs_section_size  }
0x9a: {  	s5 =	simm.s32 $_size__tile_overlayer_lowered;
	s6 =	simm.s32 $_tile_overlayer_lowered  }
0x9b: {  	s22 =	simm.s32 $0x1BFF;
	s21 =	sshll.u32 s6, $0x1;
	s3 =	sadd.s32 s4, s19  }
0x9c: {  	s7 =	simm.s32 $0x0;
	s20 =	sshll.u32 s5, $0x1;
	s5 =	sadd.s32 s21, s3  }
0x9d: {  	[timem:s7], [sflag:s22] =	dma.local [hbm:s5], s20  }
0x9e: {  	_ =	swait.ge [sflag:s22], s20  }
0x9f: {  	s4 =	ssub.s32 $0x0, s20;
	[sflag:s22] =	ssyncset.done $0x0  }
0xa0: {  	[sflag:s22] =	ssyncadd.s32 s4;
	_ =	sdelay $0x1  }
0xa1: {  	s23 =	simm.s32 $0x1B8B  }
0xa2: {  	_ =	swait.ge [sflag:s23], $0x1  }
0xa3: {  	[sflag:s23] =	ssyncset.done $0x0  }
0xa4: {  	s25 =	simm.s32 $0x1B8E;
	s24 =	sld [smem:$0x3FFE];
	[sflag:s23] =	ssyncadd.s32 $0xFFFFFFFF  }
0xa5: {  	s26 =	simm.s32 $execute0_lowered;
	[smem:$0x3FD2] =	sst s25  }
0xa6: {  	s5 =	sshll.u32 s26, $0x1;
	_ =	strace $0x8000004C;
	[dreg:$0x1] =	wrdreg $0xFFFFFFFF  }
0xa7: {  	s28 =	simm.s32 $_size_execute0_lowered;
	s3 =	sadd.s32 s3, s5;
	[dreg:$0x0] =	wrdreg $0x0  }
0xa8: {  	s5 =	sshll.u32 s28, $0x1;
	[dreg:$0x2] =	wrdreg s3  }
0xa9: {  	[dreg:$0x3] =	wrdreg s5  }
0xaa: {  	[dreg:$0x4] =	wrdreg $0xC0  }
0xab: {  	_ =	task [dreg:s7], $0x5FFFF  }
0xac: {  	[dreg:$0x1] =	wrdreg $0xFFFFFFFF  }
0xad: {  	[dreg:$0x0] =	wrdreg $0x60  }
0xae: {  	[dreg:$0x2] =	wrdreg s24  }
0xaf: {  	[dreg:$0x3] =	wrdreg s2  }
0xb0: {  	[dreg:$0x4] =	wrdreg $0x9  }
0xb1: {  	_ =	task.clear_ibuf [dreg:s7], $0x5FFFF;
	_ =	strace $0x9000004C  }
0xb2: {  	s29 =	simm.s32 $0x9;
	_ =	strace $0x8000004E  }
0xb3: {  	_ =	swait.ge [sflag:s29], $0x1  }
0xb4: {  	[sflag:s29] =	ssyncadd.s32 $0xFFFFFFFF  }
0xb5: {  	_ =	strace $0x9000004E  }
0xb6: {  	_ =	sfence  }
0xb7: {  	s30 =	sld [smem:$0x0];
	_ =	sdelay $0x2  }
0xb8: {  	s31 =	sshll.u32 s1, $0xD;
	s1 =	sshrl.u32 s1, $0x2  }
0xb9: {  	s3 =	sand.u32 $0x4000, s31;
	s1 =	sadd.s32 s1, s30  }
0xba: {  	s0 =	sor.u32 s3, s0;
	s1 =	sshll.u32 s1, $0x11  }
0xbb: {  	s0 =	sor.u32 s1, s0  }
0xbc: {  	s0 =	sadd.s32 $0x8F2B, s0  }
0xbd: {  	[sflag:s0] =	ssyncadd.remote.s32 $0x1  }
0xbe: {  	_ =	sfence.sel $0xFFFF  }
0xbf: {  	[dreg:$0x0] =	wrdreg $0xFFFFFFFF;
	(pc) =	sbr.abs _section_cstart, $3  }
0xc0: {  	[dreg:$0x1] =	wrdreg $0xFFFFFFFF  }
0xc1: {  	_ =	task.clear_ibuf [dreg:s7], $0x2FFFF;
	_ =	strace $0x9FFFFFFF  }
0xc2: {  	(tm) =	ssettm $0x7FFFFFFF  }
0xc3: {  	_ =	shalt  }
tec
execute0_lowered:
.L_overlay_start_1:
0x0: {  	(tag) =	ssettag $0x1  }
0x1: {  	s4 =	rddreg [dreg:$0x0]  }
0x2: {  	s0 =	srdreg.scid;
	s5 =	rddreg [dreg:$0x1]  }
0x3: {  	s2 =	simm.s32 $0x0;
	s10 =	simm.s32 $0x0;
	s3 =	sand.u32 $0x1, s0  }
0x4: {  	s0 =	stileid.u32;
	[smem:$0x7FF] =	sst s2;
	s1 =	sshll.u32 s3, $0x4  }
0x5: {  	s7 =	ssub.s32 $0x2, s3;
	s3 =	sadd.s32 $0xBE00, s4;
	s6 =	sor.u32 s0, s1  }
0x6: {  	s1 =	rddreg [dreg:$0x2];
	s9 =	sshrl.u32 s7, $0x1;
	s6 =	smul.u32 $0x4E2, s6  }
0x7: {  	_ =	strace $0x8000004D;
	s7 =	ssub.s32 s7, s9;
	s9 =	simm.s32 $0x4F80  }
0x8: {  	s8 =	sadd.s32 s6, s4;
	s5 =	sadd.s32 s5, s6;
	s6 =	smax.u32 s7, $0x1  }
0x9: {  	s7 =	simm.s32 $0x1;
	s4 =	sadd.s32 $0x2000, s8;
	s8 =	simm.s32 $0x2800  }
.LBB2_1:
0xa: {  	[tilespmem:s2], [sflag:$0x1] =	stream.linear.gather [hbm4b:s3+s2], $0x2800, $0x38;
	[tilespmem:$0x7700] =	vst v63  }
0xb: {  	_ =	swait.ge [sflag:s7], $0x2800  }
0xc: {  	[sflag:s7] =	ssyncset.done $0x0  }
0xd: {  	[sflag:s7] =	ssyncadd.s32 $0xFFFFD800  }
0xe: {  	[tilespmem:s8], [sflag:$0x1] =	stream.linear.gather [hbm4b:s4+s2], $0x2710, $0x38;
	[tilespmem:$0x7700] =	vst v63  }
0xf: {  	_ =	swait.ge [sflag:s7], $0x2710  }
0x10: {  	[sflag:s7] =	ssyncset.done $0x0  }
0x11: {  	s11 =	simm.s32 $0x0;
	[sflag:s7] =	ssyncadd.s32 $0xFFFFD8F0  }
0x12: {  	v0 =	vld [tilespmem:s11+$0x2800];
	_ =	sdelay $0x7  }
0x13: {  	s12 =	simm.s32 $0x10;
	s13 =	simm.s32 $0x80;
	v0 =	vld.idx.msk [tilespmem:v0+s2+$0x0], $0xffff  }
.LBB2_2:
0x14: {  	p0 =	sne.s32 s13, $0x9C00;
	v1 =	vld [tilespmem:s12+$0x2800];
	_ =	sdelay $0x3  }
.Ltmp0:
0x15: {  	(pc) =	sbr.rel @p0 .LBB2_2-.Ltmp0, $2  }
0x16: {  	[tilespmem:s11+$0x4F80] =	vst v0;
	s11 =	smov.u32 s12;
	_ =	sdelay $0x2  }
0x17: {  	s12 =	sshra.s32 s13, $0x2;
	s13 =	sadd.s32 $0x40, s13;
	v0 =	vld.idx.msk [tilespmem:v1+s2+$0x0], $0xffff  }
0x18: {  	v1 =	vld [tilespmem:s12+$0x2800];
	_ =	sdelay $0x6  }
0x19: {  	[tilespmem:s11+$0x4F80] =	vst v0  }
0x1a: {  	v0 =	vld.idx.msk [tilespmem:v1+s2+$0x0], $0xffff;
	_ =	sdelay $0x2  }
0x1b: {  	s10 =	sadd.s32 $0x1, s10  }
0x1c: {  	p0 =	sne.s32 s10, s6  }
.Ltmp1:
0x1d: {  	[tilespmem:s12+$0x4F80] =	vst v0;
	(pc) =	sbr.rel @p0 .LBB2_1-.Ltmp1, $4  }
0x1e: {  	[hbm4b:s5+s2] =	stream.linear.scatter [tilespmem:s9], [sflag:$0x1], $0x2710, $0x38;
	[tilespmem:$0x7700] =	vst v63  }
0x1f: {  	_ =	swait.ge [sflag:s7], $0x2710  }
0x20: {  	[sflag:s7] =	ssyncset.done $0x0  }
0x21: {  	[sflag:s7] =	ssyncadd.s32 $0xFFFFD8F0  }
0x22: {  	_ =	sfence.sel $0x180000  }
0x23: {  	[bflag:$0x0] =	sbarrier.arrive $0xFFFF  }
0x24: {  	p0 =	sne.s32 s0, $0x0;
	_ =	strace $0x9000004D  }
0x25: {  	s0 =	sadd.s32 @!p0 $0x100000, s1;
	[bflag:$0x2] =	sbarrier.arrive $0xFFFF  }
0x26: {  	[sflag:s0] =	ssyncadd.tile.s32 @!p0 $0x1;
	_ =	shalt  }
.Lfunc_end2:
_tile_overlayer_lowered:
.L_overlay_start_2:
0x27: {  	(tag) =	ssettag $0x2  }
0x28: {  	s0 =	rddreg [dreg:$0x0];
	s2 =	stileid.u32  }
0x29: {  	s1 =	rddreg [dreg:$0x1];
	p0 =	sne.s32 s2, $0x0  }
0x2a: {  	s3 =	rddreg [dreg:$0x2];
	[bflag:$0x3] =	sbarrier.arrive $0xFFFF;
	s2 =	simm.s32 @!p0 $0x1C01  }
0x2b: {  	[timem:s3], [sflag:s2] =	dma.local @!p0 [hbm:s0], s1  }
0x2c: {  	s0 =	simm.s32 @!p0 $0x1  }
0x2d: {  	_ =	swait.ge @!p0 [sflag:s0], s1  }
0x2e: {  	s1 =	ssub.s32 @!p0 $0x0, s1;
	[sflag:s0] =	ssyncset.done @!p0 $0x0  }
0x2f: {  	[sflag:s0] =	ssyncadd.s32 @!p0 s1  }
0x30: {  	[bflag:$0x3] =	sbarrier.arrive $0xFFFF  }
0x31: {  	_ =	shalt  }

// kernel: kernel.21.cloned.1.call-start
scs
__scs_entry_jumppad:
0x0: {  	(pc) =	sbr.rel $0x88, $3  }
0x1: {  	(tag) =	ssettag $0x0;
	lr =	simm.s32 $0x1  }
0x2: {  	[smem:$0x3F94] =	sst lr;
	_ =	strace $0xD0000000  }
0x3: {  	_ = 	snop  }
0x4: {  	_ = 	snop  }
0x5: {  	_ = 	snop  }
0x6: {  	_ = 	snop  }
0x7: {  	_ = 	snop  }
__scs_overlays_trampoline_lowered:
0x8: {  	[smem:$0x3FA3] =	sst s0  }
0x9: {  	[smem:$0x3FA4] =	sst s1  }
0xa: {  	[smem:$0x3FA5] =	sst s2  }
0xb: {  	[smem:$0x3FA6] =	sst s3  }
0xc: {  	[smem:$0x3FA7] =	sst s4  }
0xd: {  	[smem:$0x3FA8] =	sst s5  }
0xe: {  	[smem:$0x3FA9] =	sst s6  }
0xf: {  	[smem:$0x3FAA] =	sst s7  }
0x10: {  	[smem:$0x3FAB] =	sst s8  }
0x11: {  	[smem:$0x3FAC] =	sst s9;
	s0 =	simm.s32 @!p0 $0x0  }
0x12: {  	s1 =	sld [smem:$0x3F92];
	s0 =	simm.s32 @p0 $0x1  }
0x13: {  	[smem:$0x3FAD] =	sst s0;
	s0 =	simm.s32 @!p1 $0x0  }
0x14: {  	s2 =	sld [smem:$0x3F91];
	s0 =	simm.s32 @p1 $0x1  }
0x15: {  	[smem:$0x3FAE] =	sst s0;
	s0 =	simm.s32 @!p2 $0x0  }
0x16: {  	s3 =	sld [smem:$0x3FDB];
	s0 =	simm.s32 @p2 $0x1  }
0x17: {  	s4 =	simm.s32 $0x1BF5;
	[smem:$0x3FB0] =	sst s0  }
0x18: {  	s0 =	sld [smem:$0x3F93];
	_ =	swait.ge [sflag:s4], $0x0  }
0x19: {  	s7 =	sld [smem:$0x3F94]  }
0x1a: {  	s8 =	sadd.s32 $0xFFFFE003, lr  }
0x1b: {  	s9 =	sadd.s32 $0xFFFFFEF7, lr;
	s5 =	simm.s32 $0xFFFFFFFF;
	p2 =	slt.u32 s8, $0xFFFFF086  }
0x1c: {  	p1 =	slt.u32 s9, $0xF7A;
	s5 =	simm.s32 @!p2 $0x0  }
0x1d: {  	s5 =	simm.s32 @p1 $0x1;
	p0 =	seq.s32 s7, s2  }
0x1e: {  	s7 =	smul.u32 @!p0 $0xF7A, s2;
	p2 =	seq.s32 @!p0 s5, $0x0  }
0x1f: {  	s9 =	smul.u32 $0xF7A, s1;
	s8 =	simm.s32 @!p0 $0x1BF5;
	p2 =	por !p2, p0  }
0x20: {  	[sflag:s8] =	ssyncset.s32 @!p0 $0xFFFFF086;
	s6 =	sadd.s32 @!p0 s3, s7;
	s7 =	simm.s32 @!p0 $0x108  }
0x21: {  	s3 =	sadd.s32 s3, s9;
	s6 =	sadd.s32 @!p0 $0x88, s6;
	s7 =	simm.s32 @p2 $0x1082  }
0x22: {  	[simem:s7], [sflag:s8] =	dma.local @!p0 [hbm:s6], $0xF7A  }
0x23: {  	s9 =	sor.u32 $0xD0000000, s2;
	s6 =	simm.s32 $0x108;
	_ =	swait.ge @!p0 [sflag:s8], $0x0  }
0x24: {  	s3 =	sadd.s32 $0x88, s3;
	s6 =	simm.s32 @!p1 $0x1082;
	[sflag:s4] =	ssyncset.s32 $0xFFFFF086  }
0x25: {  	[simem:s6], [sflag:s4] =	dma.local [hbm:s3], $0xF7A  }
0x26: {  	[smem:$0x3F94] =	sst s1;
	(tag) =	ssettag s2;
	_ =	strace s9  }
0x27: {  	s1 =	sld [smem:$0x3FA4]  }
0x28: {  	s2 =	sld [smem:$0x3FA5]  }
0x29: {  	s4 =	sld [smem:$0x3FA7]  }
0x2a: {  	p0 =	seq.s32 s5, $0x0;
	s5 =	sld [smem:$0x3FA8]  }
0x2b: {  	s6 =	sld [smem:$0x3FA9]  }
0x2c: {  	s7 =	sld [smem:$0x3FAA]  }
0x2d: {  	s3 =	simm.s32 $0x108;
	s8 =	sld [smem:$0x3FAB]  }
0x2e: {  	s3 =	simm.s32 @!p0 $0x1082;
	s9 =	sld [smem:$0x3FAC]  }
0x2f: {  	lr =	sadd.s32 s0, s3;
	s0 =	sld [smem:$0x3FA3]  }
0x30: {  	s3 =	sld [smem:$0x3FA6]  }
0x31: {  	[smem:$0x3FAF] =	sst s10  }
0x32: {  	s10 =	sld [smem:$0x3FAD];
	_ =	sdelay $0x3  }
0x33: {  	p0 =	seq.s32 s10, $0x1;
	s10 =	sld [smem:$0x3FAF];
	_ =	sdelay $0x3  }
0x34: {  	[smem:$0x3FAF] =	sst s10  }
0x35: {  	s10 =	sld [smem:$0x3FAE];
	_ =	sdelay $0x3  }
0x36: {  	p1 =	seq.s32 s10, $0x1;
	s10 =	sld [smem:$0x3FAF];
	_ =	sdelay $0x3  }
0x37: {  	[smem:$0x3FAF] =	sst s10  }
0x38: {  	s10 =	sld [smem:$0x3FB0]  }
0x39: {  	_ = 	snop;
	(pc) =	sbr.ind lr, $3  }
0x3a: {  	_ = 	snop  }
0x3b: {  	_ = 	snop  }
0x3c: {  	p2 =	seq.s32 s10, $0x1;
	s10 =	sld [smem:$0x3FAF]  }
0x3d: {  	_ =	shalt  }
0x3e: {  	_ =	shalt  }
0x3f: {  	_ =	shalt  }
0x40: {  	_ =	shalt  }
0x41: {  	_ =	shalt  }
0x42: {  	_ =	shalt  }
0x43: {  	_ =	shalt  }
0x44: {  	_ =	shalt  }
0x45: {  	_ =	shalt  }
0x46: {  	_ =	shalt  }
0x47: {  	_ =	shalt  }
0x48: {  	_ =	shalt  }
0x49: {  	_ =	shalt  }
0x4a: {  	_ =	shalt  }
0x4b: {  	_ =	shalt  }
0x4c: {  	_ =	shalt  }
0x4d: {  	_ =	shalt  }
0x4e: {  	_ =	shalt  }
0x4f: {  	_ =	shalt  }
0x50: {  	_ =	shalt  }
0x51: {  	_ =	shalt  }
0x52: {  	_ =	shalt  }
0x53: {  	_ =	shalt  }
0x54: {  	_ =	shalt  }
0x55: {  	_ =	shalt  }
0x56: {  	_ =	shalt  }
0x57: {  	_ =	shalt  }
0x58: {  	_ =	shalt  }
0x59: {  	_ =	shalt  }
0x5a: {  	_ =	shalt  }
0x5b: {  	_ =	shalt  }
0x5c: {  	_ =	shalt  }
0x5d: {  	_ =	shalt  }
0x5e: {  	_ =	shalt  }
0x5f: {  	_ =	shalt  }
0x60: {  	_ =	shalt  }
0x61: {  	_ =	shalt  }
0x62: {  	_ =	shalt  }
0x63: {  	_ =	shalt  }
0x64: {  	_ =	shalt  }
0x65: {  	_ =	shalt  }
0x66: {  	_ =	shalt  }
0x67: {  	_ =	shalt  }
0x68: {  	_ =	shalt  }
0x69: {  	_ =	shalt  }
0x6a: {  	_ =	shalt  }
0x6b: {  	_ =	shalt  }
0x6c: {  	_ =	shalt  }
0x6d: {  	_ =	shalt  }
0x6e: {  	_ =	shalt  }
0x6f: {  	_ =	shalt  }
0x70: {  	_ =	shalt  }
0x71: {  	_ =	shalt  }
0x72: {  	_ =	shalt  }
0x73: {  	_ =	shalt  }
0x74: {  	_ =	shalt  }
0x75: {  	_ =	shalt  }
0x76: {  	_ =	shalt  }
0x77: {  	_ =	shalt  }
0x78: {  	_ =	shalt  }
0x79: {  	_ =	shalt  }
0x7a: {  	_ =	shalt  }
0x7b: {  	_ =	shalt  }
0x7c: {  	_ =	shalt  }
0x7d: {  	_ =	shalt  }
0x7e: {  	_ =	shalt  }
0x7f: {  	_ =	shalt  }
0x80: {  	_ =	shalt  }
0x81: {  	_ =	shalt  }
0x82: {  	_ =	shalt  }
0x83: {  	_ =	shalt  }
0x84: {  	_ =	shalt  }
0x85: {  	_ =	shalt  }
0x86: {  	_ =	shalt  }
0x87: {  	_ =	shalt  }
.Lfunc_end0:
.L_simem_size_0:
called_computation.4_lowered:
.L_overlay_start_0:
0x88: {  	s2 =	sld [smem:$0x3FD9]  }
0x89: {  	s3 =	sld [smem:$0x3FFE];
	_ =	sdelay $0x1  }
0x8a: {  	s1 =	srdreg.scid  }
0x8b: {  	s0 =	sand.u32 $0x1, s1  }
0x8c: {  	s16 =	sshll.u32 s0, $0xA;
	s2 =	sadd.s32 s3, s2  }
0x8d: {  	s2 =	sadd.s32 s2, s16  }
0x8e: {  	[smem:$0x3FBB] =	sst s2  }
0x8f: {  	_ = 	snop  }
0x90: {  	(tm) =	ssettm $0x1  }
0x91: {  	s17 =	sld [smem:$0x3FFB];
	_ =	sdelay $0x3  }
0x92: {  	_ =	strace s17  }
0x93: {  	s2 =	sld [smem:$0x3FFC];
	_ =	sdelay $0x3  }
0x94: {  	_ =	strace s2  }
0x95: {  	s2 =	sld [smem:$0x3FFD];
	_ =	sdelay $0x3  }
0x96: {  	_ =	strace s2  }
0x97: {  	_ =	strace $0x8FFFFFFF  }
0x98: {  	s18 =	sld [smem:$0x3FDB];
	_ =	sdelay $0x1  }
0x99: {  	s19 =	simm.s32 $_scs_section_size  }
0x9a: {  	s4 =	simm.s32 $_size__tile_overlayer_lowered;
	s5 =	simm.s32 $_tile_overlayer_lowered  }
0x9b: {  	s22 =	simm.s32 $0x1BFF;
	s21 =	sshll.u32 s5, $0x1;
	s2 =	sadd.s32 s19, s18  }
0x9c: {  	s6 =	simm.s32 $0x0;
	s20 =	sshll.u32 s4, $0x1;
	s4 =	sadd.s32 s21, s2  }
0x9d: {  	[timem:s6], [sflag:s22] =	dma.local [hbm:s4], s20  }
0x9e: {  	_ =	swait.ge [sflag:s22], s20  }
0x9f: {  	s3 =	ssub.s32 $0x0, s20;
	[sflag:s22] =	ssyncset.done $0x0  }
0xa0: {  	[sflag:s22] =	ssyncadd.s32 s3;
	_ =	sdelay $0x1  }
0xa1: {  	s23 =	simm.s32 $0x1B8B  }
0xa2: {  	_ =	swait.ge [sflag:s23], $0x1  }
0xa3: {  	[sflag:s23] =	ssyncset.done $0x0  }
0xa4: {  	s25 =	simm.s32 $0x1B8E;
	s24 =	sld [smem:$0x3FFE];
	[sflag:s23] =	ssyncadd.s32 $0xFFFFFFFF  }
0xa5: {  	s26 =	simm.s32 $execute0_lowered;
	[smem:$0x3FD2] =	sst s25  }
0xa6: {  	s4 =	sshll.u32 s26, $0x1;
	_ =	strace $0x80000052;
	[dreg:$0x1] =	wrdreg $0xFFFFFFFF  }
0xa7: {  	s28 =	simm.s32 $_size_execute0_lowered;
	s2 =	sadd.s32 s2, s4;
	[dreg:$0x0] =	wrdreg $0x0  }
0xa8: {  	s4 =	sshll.u32 s28, $0x1;
	[dreg:$0x2] =	wrdreg s2  }
0xa9: {  	[dreg:$0x3] =	wrdreg s4  }
0xaa: {  	[dreg:$0x4] =	wrdreg $0xC0  }
0xab: {  	_ =	task [dreg:s6], $0x5FFFF  }
0xac: {  	[dreg:$0x1] =	wrdreg $0xFFFFFFFF  }
0xad: {  	[dreg:$0x0] =	wrdreg $0x60  }
0xae: {  	[dreg:$0x2] =	wrdreg s24  }
0xaf: {  	[dreg:$0x3] =	wrdreg $0x9  }
0xb0: {  	_ =	task.clear_ibuf [dreg:s6], $0x4FFFF;
	_ =	strace $0x90000052  }
0xb1: {  	s29 =	simm.s32 $0x9;
	_ =	strace $0x80000054  }
0xb2: {  	_ =	swait.ge [sflag:s29], $0x1  }
0xb3: {  	[sflag:s29] =	ssyncadd.s32 $0xFFFFFFFF  }
0xb4: {  	_ =	strace $0x90000054  }
0xb5: {  	_ =	sfence  }
0xb6: {  	s30 =	sld [smem:$0x0];
	_ =	sdelay $0x2  }
0xb7: {  	s31 =	sshll.u32 s1, $0xD;
	s1 =	sshrl.u32 s1, $0x2  }
0xb8: {  	s3 =	sand.u32 $0x4000, s31;
	s1 =	sadd.s32 s1, s30  }
0xb9: {  	s0 =	sor.u32 s3, s0;
	s1 =	sshll.u32 s1, $0x11  }
0xba: {  	s0 =	sor.u32 s1, s0  }
0xbb: {  	s0 =	sadd.s32 $0x8F2B, s0  }
0xbc: {  	[sflag:s0] =	ssyncadd.remote.s32 $0x1  }
0xbd: {  	_ =	sfence.sel $0xFFFF  }
0xbe: {  	[dreg:$0x0] =	wrdreg $0xFFFFFFFF;
	(pc) =	sbr.abs _section_cstart, $3  }
0xbf: {  	[dreg:$0x1] =	wrdreg $0xFFFFFFFF  }
0xc0: {  	_ =	task.clear_ibuf [dreg:s6], $0x2FFFF;
	_ =	strace $0x9FFFFFFF  }
0xc1: {  	(tm) =	ssettm $0x7FFFFFFF  }
tec
execute0_lowered:
.L_overlay_start_1:
0x0: {  	(tag) =	ssettag $0x1  }
0x1: {  	s0 =	srdreg.scid;
	s4 =	rddreg [dreg:$0x0]  }
0x2: {  	s2 =	simm.s32 $0x0;
	s8 =	simm.s32 $0x2780;
	s3 =	sand.u32 $0x1, s0  }
0x3: {  	s9 =	simm.s32 $0x4F00;
	s0 =	stileid.u32;
	s1 =	sshll.u32 s3, $0x4  }
0x4: {  	s10 =	simm.s32 $0x0;
	[smem:$0x7FF] =	sst s2;
	s5 =	sor.u32 s0, s1  }
0x5: {  	s6 =	ssub.s32 $0x2, s3;
	s3 =	sadd.s32 $0x15C00, s4;
	s5 =	smul.u32 $0x4E2, s5  }
0x6: {  	s1 =	rddreg [dreg:$0x1];
	_ =	strace $0x80000053;
	s7 =	sshrl.u32 s6, $0x1  }
0x7: {  	s6 =	ssub.s32 s6, s7;
	s7 =	simm.s32 $0x1;
	s5 =	sadd.s32 s5, s4  }
0x8: {  	s6 =	smax.u32 s6, $0x1;
	s4 =	sadd.s32 $0x2000, s5;
	s5 =	sadd.s32 $0xBE00, s5  }
.LBB2_1:
0x9: {  	[tilespmem:s2], [sflag:$0x1] =	stream.linear.gather [hbm4b:s3+s2], $0x2780, $0x38;
	[tilespmem:$0x7680] =	vst v63  }
0xa: {  	_ =	swait.ge [sflag:s7], $0x2780  }
0xb: {  	[sflag:s7] =	ssyncset.done $0x0  }
0xc: {  	[sflag:s7] =	ssyncadd.s32 $0xFFFFD880  }
0xd: {  	[tilespmem:s8], [sflag:$0x1] =	stream.linear.gather [hbm4b:s4+s2], $0x2710, $0x38;
	[tilespmem:$0x7680] =	vst v63  }
0xe: {  	_ =	swait.ge [sflag:s7], $0x2710  }
0xf: {  	[sflag:s7] =	ssyncset.done $0x0  }
0x10: {  	s11 =	simm.s32 $0x0;
	[sflag:s7] =	ssyncadd.s32 $0xFFFFD8F0  }
0x11: {  	v0 =	vld [tilespmem:s11+$0x2780];
	_ =	sdelay $0x7  }
0x12: {  	s12 =	simm.s32 $0x10;
	s13 =	simm.s32 $0x80;
	v0 =	vld.idx.msk [tilespmem:v0+s2+$0x0], $0xffff  }
.LBB2_2:
0x13: {  	p0 =	sne.s32 s13, $0x9C00;
	v1 =	vld [tilespmem:s12+$0x2780];
	_ =	sdelay $0x3  }
.Ltmp0:
0x14: {  	(pc) =	sbr.rel @p0 .LBB2_2-.Ltmp0, $2  }
0x15: {  	[tilespmem:s11+$0x4F00] =	vst v0;
	s11 =	smov.u32 s12;
	_ =	sdelay $0x2  }
0x16: {  	s12 =	sshra.s32 s13, $0x2;
	s13 =	sadd.s32 $0x40, s13;
	v0 =	vld.idx.msk [tilespmem:v1+s2+$0x0], $0xffff  }
0x17: {  	v1 =	vld [tilespmem:s12+$0x2780];
	_ =	sdelay $0x6  }
0x18: {  	[tilespmem:s11+$0x4F00] =	vst v0  }
0x19: {  	v0 =	vld.idx.msk [tilespmem:v1+s2+$0x0], $0xffff;
	_ =	sdelay $0x2  }
0x1a: {  	s10 =	sadd.s32 $0x1, s10  }
0x1b: {  	p0 =	sne.s32 s10, s6  }
.Ltmp1:
0x1c: {  	[tilespmem:s12+$0x4F00] =	vst v0;
	(pc) =	sbr.rel @p0 .LBB2_1-.Ltmp1, $4  }
0x1d: {  	[hbm4b:s5+s2] =	stream.linear.scatter [tilespmem:s9], [sflag:$0x1], $0x2710, $0x38;
	[tilespmem:$0x7680] =	vst v63  }
0x1e: {  	_ =	swait.ge [sflag:s7], $0x2710  }
0x1f: {  	[sflag:s7] =	ssyncset.done $0x0  }
0x20: {  	[sflag:s7] =	ssyncadd.s32 $0xFFFFD8F0  }
0x21: {  	_ =	sfence.sel $0x180000  }
0x22: {  	[bflag:$0x0] =	sbarrier.arrive $0xFFFF  }
0x23: {  	p0 =	sne.s32 s0, $0x0;
	_ =	strace $0x90000053  }
0x24: {  	s0 =	sadd.s32 @!p0 $0x100000, s1;
	[bflag:$0x2] =	sbarrier.arrive $0xFFFF  }
0x25: {  	[sflag:s0] =	ssyncadd.tile.s32 @!p0 $0x1;
	_ =	shalt  }
.Lfunc_end2:
_tile_overlayer_lowered:
.L_overlay_start_2:
0x26: {  	(tag) =	ssettag $0x2  }
0x27: {  	s0 =	rddreg [dreg:$0x0];
	s2 =	stileid.u32  }
0x28: {  	s1 =	rddreg [dreg:$0x1];
	p0 =	sne.s32 s2, $0x0  }
0x29: {  	s3 =	rddreg [dreg:$0x2];
	[bflag:$0x3] =	sbarrier.arrive $0xFFFF;
	s2 =	simm.s32 @!p0 $0x1C01  }
0x2a: {  	[timem:s3], [sflag:s2] =	dma.local @!p0 [hbm:s0], s1  }
0x2b: {  	s0 =	simm.s32 @!p0 $0x1  }
0x2c: {  	_ =	swait.ge @!p0 [sflag:s0], s1  }
0x2d: {  	s1 =	ssub.s32 @!p0 $0x0, s1;
	[sflag:s0] =	ssyncset.done @!p0 $0x0  }
0x2e: {  	[sflag:s0] =	ssyncadd.s32 @!p0 s1  }
0x2f: {  	[bflag:$0x3] =	sbarrier.arrive $0xFFFF  }
0x30: {  	_ =	shalt  }

// kernel: kernel.24.cloned.1.call-start
scs
__scs_entry_jumppad:
0x0: {  	(pc) =	sbr.rel $0x88, $3  }
0x1: {  	(tag) =	ssettag $0x0;
	lr =	simm.s32 $0x1  }
0x2: {  	[smem:$0x3F94] =	sst lr;
	_ =	strace $0xD0000000  }
0x3: {  	_ = 	snop  }
0x4: {  	_ = 	snop  }
0x5: {  	_ = 	snop  }
0x6: {  	_ = 	snop  }
0x7: {  	_ = 	snop  }
__scs_overlays_trampoline_lowered:
0x8: {  	[smem:$0x3FA3] =	sst s0  }
0x9: {  	[smem:$0x3FA4] =	sst s1  }
0xa: {  	[smem:$0x3FA5] =	sst s2  }
0xb: {  	[smem:$0x3FA6] =	sst s3  }
0xc: {  	[smem:$0x3FA7] =	sst s4  }
0xd: {  	[smem:$0x3FA8] =	sst s5  }
0xe: {  	[smem:$0x3FA9] =	sst s6  }
0xf: {  	[smem:$0x3FAA] =	sst s7  }
0x10: {  	[smem:$0x3FAB] =	sst s8  }
0x11: {  	[smem:$0x3FAC] =	sst s9;
	s0 =	simm.s32 @!p0 $0x0  }
0x12: {  	s1 =	sld [smem:$0x3F92];
	s0 =	simm.s32 @p0 $0x1  }
0x13: {  	[smem:$0x3FAD] =	sst s0;
	s0 =	simm.s32 @!p1 $0x0  }
0x14: {  	s2 =	sld [smem:$0x3F91];
	s0 =	simm.s32 @p1 $0x1  }
0x15: {  	[smem:$0x3FAE] =	sst s0;
	s0 =	simm.s32 @!p2 $0x0  }
0x16: {  	s3 =	sld [smem:$0x3FDB];
	s0 =	simm.s32 @p2 $0x1  }
0x17: {  	s4 =	simm.s32 $0x1BF5;
	[smem:$0x3FB0] =	sst s0  }
0x18: {  	s0 =	sld [smem:$0x3F93];
	_ =	swait.ge [sflag:s4], $0x0  }
0x19: {  	s7 =	sld [smem:$0x3F94]  }
0x1a: {  	s8 =	sadd.s32 $0xFFFFE003, lr  }
0x1b: {  	s9 =	sadd.s32 $0xFFFFFEF7, lr;
	s5 =	simm.s32 $0xFFFFFFFF;
	p2 =	slt.u32 s8, $0xFFFFF086  }
0x1c: {  	p1 =	slt.u32 s9, $0xF7A;
	s5 =	simm.s32 @!p2 $0x0  }
0x1d: {  	s5 =	simm.s32 @p1 $0x1;
	p0 =	seq.s32 s7, s2  }
0x1e: {  	s7 =	smul.u32 @!p0 $0xF7A, s2;
	p2 =	seq.s32 @!p0 s5, $0x0  }
0x1f: {  	s9 =	smul.u32 $0xF7A, s1;
	s8 =	simm.s32 @!p0 $0x1BF5;
	p2 =	por !p2, p0  }
0x20: {  	[sflag:s8] =	ssyncset.s32 @!p0 $0xFFFFF086;
	s6 =	sadd.s32 @!p0 s3, s7;
	s7 =	simm.s32 @!p0 $0x108  }
0x21: {  	s3 =	sadd.s32 s3, s9;
	s6 =	sadd.s32 @!p0 $0x88, s6;
	s7 =	simm.s32 @p2 $0x1082  }
0x22: {  	[simem:s7], [sflag:s8] =	dma.local @!p0 [hbm:s6], $0xF7A  }
0x23: {  	s9 =	sor.u32 $0xD0000000, s2;
	s6 =	simm.s32 $0x108;
	_ =	swait.ge @!p0 [sflag:s8], $0x0  }
0x24: {  	s3 =	sadd.s32 $0x88, s3;
	s6 =	simm.s32 @!p1 $0x1082;
	[sflag:s4] =	ssyncset.s32 $0xFFFFF086  }
0x25: {  	[simem:s6], [sflag:s4] =	dma.local [hbm:s3], $0xF7A  }
0x26: {  	[smem:$0x3F94] =	sst s1;
	(tag) =	ssettag s2;
	_ =	strace s9  }
0x27: {  	s1 =	sld [smem:$0x3FA4]  }
0x28: {  	s2 =	sld [smem:$0x3FA5]  }
0x29: {  	s4 =	sld [smem:$0x3FA7]  }
0x2a: {  	p0 =	seq.s32 s5, $0x0;
	s5 =	sld [smem:$0x3FA8]  }
0x2b: {  	s6 =	sld [smem:$0x3FA9]  }
0x2c: {  	s7 =	sld [smem:$0x3FAA]  }
0x2d: {  	s3 =	simm.s32 $0x108;
	s8 =	sld [smem:$0x3FAB]  }
0x2e: {  	s3 =	simm.s32 @!p0 $0x1082;
	s9 =	sld [smem:$0x3FAC]  }
0x2f: {  	lr =	sadd.s32 s0, s3;
	s0 =	sld [smem:$0x3FA3]  }
0x30: {  	s3 =	sld [smem:$0x3FA6]  }
0x31: {  	[smem:$0x3FAF] =	sst s10  }
0x32: {  	s10 =	sld [smem:$0x3FAD];
	_ =	sdelay $0x3  }
0x33: {  	p0 =	seq.s32 s10, $0x1;
	s10 =	sld [smem:$0x3FAF];
	_ =	sdelay $0x3  }
0x34: {  	[smem:$0x3FAF] =	sst s10  }
0x35: {  	s10 =	sld [smem:$0x3FAE];
	_ =	sdelay $0x3  }
0x36: {  	p1 =	seq.s32 s10, $0x1;
	s10 =	sld [smem:$0x3FAF];
	_ =	sdelay $0x3  }
0x37: {  	[smem:$0x3FAF] =	sst s10  }
0x38: {  	s10 =	sld [smem:$0x3FB0]  }
0x39: {  	_ = 	snop;
	(pc) =	sbr.ind lr, $3  }
0x3a: {  	_ = 	snop  }
0x3b: {  	_ = 	snop  }
0x3c: {  	p2 =	seq.s32 s10, $0x1;
	s10 =	sld [smem:$0x3FAF]  }
0x3d: {  	_ =	shalt  }
0x3e: {  	_ =	shalt  }
0x3f: {  	_ =	shalt  }
0x40: {  	_ =	shalt  }
0x41: {  	_ =	shalt  }
0x42: {  	_ =	shalt  }
0x43: {  	_ =	shalt  }
0x44: {  	_ =	shalt  }
0x45: {  	_ =	shalt  }
0x46: {  	_ =	shalt  }
0x47: {  	_ =	shalt  }
0x48: {  	_ =	shalt  }
0x49: {  	_ =	shalt  }
0x4a: {  	_ =	shalt  }
0x4b: {  	_ =	shalt  }
0x4c: {  	_ =	shalt  }
0x4d: {  	_ =	shalt  }
0x4e: {  	_ =	shalt  }
0x4f: {  	_ =	shalt  }
0x50: {  	_ =	shalt  }
0x51: {  	_ =	shalt  }
0x52: {  	_ =	shalt  }
0x53: {  	_ =	shalt  }
0x54: {  	_ =	shalt  }
0x55: {  	_ =	shalt  }
0x56: {  	_ =	shalt  }
0x57: {  	_ =	shalt  }
0x58: {  	_ =	shalt  }
0x59: {  	_ =	shalt  }
0x5a: {  	_ =	shalt  }
0x5b: {  	_ =	shalt  }
0x5c: {  	_ =	shalt  }
0x5d: {  	_ =	shalt  }
0x5e: {  	_ =	shalt  }
0x5f: {  	_ =	shalt  }
0x60: {  	_ =	shalt  }
0x61: {  	_ =	shalt  }
0x62: {  	_ =	shalt  }
0x63: {  	_ =	shalt  }
0x64: {  	_ =	shalt  }
0x65: {  	_ =	shalt  }
0x66: {  	_ =	shalt  }
0x67: {  	_ =	shalt  }
0x68: {  	_ =	shalt  }
0x69: {  	_ =	shalt  }
0x6a: {  	_ =	shalt  }
0x6b: {  	_ =	shalt  }
0x6c: {  	_ =	shalt  }
0x6d: {  	_ =	shalt  }
0x6e: {  	_ =	shalt  }
0x6f: {  	_ =	shalt  }
0x70: {  	_ =	shalt  }
0x71: {  	_ =	shalt  }
0x72: {  	_ =	shalt  }
0x73: {  	_ =	shalt  }
0x74: {  	_ =	shalt  }
0x75: {  	_ =	shalt  }
0x76: {  	_ =	shalt  }
0x77: {  	_ =	shalt  }
0x78: {  	_ =	shalt  }
0x79: {  	_ =	shalt  }
0x7a: {  	_ =	shalt  }
0x7b: {  	_ =	shalt  }
0x7c: {  	_ =	shalt  }
0x7d: {  	_ =	shalt  }
0x7e: {  	_ =	shalt  }
0x7f: {  	_ =	shalt  }
0x80: {  	_ =	shalt  }
0x81: {  	_ =	shalt  }
0x82: {  	_ =	shalt  }
0x83: {  	_ =	shalt  }
0x84: {  	_ =	shalt  }
0x85: {  	_ =	shalt  }
0x86: {  	_ =	shalt  }
0x87: {  	_ =	shalt  }
.Lfunc_end0:
.L_simem_size_0:
called_computation.5_lowered:
.L_overlay_start_0:
0x88: {  	s2 =	sld [smem:$0x3FD9]  }
0x89: {  	s3 =	sld [smem:$0x3FFE];
	_ =	sdelay $0x1  }
0x8a: {  	s1 =	srdreg.scid  }
0x8b: {  	s0 =	sand.u32 $0x1, s1  }
0x8c: {  	s17 =	sshll.u32 s0, $0xA;
	s2 =	sadd.s32 s3, s2  }
0x8d: {  	s2 =	sadd.s32 s2, s17  }
0x8e: {  	[smem:$0x3FBB] =	sst s2  }
0x8f: {  	_ = 	snop  }
0x90: {  	s2 =	sld [smem:$0x3FD0];
	(tm) =	ssettm $0x1  }
0x91: {  	s18 =	sld [smem:$0x3FFB];
	_ =	sdelay $0x3  }
0x92: {  	_ =	strace s18  }
0x93: {  	s3 =	sld [smem:$0x3FFC];
	_ =	sdelay $0x3  }
0x94: {  	_ =	strace s3  }
0x95: {  	s3 =	sld [smem:$0x3FFD];
	_ =	sdelay $0x3  }
0x96: {  	_ =	strace s3  }
0x97: {  	_ =	strace $0x8FFFFFFF  }
0x98: {  	s19 =	sld [smem:$0x3FDB];
	_ =	sdelay $0x1  }
0x99: {  	s4 =	simm.s32 $_scs_section_size  }
0x9a: {  	s5 =	simm.s32 $_size__tile_overlayer_lowered;
	s6 =	simm.s32 $_tile_overlayer_lowered  }
0x9b: {  	s22 =	simm.s32 $0x1BFF;
	s21 =	sshll.u32 s6, $0x1;
	s3 =	sadd.s32 s4, s19  }
0x9c: {  	s7 =	simm.s32 $0x0;
	s20 =	sshll.u32 s5, $0x1;
	s5 =	sadd.s32 s21, s3  }
0x9d: {  	[timem:s7], [sflag:s22] =	dma.local [hbm:s5], s20  }
0x9e: {  	_ =	swait.ge [sflag:s22], s20  }
0x9f: {  	s4 =	ssub.s32 $0x0, s20;
	[sflag:s22] =	ssyncset.done $0x0  }
0xa0: {  	[sflag:s22] =	ssyncadd.s32 s4;
	_ =	sdelay $0x1  }
0xa1: {  	s23 =	simm.s32 $0x1B8B  }
0xa2: {  	_ =	swait.ge [sflag:s23], $0x1  }
0xa3: {  	[sflag:s23] =	ssyncset.done $0x0  }
0xa4: {  	s25 =	simm.s32 $0x1B8E;
	s24 =	sld [smem:$0x3FFE];
	[sflag:s23] =	ssyncadd.s32 $0xFFFFFFFF  }
0xa5: {  	s26 =	simm.s32 $execute0_lowered;
	[smem:$0x3FD2] =	sst s25  }
0xa6: {  	s5 =	sshll.u32 s26, $0x1;
	_ =	strace $0x80000055;
	[dreg:$0x1] =	wrdreg $0xFFFFFFFF  }
0xa7: {  	s28 =	simm.s32 $_size_execute0_lowered;
	s3 =	sadd.s32 s3, s5;
	[dreg:$0x0] =	wrdreg $0x0  }
0xa8: {  	s5 =	sshll.u32 s28, $0x1;
	[dreg:$0x2] =	wrdreg s3  }
0xa9: {  	[dreg:$0x3] =	wrdreg s5  }
0xaa: {  	[dreg:$0x4] =	wrdreg $0xC0  }
0xab: {  	_ =	task [dreg:s7], $0x5FFFF  }
0xac: {  	[dreg:$0x1] =	wrdreg $0xFFFFFFFF  }
0xad: {  	[dreg:$0x0] =	wrdreg $0x60  }
0xae: {  	[dreg:$0x2] =	wrdreg s24  }
0xaf: {  	[dreg:$0x3] =	wrdreg s2  }
0xb0: {  	[dreg:$0x4] =	wrdreg $0x9  }
0xb1: {  	_ =	task.clear_ibuf [dreg:s7], $0x5FFFF;
	_ =	strace $0x90000055  }
0xb2: {  	s29 =	simm.s32 $0x9;
	_ =	strace $0x80000057  }
0xb3: {  	_ =	swait.ge [sflag:s29], $0x1  }
0xb4: {  	[sflag:s29] =	ssyncadd.s32 $0xFFFFFFFF  }
0xb5: {  	_ =	strace $0x90000057  }
0xb6: {  	_ =	sfence  }
0xb7: {  	s30 =	sld [smem:$0x0];
	_ =	sdelay $0x2  }
0xb8: {  	s31 =	sshll.u32 s1, $0xD;
	s1 =	sshrl.u32 s1, $0x2  }
0xb9: {  	s3 =	sand.u32 $0x4000, s31;
	s1 =	sadd.s32 s1, s30  }
0xba: {  	s0 =	sor.u32 s3, s0;
	s1 =	sshll.u32 s1, $0x11  }
0xbb: {  	s0 =	sor.u32 s1, s0  }
0xbc: {  	s0 =	sadd.s32 $0x8F2B, s0  }
0xbd: {  	[sflag:s0] =	ssyncadd.remote.s32 $0x1  }
0xbe: {  	_ =	sfence.sel $0xFFFF  }
0xbf: {  	[dreg:$0x0] =	wrdreg $0xFFFFFFFF;
	(pc) =	sbr.abs _section_cstart, $3  }
0xc0: {  	[dreg:$0x1] =	wrdreg $0xFFFFFFFF  }
0xc1: {  	_ =	task.clear_ibuf [dreg:s7], $0x2FFFF;
	_ =	strace $0x9FFFFFFF  }
0xc2: {  	(tm) =	ssettm $0x7FFFFFFF  }
0xc3: {  	_ =	shalt  }
tec
execute0_lowered:
.L_overlay_start_1:
0x0: {  	(tag) =	ssettag $0x1  }
0x1: {  	s0 =	srdreg.scid;
	s6 =	rddreg [dreg:$0x0]  }
0x2: {  	s2 =	rddreg [dreg:$0x1];
	s1 =	stileid.u32;
	s3 =	simm.s32 $0x0  }
0x3: {  	s10 =	simm.s32 $0xA000;
	s11 =	simm.s32 $0xA800;
	s5 =	sand.u32 $0x1, s0  }
0x4: {  	s12 =	simm.s32 $0xDB00;
	s13 =	simm.s32 $0x40;
	s4 =	sshll.u32 s5, $0x4  }
0x5: {  	s14 =	simm.s32 $0x10E00;
	s15 =	simm.s32 $0x12E00;
	s7 =	sor.u32 s1, s4  }
0x6: {  	s17 =	simm.s32 $0x2;
	[smem:$0x7FF] =	sst s3;
	s8 =	smul.u32 $0x1400, s7  }
.Ltmp0:
0x7: {  	s18 =	simm.s32 $0x0;
	_ =	strace $0x80000056;
	(pc) =	sbr.rel .LBB2_1-.Ltmp0, $4  }
0x8: {  	s9 =	ssub.s32 $0x2, s5;
	s5 =	sadd.s32 $0x525000, s6;
	s16 =	smul.u32 $0xFFFFFEC0, s7  }
0x9: {  	s4 =	sadd.s32 $0x2000, s6;
	s31 =	sshrl.u32 s9, $0x1;
	s8 =	sadd.s32 s8, s6  }
0xa: {  	s9 =	ssub.s32 s9, s31;
	v0 =	vmov s16;
	s16 =	simm.s32 $0x1;
	s6 =	sadd.s32 $0x43000, s8  }
0xb: {  	v1 =	vlaneseq.u32;
	v2 =	vimm.s32 $0x0;
	s7 =	sadd.s32 $0x6B000, s8;
	s8 =	smax.u32 s9, $0x1;
	s9 =	simm.s32 $0x3  }
.LBB2_15:
0xc: {  	s18 =	sadd.s32 $0x1, s18  }
0xd: {  	p0 =	sne.s32 s18, s8  }
.Ltmp1:
0xe: {  	_ = 	snop;
	(pc) =	sbr.rel @!p0 .LBB2_16-.Ltmp1, $4  }
0xf: {  	[hbm4b:s7+s3] =	stream.linear.scatter [tilespmem:s3], [sflag:$0x3], $0xA000, $0x38;
	[tilespmem:$0x12E80] =	vst v63  }
0x10: {  	_ =	swait.ge [sflag:s9], $0xA000  }
0x11: {  	[sflag:s9] =	ssyncset.done $0x0  }
0x12: {  	[sflag:s9] =	ssyncadd.s32 $0xFFFF6000  }
.LBB2_1:
0x13: {  	[tilespmem:s3], [sflag:$0x3] =	stream.linear.gather [hbm4b:s6+s3], $0xA000, $0x38;
	[tilespmem:$0x12E80] =	vst v63  }
0x14: {  	_ =	swait.ge [sflag:s9], $0xA000  }
0x15: {  	s20 =	simm.s32 $0x0;
	[sflag:s9] =	ssyncset.done $0x0  }
0x16: {  	s19 =	simm.s32 $0x0;
	s21 =	simm.s32 $0x0;
	[sflag:s9] =	ssyncadd.s32 $0xFFFF6000  }
.LBB2_2:
0x17: {  	s22 =	smul.u32 $0x7D0, s21;
	_ =	sdelay $0x1  }
0x18: {  	s22 =	sshrl.u32 s22, $0x3  }
0x19: {  	s23 =	simm.s32 $0x0;
	s22 =	sadd.s32 s4, s22  }
0x1a: {  	[tilespmem:s10], [sflag:$0x3] =	stream.linear.gather [hbm4b:s22+s23], $0x7D0, $0x38;
	[tilespmem:$0x12E80] =	vst v63  }
0x1b: {  	_ =	swait.ge [sflag:s9], $0x7D0  }
0x1c: {  	[sflag:s9] =	ssyncset.done $0x0  }
0x1d: {  	s31 =	simm.s32 $0x0;
	[sflag:s9] =	ssyncadd.s32 $0xFFFFF830  }
0x1e: {  	v3 =	vld [tilespmem:s31+$0xA000];
	_ =	sdelay $0x4  }
0x1f: {  	v3 =	vadd.s32 v0, v3  }
0x20: {  	vm0 =	vlt.u32 v3, $0x140  }
0x21: {  	v4 =	vsel vm0, $0x1, v2  }
0x22: {  	(xrf0) =	vadd.scan.msk.s32 $0xffff, v4  }
0x23: {  	p0 =	slt.s32 s19, $0x2B20  }
0x24: {  	s19 =	simm.s32 @!p0 $0x2B20  }
0x25: {  	v63 =	vmov s19  }
0x26: {  	v4 =	vadd.s32 $0xFFFFFFFF, v63  }
0x27: {  	v4 =	vbroadcast v4, $0x0  }
0x28: {  	v5, _, _ =	vpop (xrf0)  }
0x29: {  	v4 =	vadd.s32 v5, v4;
	(v2sf) =	vpush v5, $0xF;
	_ =	sdelay $0x3  }
0x2a: {  	v6 =	vor.u32 s20, v1  }
0x2b: {  	[tilespmem:v4+s11+$0x0] =	vst.idx.msk vm0, v6  }
0x2c: {  	s24 =	simm.s32 $0x10;
	s23 =	simm.s32 $0x80;
	s22 =	smov.u32 s20;
	[tilespmem:v4+s12+$0x0] =	vst.idx.msk vm0, v3  }
.LBB2_3:
0x2d: {  	p0 =	sne.s32 s23, $0x1F00;
	v3 =	vld [tilespmem:s24+$0xA000];
	_ =	sdelay $0x4  }
0x2e: {  	v3 =	vadd.s32 v0, v3  }
0x2f: {  	vm0 =	vlt.u32 v3, $0x140  }
0x30: {  	v4 =	vsel vm0, $0x1, v2  }
0x31: {  	(xrf0) =	vadd.scan.msk.s32 $0xffff, v4;
	s24 =	spop (v2sf)  }
0x32: {  	s19 =	sadd.s32 s19, s24  }
0x33: {  	v4 =	vmov s19  }
0x34: {  	v4 =	vadd.s32 $0xFFFFFFFF, v4  }
0x35: {  	v4 =	vbroadcast v4, $0x0;
	_ =	sdelay $0x1  }
0x36: {  	v5, _, _ =	vpop (xrf0)  }
0x37: {  	v4 =	vadd.s32 v5, v4;
	(v2sf) =	vpush v5, $0xF;
	_ =	sdelay $0x1  }
.Ltmp2:
0x38: {  	(pc) =	sbr.rel @p0 .LBB2_3-.Ltmp2, $4  }
0x39: {  	s22 =	sadd.s32 $0x10, s22  }
0x3a: {  	v5 =	vor.u32 s22, v1  }
0x3b: {  	[tilespmem:v4+s11+$0x0] =	vst.idx.msk vm0, v5  }
0x3c: {  	s24 =	sshra.s32 s23, $0x2;
	s23 =	sadd.s32 $0x40, s23;
	[tilespmem:v4+s12+$0x0] =	vst.idx.msk vm0, v3  }
0x3d: {  	v3 =	vld [tilespmem:s24+$0xA000];
	_ =	sdelay $0x4  }
0x3e: {  	v3 =	vadd.s32 v0, v3  }
0x3f: {  	vm0 =	vlt.u32 v3, $0x140  }
0x40: {  	v4 =	vsel vm0, $0x1, v2  }
0x41: {  	(xrf0) =	vadd.scan.msk.s32 $0xffff, v4;
	_ =	sdelay $0x5  }
0x42: {  	v4, _, _ =	vpop (xrf0)  }
0x43: {  	(v2sf) =	vpush v4, $0xF;
	_ =	sdelay $0x3  }
0x44: {  	s23 =	spop (v2sf)  }
0x45: {  	s19 =	sadd.s32 s19, s23  }
0x46: {  	v5 =	vmov s19  }
0x47: {  	v5 =	vadd.s32 $0xFFFFFFFF, v5  }
0x48: {  	v5 =	vbroadcast v5, $0x0;
	_ =	sdelay $0x1  }
0x49: {  	s21 =	sadd.s32 $0x1, s21;
	v4 =	vadd.s32 v4, v5  }
0x4a: {  	p0 =	sne.s32 s21, $0xA0  }
.Ltmp3:
0x4b: {  	_ = 	snop;
	(pc) =	sbr.rel @p0 .LBB2_2-.Ltmp3, $4  }
0x4c: {  	s22 =	sadd.s32 $0x10, s22  }
0x4d: {  	v63 =	vor.u32 s22, v1  }
0x4e: {  	[tilespmem:v4+s11+$0x0] =	vst.idx.msk vm0, v63;
	s31 =	spop (v2sf)  }
0x4f: {  	s20 =	sadd.s32 $0x7D0, s20;
	[tilespmem:v4+s12+$0x0] =	vst.idx.msk vm0, v3;
	s19 =	sadd.s32 s19, s31  }
0x50: {  	v3 =	vadd.s32 s19, v1;
	s20 =	sadd.s32 $0x10, s19  }
0x51: {  	s29 =	sadd.s32 $0x20, s19;
	v4 =	vadd.s32 s20, v1  }
0x52: {  	s30 =	sadd.s32 $0x30, s19;
	v5 =	vadd.s32 s29, v1  }
0x53: {  	s31 =	sadd.s32 $0x40, s19;
	v6 =	vadd.s32 s30, v1;
	s20 =	sadd.s32 $0x3F, s19  }
0x54: {  	v7 =	vadd.s32 s31, v1;
	p0 =	slt.s32 s20, $0x40  }
.Ltmp4:
0x55: {  	[tilespmem:v3+s11+$0x0] =	vst.idx.msk $0xffff, v2;
	(pc) =	sbr.rel @p0 .LBB2_15-.Ltmp4, $4  }
0x56: {  	[tilespmem:v4+s11+$0x0] =	vst.idx.msk $0xffff, v2  }
0x57: {  	[tilespmem:v5+s11+$0x0] =	vst.idx.msk $0xffff, v2  }
0x58: {  	[tilespmem:v6+s11+$0x0] =	vst.idx.msk $0xffff, v2  }
0x59: {  	[tilespmem:v7+s11+$0x0] =	vst.idx.msk $0xffff, v2  }
.Ltmp5:
0x5a: {  	(pc) =	sbr.rel .LBB2_7-.Ltmp5, $4  }
0x5b: {  	s21 =	sshra.s32 s20, $0x1F  }
0x5c: {  	s21 =	sshrl.u32 s21, $0x1A  }
0x5d: {  	s22 =	simm.s32 $0x0;
	s23 =	smov.u32 s19;
	s31 =	sadd.s32 s21, s20  }
0x5e: {  	s24 =	simm.s32 $0x0;
	s21 =	simm.s32 $0x0;
	s20 =	sshra.s32 s31, $0x6  }
.LBB2_9:
0x5f: {  	s30 =	simm.s32 $0x10E40;
	s26 =	simm.s32 $0x0  }
.LBB2_13:
0x60: {  	_ =	sdelay $0x2  }
0x61: {  	[tilespmem:s29+$0x70] =	vst @p0 v4  }
0x62: {  	v3 =	vld.idx.msk [tilespmem:v3+s12+$0x0], $0xffff;
	_ =	sdelay $0x4  }
0x63: {  	(v2sf) =	vpush v3, $0x0;
	_ =	sdelay $0xa  }
0x64: {  	v3 =	vmov s26;
	_ =	sdelay $0x1  }
0x65: {  	s0 =	sadd.s32 @p0 $0x80, s30  }
0x66: {  	s25 =	smov.u32 @p0 s0  }
0x67: {  	v4 =	vld [tilespmem:s25+$0xFFFFFFC0];
	s30 =	spop (v2sf)  }
0x68: {  	v3 =	vld.idx.msk [tilespmem:v3+s15+$0x0], $0xffff;
	s31 =	sshll.u32 s30, $0x9  }
0x69: {  	s0 =	sshra.s32 s31, $0x2  }
0x6a: {  	v5 =	vld [tilespmem:s0+$0x0];
	_ =	sdelay $0x2  }
0x6b: {  	v4 =	vmul.f32 v4, v3;
	_ =	sdelay $0x1  }
0x6c: {  	v4 =	vadd.f32 v4, v5;
	_ =	sdelay $0x1  }
0x6d: {  	[tilespmem:s0+$0x0] =	vst v4  }
0x6e: {  	v4 =	vld [tilespmem:s25+$0xFFFFFFD0];
	_ =	sdelay $0x1  }
0x6f: {  	v57 =	vld [tilespmem:s0+$0x10];
	_ =	sdelay $0x2  }
0x70: {  	v4 =	vmul.f32 v4, v3;
	_ =	sdelay $0x1  }
0x71: {  	v4 =	vadd.f32 v4, v57;
	_ =	sdelay $0x1  }
0x72: {  	[tilespmem:s0+$0x10] =	vst v4  }
0x73: {  	v4 =	vld [tilespmem:s25+$0xFFFFFFE0];
	_ =	sdelay $0x1  }
0x74: {  	v58 =	vld [tilespmem:s0+$0x20];
	_ =	sdelay $0x2  }
0x75: {  	v4 =	vmul.f32 v4, v3;
	_ =	sdelay $0x1  }
0x76: {  	v4 =	vadd.f32 v4, v58;
	_ =	sdelay $0x1  }
0x77: {  	[tilespmem:s0+$0x20] =	vst v4  }
0x78: {  	v4 =	vld [tilespmem:s25+$0xFFFFFFF0];
	_ =	sdelay $0x1  }
0x79: {  	v59 =	vld [tilespmem:s0+$0x30];
	_ =	sdelay $0x2  }
0x7a: {  	v4 =	vmul.f32 v4, v3;
	_ =	sdelay $0x1  }
0x7b: {  	v4 =	vadd.f32 v4, v59;
	_ =	sdelay $0x1  }
0x7c: {  	[tilespmem:s0+$0x30] =	vst v4  }
0x7d: {  	v4 =	vld [tilespmem:s25+$0x0];
	_ =	sdelay $0x1  }
0x7e: {  	v60 =	vld [tilespmem:s0+$0x40];
	_ =	sdelay $0x2  }
0x7f: {  	v4 =	vmul.f32 v4, v3;
	_ =	sdelay $0x1  }
0x80: {  	v4 =	vadd.f32 v4, v60;
	_ =	sdelay $0x1  }
0x81: {  	[tilespmem:s0+$0x40] =	vst v4  }
0x82: {  	v4 =	vld [tilespmem:s25+$0x10];
	_ =	sdelay $0x1  }
0x83: {  	v61 =	vld [tilespmem:s0+$0x50];
	_ =	sdelay $0x2  }
0x84: {  	v4 =	vmul.f32 v4, v3;
	_ =	sdelay $0x1  }
0x85: {  	v4 =	vadd.f32 v4, v61;
	_ =	sdelay $0x1  }
0x86: {  	[tilespmem:s0+$0x50] =	vst v4  }
0x87: {  	v4 =	vld [tilespmem:s25+$0x20];
	_ =	sdelay $0x1  }
0x88: {  	v62 =	vld [tilespmem:s0+$0x60];
	_ =	sdelay $0x2  }
0x89: {  	v4 =	vmul.f32 v4, v3;
	_ =	sdelay $0x1  }
0x8a: {  	v4 =	vadd.f32 v4, v62;
	_ =	sdelay $0x1  }
0x8b: {  	[tilespmem:s0+$0x60] =	vst v4  }
0x8c: {  	v4 =	vld [tilespmem:s25+$0x30];
	_ =	sdelay $0x1  }
0x8d: {  	v63 =	vld [tilespmem:s0+$0x70];
	_ =	sdelay $0x2  }
0x8e: {  	v3 =	vmul.f32 v4, v3;
	_ =	sdelay $0x1  }
0x8f: {  	v3 =	vadd.f32 v3, v63;
	_ =	sdelay $0x1  }
0x90: {  	[tilespmem:s0+$0x70] =	vst v3  }
.LBB2_14:
0x91: {  	s24 =	sadd.s32 $0x1, s24  }
0x92: {  	p0 =	sne.s32 s24, s20  }
.Ltmp6:
0x93: {  	_ = 	snop;
	(pc) =	sbr.rel @!p0 .LBB2_15-.Ltmp6, $2  }
0x94: {  	_ =	sdelay $0x2  }
0x95: {  	s23 =	sadd.s32 $0xFFFFFFC0, s23;
	s22 =	sadd.s32 $0x40, s22  }
.LBB2_7:
0x96: {  	s25 =	sshll.u32 s24, $0x6  }
0x97: {  	s26 =	sadd.s32 $0xA800, s25  }
0x98: {  	[tilespmem:s14], [sflag:$0x1] =	stream.indirect.gather [hbm4b:s5+s13], $0x80, s26, s13, $0xb8;
	[tilespmem:$0x12E80] =	vst v63  }
0x99: {  	s25 =	ssub.s32 s19, s25  }
0x9a: {  	[tilespmem:s15], [sflag:$0x2] =	stream.indirect.gather [hbm4b:s2+s13], $0x1, s26, s13, $0xb8;
	[tilespmem:$0x12E80] =	vst v63  }
0x9b: {  	p0 =	slt.s32 s25, $0x1;
	_ =	swait.ge [sflag:s16], $0x2000  }
.Ltmp7:
0x9c: {  	[sflag:s16] =	ssyncset.done $0x0;
	(pc) =	sbr.rel @p0 .LBB2_14-.Ltmp7, $4  }
0x9d: {  	[sflag:s16] =	ssyncadd.s32 $0xFFFFE000  }
0x9e: {  	_ =	swait.ge [sflag:s17], $0x40  }
0x9f: {  	[sflag:s17] =	ssyncset.done $0x0  }
0xa0: {  	[sflag:s17] =	ssyncadd.s32 $0xFFFFFFC0  }
0xa1: {  	p0 =	sgt.s32 s23, $0x1;
	s25 =	smov.u32 s23  }
0xa2: {  	s25 =	simm.s32 @!p0 $0x1  }
0xa3: {  	s28 =	smin.u32 s25, $0x40  }
0xa4: {  	p1 =	sne.s32 s28, $0x1  }
.Ltmp8:
0xa5: {  	_ = 	snop;
	(pc) =	sbr.rel @!p1 .LBB2_9-.Ltmp8, $3  }
0xa6: {  	_ =	sdelay $0x1  }
0xa7: {  	s29 =	sadd.s32 $0x0, s22  }
0xa8: {  	s26 =	simm.s32 $0x1;
	v3 =	vmov s29;
	p0 =	por $0x0, $0x0;
	s25 =	simm.s32 $0x10E40  }
0xa9: {  	_ =	sdelay $0x3  }
0xaa: {  	v3 =	vld.idx.msk [tilespmem:v3+s12+$0x0], $0xffff;
	_ =	sdelay $0x4  }
0xab: {  	(v2sf) =	vpush v3, $0x0;
	_ =	sdelay $0xa  }
0xac: {  	v3 =	vmov s21;
	_ =	sdelay $0x3  }
0xad: {  	v4 =	vld [tilespmem:s25+$0xFFFFFFC0];
	s29 =	spop (v2sf)  }
0xae: {  	v3 =	vld.idx.msk [tilespmem:v3+s15+$0x0], $0xffff;
	s29 =	sshll.u32 s29, $0x9  }
0xaf: {  	s29 =	sshra.s32 s29, $0x2  }
0xb0: {  	v5 =	vld [tilespmem:s29+$0x0];
	_ =	sdelay $0x2  }
0xb1: {  	v4 =	vmul.f32 v4, v3;
	_ =	sdelay $0x1  }
0xb2: {  	v4 =	vadd.f32 v4, v5;
	_ =	sdelay $0x1  }
0xb3: {  	[tilespmem:s29+$0x0] =	vst v4  }
0xb4: {  	v4 =	vld [tilespmem:s25+$0xFFFFFFD0];
	_ =	sdelay $0x1  }
0xb5: {  	v5 =	vld [tilespmem:s29+$0x10];
	_ =	sdelay $0x2  }
0xb6: {  	v4 =	vmul.f32 v4, v3;
	_ =	sdelay $0x1  }
0xb7: {  	v4 =	vadd.f32 v4, v5;
	_ =	sdelay $0x1  }
0xb8: {  	[tilespmem:s29+$0x10] =	vst v4  }
0xb9: {  	v4 =	vld [tilespmem:s25+$0xFFFFFFE0];
	_ =	sdelay $0x1  }
0xba: {  	v5 =	vld [tilespmem:s29+$0x20];
	_ =	sdelay $0x2  }
0xbb: {  	v4 =	vmul.f32 v4, v3;
	_ =	sdelay $0x1  }
0xbc: {  	v4 =	vadd.f32 v4, v5;
	_ =	sdelay $0x1  }
0xbd: {  	[tilespmem:s29+$0x20] =	vst v4  }
0xbe: {  	v4 =	vld [tilespmem:s25+$0xFFFFFFF0];
	_ =	sdelay $0x1  }
0xbf: {  	v5 =	vld [tilespmem:s29+$0x30];
	_ =	sdelay $0x2  }
0xc0: {  	v4 =	vmul.f32 v4, v3;
	_ =	sdelay $0x1  }
0xc1: {  	v4 =	vadd.f32 v4, v5;
	_ =	sdelay $0x1  }
0xc2: {  	[tilespmem:s29+$0x30] =	vst v4  }
0xc3: {  	v4 =	vld [tilespmem:s25+$0x0];
	_ =	sdelay $0x1  }
0xc4: {  	v5 =	vld [tilespmem:s29+$0x40];
	_ =	sdelay $0x2  }
0xc5: {  	v4 =	vmul.f32 v4, v3;
	_ =	sdelay $0x1  }
0xc6: {  	v4 =	vadd.f32 v4, v5;
	_ =	sdelay $0x1  }
0xc7: {  	[tilespmem:s29+$0x40] =	vst v4  }
0xc8: {  	v4 =	vld [tilespmem:s25+$0x10];
	_ =	sdelay $0x1  }
0xc9: {  	v5 =	vld [tilespmem:s29+$0x50];
	_ =	sdelay $0x2  }
0xca: {  	v4 =	vmul.f32 v4, v3;
	_ =	sdelay $0x1  }
0xcb: {  	v4 =	vadd.f32 v4, v5;
	_ =	sdelay $0x1  }
0xcc: {  	[tilespmem:s29+$0x50] =	vst v4  }
0xcd: {  	v4 =	vld [tilespmem:s25+$0x20];
	_ =	sdelay $0x1  }
0xce: {  	v5 =	vld [tilespmem:s29+$0x60];
	_ =	sdelay $0x2  }
0xcf: {  	v4 =	vmul.f32 v4, v3;
	_ =	sdelay $0x1  }
0xd0: {  	v4 =	vadd.f32 v4, v5;
	_ =	sdelay $0x1  }
0xd1: {  	[tilespmem:s29+$0x60] =	vst v4  }
0xd2: {  	v4 =	vld [tilespmem:s25+$0x30];
	_ =	sdelay $0x1  }
0xd3: {  	v5 =	vld [tilespmem:s29+$0x70]  }
0xd4: {  	p1 =	sne.s32 s28, $0x2  }
.Ltmp9:
0xd5: {  	s30 =	sadd.s32 $0x1, s22;
	(pc) =	sbr.rel @!p1 .LBB2_11-.Ltmp9, $3  }
0xd6: {  	v4 =	vmul.f32 v4, v3;
	v3 =	vmov s30;
	_ =	sdelay $0x1  }
0xd7: {  	v4 =	vadd.f32 v4, v5  }
0xd8: {  	s31 =	simm.s32 $0x2;
	p0 =	por $0x1, $0x1;
	s30 =	simm.s32 $0x10E40  }
.LBB2_12:
0xd9: {  	[tilespmem:s29+$0x70] =	vst v4;
	s30 =	sadd.s32 $0x80, s30;
	s29 =	smov.u32 s31;
	s31 =	sadd.s32 $0x1, s31  }
0xda: {  	p1 =	sne.s32 s28, s31;
	v3 =	vld.idx.msk [tilespmem:v3+s12+$0x0], $0xffff;
	_ =	sdelay $0x5  }
0xdb: {  	(v2sf) =	vpush v3, $0x0;
	_ =	sdelay $0x9  }
0xdc: {  	v3 =	vmov s26;
	s26 =	smov.u32 s29;
	_ =	sdelay $0x4  }
0xdd: {  	v4 =	vld.idx.msk [tilespmem:v3+s15+$0x0], $0xffff;
	s29 =	spop (v2sf)  }
0xde: {  	v3 =	vld [tilespmem:s30+$0xFFFFFFC0];
	s29 =	sshll.u32 s29, $0x9  }
0xdf: {  	s29 =	sshra.s32 s29, $0x2  }
0xe0: {  	v5 =	vld [tilespmem:s29+$0x0];
	_ =	sdelay $0x2  }
0xe1: {  	v3 =	vmul.f32 v3, v4;
	_ =	sdelay $0x1  }
0xe2: {  	v3 =	vadd.f32 v3, v5;
	_ =	sdelay $0x1  }
0xe3: {  	[tilespmem:s29+$0x0] =	vst v3  }
0xe4: {  	v3 =	vld [tilespmem:s30+$0xFFFFFFD0];
	_ =	sdelay $0x1  }
0xe5: {  	v5 =	vld [tilespmem:s29+$0x10];
	_ =	sdelay $0x2  }
0xe6: {  	v3 =	vmul.f32 v3, v4;
	_ =	sdelay $0x1  }
0xe7: {  	v3 =	vadd.f32 v3, v5;
	_ =	sdelay $0x1  }
0xe8: {  	[tilespmem:s29+$0x10] =	vst v3  }
0xe9: {  	v3 =	vld [tilespmem:s30+$0xFFFFFFE0];
	_ =	sdelay $0x1  }
0xea: {  	v5 =	vld [tilespmem:s29+$0x20];
	_ =	sdelay $0x2  }
0xeb: {  	v3 =	vmul.f32 v3, v4;
	_ =	sdelay $0x1  }
0xec: {  	v3 =	vadd.f32 v3, v5;
	_ =	sdelay $0x1  }
0xed: {  	[tilespmem:s29+$0x20] =	vst v3  }
0xee: {  	v3 =	vld [tilespmem:s30+$0xFFFFFFF0];
	_ =	sdelay $0x1  }
0xef: {  	v5 =	vld [tilespmem:s29+$0x30];
	_ =	sdelay $0x2  }
0xf0: {  	v3 =	vmul.f32 v3, v4;
	_ =	sdelay $0x1  }
0xf1: {  	v3 =	vadd.f32 v3, v5;
	_ =	sdelay $0x1  }
0xf2: {  	[tilespmem:s29+$0x30] =	vst v3  }
0xf3: {  	v3 =	vld [tilespmem:s30+$0x0];
	_ =	sdelay $0x1  }
0xf4: {  	v5 =	vld [tilespmem:s29+$0x40];
	_ =	sdelay $0x2  }
0xf5: {  	v3 =	vmul.f32 v3, v4;
	_ =	sdelay $0x1  }
0xf6: {  	v3 =	vadd.f32 v3, v5;
	_ =	sdelay $0x1  }
0xf7: {  	[tilespmem:s29+$0x40] =	vst v3  }
0xf8: {  	v3 =	vld [tilespmem:s30+$0x10];
	_ =	sdelay $0x1  }
0xf9: {  	v5 =	vld [tilespmem:s29+$0x50];
	_ =	sdelay $0x2  }
0xfa: {  	v3 =	vmul.f32 v3, v4;
	_ =	sdelay $0x1  }
0xfb: {  	v3 =	vadd.f32 v3, v5;
	_ =	sdelay $0x1  }
0xfc: {  	[tilespmem:s29+$0x50] =	vst v3  }
0xfd: {  	v3 =	vld [tilespmem:s30+$0x20];
	_ =	sdelay $0x1  }
0xfe: {  	v5 =	vld [tilespmem:s29+$0x60];
	_ =	sdelay $0x2  }
0xff: {  	v3 =	vmul.f32 v3, v4;
	_ =	sdelay $0x1  }
0x100: {  	v3 =	vadd.f32 v3, v5;
	_ =	sdelay $0x1  }
0x101: {  	[tilespmem:s29+$0x60] =	vst v3  }
0x102: {  	v5 =	vld [tilespmem:s30+$0x30];
	_ =	sdelay $0x1  }
0x103: {  	v6 =	vld [tilespmem:s29+$0x70]  }
.Ltmp10:
0x104: {  	(pc) =	sbr.rel @p1 .LBB2_12-.Ltmp10, $3  }
0x105: {  	s0 =	sadd.s32 s26, s22  }
0x106: {  	v3 =	vmov s0;
	v4 =	vmul.f32 v5, v4;
	_ =	sdelay $0x1  }
0x107: {  	v4 =	vadd.f32 v4, v6  }
.Ltmp11:
0x108: {  	_ = 	snop;
	(pc) =	sbr.rel .LBB2_13-.Ltmp11, $1  }
0x109: {  	_ =	sdelay $0x3  }
.LBB2_11:
.Ltmp12:
0x10a: {  	(pc) =	sbr.rel .LBB2_13-.Ltmp12, $2  }
0x10b: {  	_ =	sdelay $0x2  }
0x10c: {  	s30 =	simm.s32 $0x10E40  }
.LBB2_16:
0x10d: {  	_ =	sfence.sel $0x180000  }
0x10e: {  	[bflag:$0x0] =	sbarrier.arrive $0xFFFF  }
0x10f: {  	_ =	strace $0x90000056  }
0x110: {  	[bflag:$0x2] =	sbarrier.arrive $0xFFFF  }
0x111: {  	p0 =	sne.s32 s1, $0x0;
	s0 =	rddreg [dreg:$0x2]  }
0x112: {  	s0 =	sadd.s32 @!p0 $0x100000, s0  }
0x113: {  	[sflag:s0] =	ssyncadd.tile.s32 @!p0 $0x1;
	_ =	shalt  }
.Lfunc_end2:
_tile_overlayer_lowered:
.L_overlay_start_2:
0x114: {  	(tag) =	ssettag $0x2  }
0x115: {  	s0 =	rddreg [dreg:$0x0];
	s2 =	stileid.u32  }
0x116: {  	s1 =	rddreg [dreg:$0x1];
	p0 =	sne.s32 s2, $0x0  }
0x117: {  	s3 =	rddreg [dreg:$0x2];
	[bflag:$0x3] =	sbarrier.arrive $0xFFFF;
	s2 =	simm.s32 @!p0 $0x1C03  }
0x118: {  	[timem:s3], [sflag:s2] =	dma.local @!p0 [hbm:s0], s1  }
0x119: {  	s0 =	simm.s32 @!p0 $0x3  }
0x11a: {  	_ =	swait.ge @!p0 [sflag:s0], s1  }
0x11b: {  	s1 =	ssub.s32 @!p0 $0x0, s1;
	[sflag:s0] =	ssyncset.done @!p0 $0x0  }
0x11c: {  	[sflag:s0] =	ssyncadd.s32 @!p0 s1  }
0x11d: {  	[bflag:$0x3] =	sbarrier.arrive $0xFFFF  }
0x11e: {  	_ =	shalt  }

// kernel: scatter_offload_async_start
scs
__scs_entry_jumppad:
0x0: {  	(pc) =	sbr.rel $0x88, $3  }
0x1: {  	(tag) =	ssettag $0x0;
	lr =	simm.s32 $0x1  }
0x2: {  	[smem:$0x3F94] =	sst lr;
	_ =	strace $0xD0000000  }
0x3: {  	_ = 	snop  }
0x4: {  	_ = 	snop  }
0x5: {  	_ = 	snop  }
0x6: {  	_ = 	snop  }
0x7: {  	_ = 	snop  }
__scs_overlays_trampoline_lowered:
0x8: {  	[smem:$0x3FA3] =	sst s0  }
0x9: {  	[smem:$0x3FA4] =	sst s1  }
0xa: {  	[smem:$0x3FA5] =	sst s2  }
0xb: {  	[smem:$0x3FA6] =	sst s3  }
0xc: {  	[smem:$0x3FA7] =	sst s4  }
0xd: {  	[smem:$0x3FA8] =	sst s5  }
0xe: {  	[smem:$0x3FA9] =	sst s6  }
0xf: {  	[smem:$0x3FAA] =	sst s7  }
0x10: {  	[smem:$0x3FAB] =	sst s8  }
0x11: {  	[smem:$0x3FAC] =	sst s9;
	s0 =	simm.s32 @!p0 $0x0  }
0x12: {  	s1 =	sld [smem:$0x3F92];
	s0 =	simm.s32 @p0 $0x1  }
0x13: {  	[smem:$0x3FAD] =	sst s0;
	s0 =	simm.s32 @!p1 $0x0  }
0x14: {  	s2 =	sld [smem:$0x3F91];
	s0 =	simm.s32 @p1 $0x1  }
0x15: {  	[smem:$0x3FAE] =	sst s0;
	s0 =	simm.s32 @!p2 $0x0  }
0x16: {  	s3 =	sld [smem:$0x3FDB];
	s0 =	simm.s32 @p2 $0x1  }
0x17: {  	s4 =	simm.s32 $0x1BF5;
	[smem:$0x3FB0] =	sst s0  }
0x18: {  	s0 =	sld [smem:$0x3F93];
	_ =	swait.ge [sflag:s4], $0x0  }
0x19: {  	s7 =	sld [smem:$0x3F94]  }
0x1a: {  	s8 =	sadd.s32 $0xFFFFE003, lr  }
0x1b: {  	s9 =	sadd.s32 $0xFFFFFEF7, lr;
	s5 =	simm.s32 $0xFFFFFFFF;
	p2 =	slt.u32 s8, $0xFFFFF086  }
0x1c: {  	p1 =	slt.u32 s9, $0xF7A;
	s5 =	simm.s32 @!p2 $0x0  }
0x1d: {  	s5 =	simm.s32 @p1 $0x1;
	p0 =	seq.s32 s7, s2  }
0x1e: {  	s7 =	smul.u32 @!p0 $0xF7A, s2;
	p2 =	seq.s32 @!p0 s5, $0x0  }
0x1f: {  	s9 =	smul.u32 $0xF7A, s1;
	s8 =	simm.s32 @!p0 $0x1BF5;
	p2 =	por !p2, p0  }
0x20: {  	[sflag:s8] =	ssyncset.s32 @!p0 $0xFFFFF086;
	s6 =	sadd.s32 @!p0 s3, s7;
	s7 =	simm.s32 @!p0 $0x108  }
0x21: {  	s3 =	sadd.s32 s3, s9;
	s6 =	sadd.s32 @!p0 $0x88, s6;
	s7 =	simm.s32 @p2 $0x1082  }
0x22: {  	[simem:s7], [sflag:s8] =	dma.local @!p0 [hbm:s6], $0xF7A  }
0x23: {  	s9 =	sor.u32 $0xD0000000, s2;
	s6 =	simm.s32 $0x108;
	_ =	swait.ge @!p0 [sflag:s8], $0x0  }
0x24: {  	s3 =	sadd.s32 $0x88, s3;
	s6 =	simm.s32 @!p1 $0x1082;
	[sflag:s4] =	ssyncset.s32 $0xFFFFF086  }
0x25: {  	[simem:s6], [sflag:s4] =	dma.local [hbm:s3], $0xF7A  }
0x26: {  	[smem:$0x3F94] =	sst s1;
	(tag) =	ssettag s2;
	_ =	strace s9  }
0x27: {  	s1 =	sld [smem:$0x3FA4]  }
0x28: {  	s2 =	sld [smem:$0x3FA5]  }
0x29: {  	s4 =	sld [smem:$0x3FA7]  }
0x2a: {  	p0 =	seq.s32 s5, $0x0;
	s5 =	sld [smem:$0x3FA8]  }
0x2b: {  	s6 =	sld [smem:$0x3FA9]  }
0x2c: {  	s7 =	sld [smem:$0x3FAA]  }
0x2d: {  	s3 =	simm.s32 $0x108;
	s8 =	sld [smem:$0x3FAB]  }
0x2e: {  	s3 =	simm.s32 @!p0 $0x1082;
	s9 =	sld [smem:$0x3FAC]  }
0x2f: {  	lr =	sadd.s32 s0, s3;
	s0 =	sld [smem:$0x3FA3]  }
0x30: {  	s3 =	sld [smem:$0x3FA6]  }
0x31: {  	[smem:$0x3FAF] =	sst s10  }
0x32: {  	s10 =	sld [smem:$0x3FAD];
	_ =	sdelay $0x3  }
0x33: {  	p0 =	seq.s32 s10, $0x1;
	s10 =	sld [smem:$0x3FAF];
	_ =	sdelay $0x3  }
0x34: {  	[smem:$0x3FAF] =	sst s10  }
0x35: {  	s10 =	sld [smem:$0x3FAE];
	_ =	sdelay $0x3  }
0x36: {  	p1 =	seq.s32 s10, $0x1;
	s10 =	sld [smem:$0x3FAF];
	_ =	sdelay $0x3  }
0x37: {  	[smem:$0x3FAF] =	sst s10  }
0x38: {  	s10 =	sld [smem:$0x3FB0]  }
0x39: {  	_ = 	snop;
	(pc) =	sbr.ind lr, $3  }
0x3a: {  	_ = 	snop  }
0x3b: {  	_ = 	snop  }
0x3c: {  	p2 =	seq.s32 s10, $0x1;
	s10 =	sld [smem:$0x3FAF]  }
0x3d: {  	_ =	shalt  }
0x3e: {  	_ =	shalt  }
0x3f: {  	_ =	shalt  }
0x40: {  	_ =	shalt  }
0x41: {  	_ =	shalt  }
0x42: {  	_ =	shalt  }
0x43: {  	_ =	shalt  }
0x44: {  	_ =	shalt  }
0x45: {  	_ =	shalt  }
0x46: {  	_ =	shalt  }
0x47: {  	_ =	shalt  }
0x48: {  	_ =	shalt  }
0x49: {  	_ =	shalt  }
0x4a: {  	_ =	shalt  }
0x4b: {  	_ =	shalt  }
0x4c: {  	_ =	shalt  }
0x4d: {  	_ =	shalt  }
0x4e: {  	_ =	shalt  }
0x4f: {  	_ =	shalt  }
0x50: {  	_ =	shalt  }
0x51: {  	_ =	shalt  }
0x52: {  	_ =	shalt  }
0x53: {  	_ =	shalt  }
0x54: {  	_ =	shalt  }
0x55: {  	_ =	shalt  }
0x56: {  	_ =	shalt  }
0x57: {  	_ =	shalt  }
0x58: {  	_ =	shalt  }
0x59: {  	_ =	shalt  }
0x5a: {  	_ =	shalt  }
0x5b: {  	_ =	shalt  }
0x5c: {  	_ =	shalt  }
0x5d: {  	_ =	shalt  }
0x5e: {  	_ =	shalt  }
0x5f: {  	_ =	shalt  }
0x60: {  	_ =	shalt  }
0x61: {  	_ =	shalt  }
0x62: {  	_ =	shalt  }
0x63: {  	_ =	shalt  }
0x64: {  	_ =	shalt  }
0x65: {  	_ =	shalt  }
0x66: {  	_ =	shalt  }
0x67: {  	_ =	shalt  }
0x68: {  	_ =	shalt  }
0x69: {  	_ =	shalt  }
0x6a: {  	_ =	shalt  }
0x6b: {  	_ =	shalt  }
0x6c: {  	_ =	shalt  }
0x6d: {  	_ =	shalt  }
0x6e: {  	_ =	shalt  }
0x6f: {  	_ =	shalt  }
0x70: {  	_ =	shalt  }
0x71: {  	_ =	shalt  }
0x72: {  	_ =	shalt  }
0x73: {  	_ =	shalt  }
0x74: {  	_ =	shalt  }
0x75: {  	_ =	shalt  }
0x76: {  	_ =	shalt  }
0x77: {  	_ =	shalt  }
0x78: {  	_ =	shalt  }
0x79: {  	_ =	shalt  }
0x7a: {  	_ =	shalt  }
0x7b: {  	_ =	shalt  }
0x7c: {  	_ =	shalt  }
0x7d: {  	_ =	shalt  }
0x7e: {  	_ =	shalt  }
0x7f: {  	_ =	shalt  }
0x80: {  	_ =	shalt  }
0x81: {  	_ =	shalt  }
0x82: {  	_ =	shalt  }
0x83: {  	_ =	shalt  }
0x84: {  	_ =	shalt  }
0x85: {  	_ =	shalt  }
0x86: {  	_ =	shalt  }
0x87: {  	_ =	shalt  }
.Lfunc_end0:
.L_simem_size_0:
called_computation_lowered:
.L_overlay_start_0:
0x88: {  	s0 =	sld [smem:$0x3FD9]  }
0x89: {  	s1 =	sld [smem:$0x3FFE];
	_ =	sdelay $0x3  }
0x8a: {  	s0 =	sadd.s32 s1, s0  }
0x8b: {  	[smem:$0x3FBB] =	sst s0  }
0x8c: {  	_ = 	snop  }
0x8d: {  	(tm) =	ssettm $0x1  }
0x8e: {  	s15 =	sld [smem:$0x3FFB];
	_ =	sdelay $0x3  }
0x8f: {  	_ =	strace s15  }
0x90: {  	s0 =	sld [smem:$0x3FFC];
	_ =	sdelay $0x3  }
0x91: {  	_ =	strace s0  }
0x92: {  	s0 =	sld [smem:$0x3FFD];
	_ =	sdelay $0x3  }
0x93: {  	_ =	strace s0  }
0x94: {  	_ =	strace $0x8FFFFFFF  }
0x95: {  	s16 =	sld [smem:$0x3FDB];
	_ =	sdelay $0x1  }
0x96: {  	s17 =	simm.s32 $_scs_section_size  }
0x97: {  	s2 =	simm.s32 $_size__tile_overlayer_lowered;
	s3 =	simm.s32 $_tile_overlayer_lowered  }
0x98: {  	s20 =	simm.s32 $0x1BFF;
	s19 =	sshll.u32 s3, $0x1;
	s0 =	sadd.s32 s17, s16  }
0x99: {  	s4 =	simm.s32 $0x0;
	s18 =	sshll.u32 s2, $0x1;
	s2 =	sadd.s32 s19, s0  }
0x9a: {  	[timem:s4], [sflag:s20] =	dma.local [hbm:s2], s18  }
0x9b: {  	_ =	swait.ge [sflag:s20], s18  }
0x9c: {  	s1 =	ssub.s32 $0x0, s18;
	[sflag:s20] =	ssyncset.done $0x0  }
0x9d: {  	[sflag:s20] =	ssyncadd.s32 s1;
	_ =	sdelay $0x1  }
0x9e: {  	s21 =	simm.s32 $0x1B8B  }
0x9f: {  	_ =	swait.ge [sflag:s21], $0x1  }
0xa0: {  	[sflag:s21] =	ssyncset.done $0x0  }
0xa1: {  	s23 =	simm.s32 $0x1B8E;
	s22 =	sld [smem:$0x3FFE];
	[sflag:s21] =	ssyncadd.s32 $0xFFFFFFFF  }
0xa2: {  	s24 =	simm.s32 $execute0_lowered;
	[smem:$0x3FD2] =	sst s23  }
0xa3: {  	s2 =	sshll.u32 s24, $0x1;
	_ =	strace $0x8000004F;
	[dreg:$0x1] =	wrdreg $0xFFFFFFFF  }
0xa4: {  	s25 =	simm.s32 $_size_execute0_lowered;
	s0 =	sadd.s32 s0, s2;
	[dreg:$0x0] =	wrdreg $0x0  }
0xa5: {  	s2 =	sshll.u32 s25, $0x1;
	[dreg:$0x2] =	wrdreg s0  }
0xa6: {  	[dreg:$0x3] =	wrdreg s2  }
0xa7: {  	[dreg:$0x4] =	wrdreg $0xC0  }
0xa8: {  	_ =	task [dreg:s4], $0x5FFFF  }
0xa9: {  	[dreg:$0x1] =	wrdreg $0xFFFFFFFF  }
0xaa: {  	[dreg:$0x0] =	wrdreg $0x60  }
0xab: {  	[dreg:$0x2] =	wrdreg s22  }
0xac: {  	[dreg:$0x3] =	wrdreg $0x9  }
0xad: {  	_ =	task.clear_ibuf [dreg:s4], $0x4FFFF;
	_ =	strace $0x9000004F  }
0xae: {  	s26 =	simm.s32 $0x9;
	_ =	strace $0x80000051  }
0xaf: {  	_ =	swait.ge [sflag:s26], $0x1  }
0xb0: {  	[sflag:s26] =	ssyncadd.s32 $0xFFFFFFFF  }
0xb1: {  	_ =	strace $0x90000051  }
0xb2: {  	_ =	sfence  }
0xb3: {  	s28 =	sld [smem:$0x0];
	_ =	sdelay $0x1  }
0xb4: {  	s29 =	srdreg.scid  }
0xb5: {  	s30 =	sshll.u32 s29, $0xD;
	s31 =	sshrl.u32 s29, $0x2  }
0xb6: {  	s1 =	sand.u32 $0x1, s29;
	s2 =	sand.u32 $0x4000, s30;
	s0 =	sadd.s32 s31, s28  }
0xb7: {  	s1 =	sor.u32 s2, s1;
	s0 =	sshll.u32 s0, $0x11  }
0xb8: {  	s0 =	sor.u32 s0, s1  }
0xb9: {  	s0 =	sadd.s32 $0x8F2B, s0  }
0xba: {  	[sflag:s0] =	ssyncadd.remote.s32 $0x1  }
0xbb: {  	_ =	sfence.sel $0xFFFF  }
0xbc: {  	[dreg:$0x0] =	wrdreg $0xFFFFFFFF;
	(pc) =	sbr.abs _section_cstart, $3  }
0xbd: {  	[dreg:$0x1] =	wrdreg $0xFFFFFFFF  }
0xbe: {  	_ =	task.clear_ibuf [dreg:s4], $0x2FFFF;
	_ =	strace $0x9FFFFFFF  }
0xbf: {  	(tm) =	ssettm $0x7FFFFFFF  }
tec
execute0_lowered:
.L_overlay_start_1:
0x0: {  	(tag) =	ssettag $0x1  }
0x1: {  	s0 =	rddreg [dreg:$0x0];
	_ =	strace $0x80000050;
	s15 =	stileid.u32  }
0x2: {  	s2 =	simm.s32 $0x1;
	s1 =	smin.u32 s15, $0x8;
	s3 =	sshll.u32 s15, $0x1  }
0x3: {  	v1 =	vimm.s32 $0xFFFFFFFF;
	[sflag:s2] =	ssyncpa.u1 $0x0;
	s1 =	sadd.s32 s1, s3  }
0x4: {  	p0 =	slt.u32 s15, $0x8;
	[tilespmem:$0x10] =	vst v1;
	s4 =	smul.u32 $0x1F40, s1;
	s1 =	simm.s32 $0x5DC0  }
0x5: {  	v0 =	vimm.f32 $0.0e+00;
	[tilespmem:$0x20] =	vst v1;
	s1 =	simm.s32 @!p0 $0x3E80  }
0x6: {  	[tilespmem:$0x30] =	vst v0;
	s1 =	sadd.s32 s1, s4  }
0x7: {  	[tilespmem:$0x40] =	vst v0;
	s5 =	smin.u32 s1, $0x4E200  }
0x8: {  	s7 =	simm.s32 $0x2;
	s8 =	simm.s32 $0x8;
	[tilespmem:$0x50] =	vst v0;
	s9 =	ssub.s32 s5, s4  }
0x9: {  	s31 =	simm.s32 $0x9;
	s16 =	simm.s32 $0x0;
	[tilespmem:$0x60] =	vst v1;
	p0 =	sgt.s32 s9, $0x0  }
0xa: {  	s17 =	simm.s32 $0xF0;
	s18 =	simm.s32 $0xFFFFFFFF;
	[tilespmem:$0x70] =	vst v1;
	s9 =	simm.s32 @!p0 $0x0  }
0xb: {  	s19 =	simm.s32 $0xFFFFC280;
	s20 =	simm.s32 $0xFFFFFFFE;
	[tilespmem:$0x80] =	vst v1;
	s30 =	smulhi.u32 $0x10624DD3, s9  }
0xc: {  	s21 =	simm.s32 $0xF;
	s25 =	simm.s32 $0x0;
	s24 =	simm.s32 $0x0;
	v1 =	vimm.s32 $0x0;
	[tilespmem:$0xB0] =	vst v0  }
0xd: {  	s6 =	sadd.s32 $0xBE00, s0;
	s15 =	sshllo.u32 s15, $0x1;
	[tilespmem:$0x90] =	vst v1;
	s10 =	sshrl.u32 s30, $0x9  }
0xe: {  	[tilespmem:$0xA0] =	vst v1;
	[sflag:s7] =	ssyncpa.u1 $0x0;
	s7 =	simm.s32 $0x7;
	s11 =	smul.u32 $0x1F40, s10  }
.Ltmp0:
0xf: {  	s13 =	sor.u32 $0x80, s3;
	[sflag:s7] =	ssyncpa.u1 $0x0;
	(pc) =	sbr.rel .LBB2_1-.Ltmp0, $4  }
0x10: {  	s14 =	sor.u32 $0x81, s3;
	[sflag:s8] =	ssyncpa.u1 $0x0;
	p0 =	sne.s32 s9, s11  }
0x11: {  	s23 =	smov.u32 s4;
	s1 =	sadd.s32 $0x15C00, s0;
	s2 =	simm.s32 @!p0 $0x0  }
0x12: {  	vm0 =	vmmov $0xffff;
	v2 =	vlaneseq.u32;
	[sflag:s31] =	ssyncpa.u1 $0x0;
	s9 =	sadd.s32 $0x43000, s0;
	s10 =	sadd.s32 s2, s10  }
0x13: {  	vm1 =	vmxor vm1, vm1;
	vm2 =	vmmov $0x1;
	vm3 =	vcmask $0x3F3C;
	p0 =	por $0x0, $0x0;
	s11 =	sadd.s32 $0x1, s10;
	s12 =	sadd.s32 $0x2, s10  }
.LBB2_9:
0x14: {  	p1 =	slt.u32 s24, $0x3  }
0x15: {  	s0 =	simm.s32 @!p1 $0x2  }
0x16: {  	_ =	swait.ge @!p1 [sflag:s0], $0x1F40  }
0x17: {  	[sflag:s0] =	ssyncset.done @!p1 $0x0  }
0x18: {  	[sflag:s0] =	ssyncadd.s32 @!p1 $0xFFFFE0C0;
	s0 =	simm.s32 @!p1 $0x9  }
0x19: {  	_ =	swait.ge @!p1 [sflag:s0], $0x10  }
0x1a: {  	[sflag:s0] =	ssyncset.done @!p1 $0x0  }
0x1b: {  	[sflag:s0] =	ssyncadd.s32 @!p1 $0xFFFFFFF0;
	p1 =	sne.s32 s24, s12  }
.Ltmp1:
0x1c: {  	s2 =	sadd.s32 $0x1F40, s23;
	(pc) =	sbr.rel @!p1 .LBB2_10-.Ltmp1, $4  }
0x1d: {  	s22 =	smov.u32 s4;
	s31 =	sadd.s32 $0x1, s24;
	s17 =	sadd.s32 $0x1F40, s17  }
0x1e: {  	s18 =	sadd.s32 $0x1, s18;
	s25 =	smov.u32 s23;
	p2 =	slt.s32 s2, s5  }
0x1f: {  	p0 =	por !p0, !p0;
	s19 =	sadd.s32 $0x1F40, s19;
	s22 =	smov.u32 @p2 s2  }
0x20: {  	s20 =	sadd.s32 $0x1, s20;
	s23 =	smov.u32 s22;
	s24 =	smov.u32 s31  }
.LBB2_1:
0x21: {  	p1 =	sge.u32 s24, s10  }
0x22: {  	s0 =	smulhi.u32 @!p1 $0xAAAAAAAB, s24;
	_ =	sdelay $0x1  }
0x23: {  	s0 =	sshrl.u32 @!p1 s0, $0x1  }
0x24: {  	s0 =	smul.u32 @!p1 $0x3, s0;
	_ =	sdelay $0x1  }
0x25: {  	s0 =	ssub.s32 @!p1 s24, s0  }
0x26: {  	s0 =	smul.u32 @!p1 $0x7D00, s0;
	_ =	sdelay $0x1  }
0x27: {  	s2 =	sshrl.u32 @!p1 s23, $0x3;
	s0 =	sshrl.u32 @!p1 s0, $0x2  }
0x28: {  	s22 =	sand.u32 @!p1 $0x7, s23;
	s2 =	sadd.s32 @!p1 s6, s2;
	s0 =	sadd.s32 @!p1 $0x100, s0  }
0x29: {  	[tilespmem:s0], [sflag:$0x7] =	stream.linear.gather @!p1 [hbm4b:s2+s22], $0x1F40, $0x38;
	[tilespmem:$0x11A60] =	vst v63  }
0x2a: {  	s0 =	sadd.s32 $0xFFFFFFFF, s24  }
0x2b: {  	p1 =	sge.u32 s0, s10  }
.Ltmp2:
0x2c: {  	_ = 	snop;
	(pc) =	sbr.rel @p1 .LBB2_5-.Ltmp2, $1  }
0x2d: {  	_ =	sdelay $0x3  }
0x2e: {  	s2 =	smulhi.u32 $0xAAAAAAAB, s0;
	_ =	sdelay $0x1  }
0x2f: {  	s2 =	sshrl.u32 s2, $0x1  }
0x30: {  	s2 =	smul.u32 $0x3, s2;
	_ =	sdelay $0x1  }
0x31: {  	s2 =	ssub.s32 s0, s2  }
0x32: {  	s2 =	smul.u32 $0x7D00, s2  }
0x33: {  	_ =	swait.ge [sflag:s7], $0x1F40  }
0x34: {  	[sflag:s7] =	ssyncset.done $0x0;
	s2 =	sshrl.u32 s2, $0x2  }
0x35: {  	[sflag:s7] =	ssyncadd.s32 $0xFFFFE0C0;
	(ifvalue) =	ssetifvalue $0xFFFFFFFF;
	v3 =	vld.msk [tilespmem:s2+$0x100 ss:$0x1], $0xffff;
	_ =	sdelay $0x2  }
0x36: {  	s30 =	smulhi.u32 $0xAAAAAAAB, s18;
	p1 =	sne.s32 s24, $0x1  }
0x37: {  	v4 =	vimm.s32 @!p1 $0x0  }
0x38: {  	s2 =	sshrl.u32 s30, $0x1;
	v4 =	vperm.xlane @!p1 v3, v4  }
0x39: {  	s22 =	sshll.u32 s24, $0x4;
	s2 =	smul.u32 $0xFFFE8900, s2;
	vm4 =	vlt.u32 v3, $0x2800  }
0x3a: {  	s22 =	sand.u32 $0x10, s22;
	v3 =	vnsel vm4, $0xFFFFFFFE, v3;
	vm4 =	vlt.u32 @!p1 v4, $0x2800  }
0x3b: {  	s2 =	sshra.s32 s2, $0x2;
	[tilespmem:s22+$0x60] =	vst v3;
	v3 =	vnsel @!p1 vm4, $0xFFFFFFFE, v4  }
0x3c: {  	s28 =	sadd.s32 s2, s17;
	[tilespmem:$0x80] =	vst @!p1 v3  }
0x3d: {  	v3 =	vld.msk [tilespmem:s28+$0x0 ss:$0x1], $0xffff;
	_ =	sdelay $0x4  }
0x3e: {  	(xrf1) =	vunique.msk.u32 $0xffff, v3;
	_ =	sdelay $0xd  }
0x3f: {  	v4 =	vimm.s32 $0xFFFFFFFF;
	v5, _, _ =	vpop (xrf1)  }
0x40: {  	vm5 =	vne.s32 v3, v4;
	vm4 =	veq.s32 v5, v2  }
0x41: {  	vm6 =	vlt.u32 v3, $0x2800;
	vm4 =	vmand vm5, vm4  }
0x42: {  	vm4 =	vmand vm6, vm4  }
0x43: {  	v4 =	vnsel vm4, $0xFFFFFFFF, v3  }
0x44: {  	s31 =	sand.u32 $0x1, s0  }
0x45: {  	s0 =	simm.s32 $0x1F40;
	p1 =	seq.s32 s31, $0x1  }
0x46: {  	s0 =	simm.s32 @!p1 $0x0  }
0x47: {  	s26 =	sadd.s32 $0x7DF0, s0;
	(ifvalue) =	ssetifvalue $0xFFFFFFFF  }
0x48: {  	v3 =	vperm.xlane v3, v1;
	[tilespmem:s26], [sflag:$0x8] =	stream.indirect_vreg.gather [hbm4b:s1+s16], $0x1, v4, vm0, $0x4038;
	v4 =	vnsel vm6, $0xFFFFFFFE, v4;
	[tilespmem:$0x11A60] =	vst v63  }
0x49: {  	s2 =	simm.s32 $0x0;
	s22 =	sadd.s32 $0xFFFFFFF0, s28;
	[tilespmem:s28+$0x0] =	vst v4  }
.LBB2_3:
0x4a: {  	v4 =	vld.msk [tilespmem:s22+$0x0 ss:$0x1], $0xffff;
	s2 =	sadd.s32 $0x10, s2;
	v5 =	vmov v3;
	s28 =	smov.u32 s22  }
0x4b: {  	p1 =	slt.u32 s2, $0x1F30;
	_ =	sdelay $0x4  }
0x4c: {  	v3 =	vperm.xlane v4, v1;
	(xrf1) =	vunique.msk.u32 $0xffff, v4;
	_ =	sdelay $0xd  }
0x4d: {  	v6, _, _ =	vpop (xrf1)  }
0x4e: {  	vm5 =	vne.s32 v4, v5;
	vm4 =	veq.s32 v6, v2  }
0x4f: {  	vm6 =	vlt.u32 v4, $0x2800;
	vm4 =	vmand vm5, vm4  }
0x50: {  	vm4 =	vmand vm6, vm4  }
0x51: {  	v4 =	vnsel vm4, $0xFFFFFFFF, v4  }
.Ltmp3:
0x52: {  	v5 =	vnsel vm6, $0xFFFFFFFE, v4;
	(pc) =	sbr.rel @p1 .LBB2_3-.Ltmp3, $3  }
0x53: {  	_ =	sdelay $0x1  }
0x54: {  	s22 =	sadd.s32 $0xFFFFFFF0, s22;
	s26 =	sadd.s32 $0xFFFFFFF0, s26;
	(ifvalue) =	ssetifvalue $0xFFFFFFFF  }
0x55: {  	[tilespmem:s26], [sflag:$0x8] =	stream.indirect_vreg.gather [hbm4b:s1+s16], $0x1, v4, vm0, $0x4038;
	[tilespmem:s28+$0x0] =	vst v5  }
0x56: {  	s2 =	sshrl.u32 s25, $0x3  }
0x57: {  	s0 =	sadd.s32 $0x9D40, s0;
	s2 =	sadd.s32 s9, s2  }
0x58: {  	[tilespmem:s0], [sflag:$0x8] =	stream.linear.gather [hbm:s2], $0x1F40, $0x38;
	[tilespmem:$0x11A60] =	vst v63  }
.LBB2_5:
0x59: {  	p1 =	slt.u32 s24, $0x2  }
0x5a: {  	p2 =	sge.u32 @!p1 s24, s12  }
0x5b: {  	p1 =	por p1, p2  }
.Ltmp4:
0x5c: {  	_ = 	snop;
	(pc) =	sbr.rel @p1 .LBB2_9-.Ltmp4, $1  }
0x5d: {  	_ =	sdelay $0x3  }
0x5e: {  	s0 =	sadd.s32 $0xFFFFFFFE, s24  }
0x5f: {  	s2 =	smulhi.u32 $0xAAAAAAAB, s0;
	_ =	sdelay $0x1  }
0x60: {  	s2 =	sshrl.u32 s2, $0x1  }
0x61: {  	s2 =	smul.u32 $0x3, s2;
	_ =	sdelay $0x1  }
0x62: {  	s0 =	ssub.s32 s0, s2  }
0x63: {  	_ =	swait.ge [sflag:s8], $0x3E80;
	s0 =	smul.u32 $0x1F40, s0  }
0x64: {  	p1 =	sne.s32 s24, s11;
	[sflag:s8] =	ssyncset.done $0x0  }
0x65: {  	[sflag:s8] =	ssyncadd.s32 $0xFFFFC180;
	s2 =	sadd.s32 @!p1 $0x203F, s0  }
0x66: {  	[spmem:s14] =	stream.linear.scatter @!p1 [tilespmem:s2], [sflag:$0x1], $0x1, $0x38;
	[tilespmem:$0x11A60] =	vst v63  }
0x67: {  	s2 =	simm.s32 @!p1 $0x1  }
0x68: {  	_ =	swait.ge @!p1 [sflag:s2], $0x1  }
0x69: {  	s22 =	sshll.u32 s24, $0x4;
	[sflag:s2] =	ssyncset.done @!p1 $0x0  }
0x6a: {  	s25 =	sand.u32 $0x10, s22;
	[sflag:s2] =	ssyncadd.s32 @!p1 $0xFFFFFFFF  }
0x6b: {  	s2 =	sxor.u32 $0x10, s25;
	v4 =	vld [tilespmem:s25+$0x10]  }
0x6c: {  	v5 =	vld [tilespmem:s2+$0x60]  }
0x6d: {  	v3 =	vld [tilespmem:$0x80];
	_ =	sdelay $0x2  }
0x6e: {  	(v2sf) =	vpush v4, $0x0  }
0x6f: {  	(v2sf) =	vpush v5, $0x0  }
0x70: {  	(v2sf) =	vpush v3, $0x0;
	_ =	sdelay $0xc  }
0x71: {  	s22 =	spop (v2sf)  }
0x72: {  	s26 =	spop (v2sf)  }
0x73: {  	s28 =	spop (v2sf)  }
0x74: {  	p2 =	seq.s32 s22, s26;
	p3 =	seq.s32 s28, s22  }
0x75: {  	p3 =	por p2, p3  }
0x76: {  	s26 =	sand.u32 $0x1, s24;
	v4 =	vpsel p3, $0xFFFFFFFF, v4  }
0x77: {  	s29 =	smul.u32 $0x1F40, s26;
	[tilespmem:s25+$0x10] =	vst.msk $0x1, v4  }
0x78: {  	v4 =	vld [tilespmem:$0x30]  }
0x79: {  	v5 =	vld [tilespmem:s29+$0x9D40]  }
0x7a: {  	v6 =	vld [tilespmem:s25+$0x40];
	_ =	sdelay $0x3  }
0x7b: {  	vm4 =	vmmov vm1;
	v5 =	vadd.f32 v5, v4  }
0x7c: {  	vm5 =	vmmov vm2;
	vm4 =	vmmov @p2 vm2;
	s22 =	sshll.u32 s26, $0x4;
	v4 =	vadd.f32 v6, v4  }
0x7d: {  	s26 =	sor.u32 $0x11A40, s22;
	vm5 =	vmmov @p3 vm1;
	[tilespmem:s29+$0x9D40] =	vst.msk vm4, v5  }
0x7e: {  	[tilespmem:s26+$0x0] =	vst.msk vm5, v4  }
0x7f: {  	v4 =	vld [tilespmem:s29+$0x7DF0];
	_ =	sdelay $0x3  }
0x80: {  	v5 =	vimm.f32 $0.0e+00  }
0x81: {  	v4 =	vshift.insert v4, v5, s21  }
0x82: {  	s22 =	sor.u32 $0x40, s2  }
0x83: {  	[tilespmem:s22+$0x0] =	vst.msk $0x1, v4  }
0x84: {  	[tilespmem:s29+$0x7DFF] =	vst.msk $0x1, v5  }
0x85: {  	v4 =	vld [tilespmem:s0+$0x2030];
	_ =	sdelay $0x1  }
0x86: {  	s22 =	smulhi.u32 $0xAAAAAAAB, s20;
	s0 =	simm.s32 $0x1  }
0x87: {  	s0 =	simm.s32 @!p0 $0x0  }
0x88: {  	s22 =	sshrl.u32 s22, $0x1;
	s0 =	smul.u32 $0x7D00, s0  }
0x89: {  	s22 =	smul.u32 $0xFFFE8900, s22;
	v4 =	vshift.insert v4, v1, s21  }
0x8a: {  	s0 =	sshrl.u32 s0, $0x2  }
0x8b: {  	s22 =	sshra.s32 s22, $0x2;
	s30 =	sadd.s32 $0x9D40, s0;
	[tilespmem:s2+$0x10] =	vst.msk $0x1, v4  }
0x8c: {  	s22 =	sadd.s32 s22, s19;
	v6 =	vld [tilespmem:s30+$0x0]  }
0x8d: {  	v7 =	vld [tilespmem:s22+$0x0];
	_ =	sdelay $0x3  }
0x8e: {  	v5 =	vadd.f32 v6, v5  }
0x8f: {  	vm4 =	vne.s32 v7, $0xFFFFFFFF  }
0x90: {  	(xrf2) =	vadd.seg.scan.f32 vm4, v5;
	_ =	sdelay $0x3  }
0x91: {  	s31 =	sadd.s32 $0x5EC0, s0;
	v5 =	vperm.xlane v4, v1  }
0x92: {  	v6 =	vld [tilespmem:s31+$0x0]  }
0x93: {  	vm5 =	veq.s32 v7, v3;
	vm6 =	veq.s32 v7, v5  }
0x94: {  	vm7 =	vgt.u32 v7, $0xFFFFFFFD;
	vm6 =	vmor vm6, vm5  }
0x95: {  	vm6 =	vmor vm6, vm7  }
0x96: {  	v9 =	vld [tilespmem:$0xA0];
	v7 =	vsel vm6, $0xFFFFFFFF, v7  }
0x97: {  	v10 =	vld [tilespmem:$0x90];
	v6 =	vsel vm5, $0x0, v6;
	v8, _, _ =	vpop (xrf2)  }
0x98: {  	v6 =	vadd.f32 v8, v6  }
0x99: {  	s0 =	sadd.s32 $0xDBC0, s0  }
0x9a: {  	vm4 =	vmand vm4, vm3;
	[tilespmem:s0+$0x0] =	vst v6;
	(ifvalue) =	ssetifvalue $0xFFFFFFFF  }
0x9b: {  	vm6 =	veq.s32 v9, $0x1;
	[hbm4b:s1+s16] =	stream.indirect_vreg.scatter [tilespmem:s0], [sflag:$0x2], $0x1, v7, vm0, $0x4038;
	v7 =	vsel vm4, $0x0, v8;
	[tilespmem:$0x11A60] =	vst v63  }
0x9c: {  	s2 =	simm.s32 $0x0;
	s22 =	sadd.s32 $0x10, s22;
	vm4 =	vmor vm6, vm5;
	v6 =	vsel vm5, v8, v10;
	v7 =	vshift.insert v7, v0, s21  }
.LBB2_7:
0x9d: {  	v8 =	vld [tilespmem:s22+$0x0];
	s30 =	sadd.s32 $0x10, s30  }
0x9e: {  	s31 =	sadd.s32 $0x10, s31;
	v9 =	vld [tilespmem:s30+$0x0]  }
0x9f: {  	s2 =	sadd.s32 $0x10, s2;
	v10 =	vld [tilespmem:s31+$0x0]  }
0xa0: {  	p2 =	slt.u32 s2, $0x1F30;
	_ =	sdelay $0x2  }
0xa1: {  	v7 =	vadd.f32 v9, v7  }
0xa2: {  	vm5 =	vne.s32 v8, $0xFFFFFFFF  }
0xa3: {  	vm6 =	vmand vm5, vm3;
	(xrf2) =	vadd.seg.scan.f32 vm5, v7;
	_ =	sdelay $0x5  }
0xa4: {  	vm7 =	veq.s32 v8, v5;
	vm5 =	veq.s32 v8, v3  }
0xa5: {  	vm8 =	vgt.u32 v8, $0xFFFFFFFD;
	vm4 =	vmor vm4, vm5;
	vm7 =	vmor vm7, vm5  }
0xa6: {  	vm7 =	vmor vm7, vm8  }
0xa7: {  	v8 =	vsel vm7, $0xFFFFFFFF, v8  }
.Ltmp5:
0xa8: {  	v7 =	vsel vm5, $0x0, v10;
	v9, _, _ =	vpop (xrf2);
	(pc) =	sbr.rel @p2 .LBB2_7-.Ltmp5, $4  }
0xa9: {  	v6 =	vsel vm5, v9, v6;
	v10 =	vadd.f32 v9, v7;
	v7 =	vsel vm6, $0x0, v9  }
0xaa: {  	s0 =	sadd.s32 $0x10, s0;
	v7 =	vshift.insert v7, v0, s21  }
0xab: {  	s22 =	sadd.s32 $0x10, s22;
	[tilespmem:s0+$0x0] =	vst v10;
	(ifvalue) =	ssetifvalue $0xFFFFFFFF  }
0xac: {  	[hbm4b:s1+s16] =	stream.indirect_vreg.scatter [tilespmem:s0], [sflag:$0x2], $0x1, v8, vm0, $0x4038;
	[tilespmem:$0x11A60] =	vst v63  }
0xad: {  	v3 =	vld [tilespmem:s29+$0xFAF0];
	_ =	sdelay $0x4  }
0xae: {  	v3 =	vshift.insert v3, v0, s21  }
0xaf: {  	s0 =	simm.s32 $0x30  }
0xb0: {  	[tilespmem:s0+$0x0] =	vst.msk $0x1, v3  }
0xb1: {  	v3 =	vsel vm4, $0x1, v1;
	[tilespmem:$0x90] =	vst v6  }
0xb2: {  	s0 =	sadd.s32 @!p1 $0xFAFF, s29;
	[tilespmem:$0xA0] =	vst v3  }
0xb3: {  	[spmem:s15] =	stream.linear.scatter @!p1 [tilespmem:s0], [sflag:$0x1], $0x1, $0x38;
	[tilespmem:$0x11A60] =	vst v63  }
0xb4: {  	s0 =	simm.s32 @!p1 $0x1  }
0xb5: {  	v3 =	vmctz.xlane @!p1 vm4;
	_ =	swait.ge @!p1 [sflag:s0], $0x1  }
0xb6: {  	(v2sf) =	vpush @!p1 v4, $0x0  }
0xb7: {  	(v2sf) =	vpush @!p1 v3, $0x0;
	_ =	sdelay $0xd  }
0xb8: {  	s2 =	spop @!p1 (v2sf)  }
0xb9: {  	s22 =	spop @!p1 (v2sf)  }
0xba: {  	p2 =	sne.s32 @!p1 s28, s2;
	p3 =	slt.s32 @!p1 s22, $0xF  }
0xbb: {  	[sflag:s0] =	ssyncset.done @!p1 $0x0;
	p2 =	por p2, p1;
	p3 =	por !p3, p1  }
0xbc: {  	[sflag:s0] =	ssyncadd.s32 @!p1 $0xFFFFFFFF;
	v3 =	vimm.s32 @!p2 $0xFFFFFFFF;
	s22 =	simm.s32 @p3 $0xF  }
0xbd: {  	[tilespmem:$0x80] =	vst @!p2 v3;
	s2 =	sadd.s32 @!p1 $0x90, s22  }
0xbe: {  	[spmem:s3] =	stream.linear.scatter @!p1 [tilespmem:s2], [sflag:$0x1], $0x1, $0x38;
	[tilespmem:$0x11A60] =	vst v63  }
0xbf: {  	_ =	swait.ge @!p1 [sflag:s0], $0x1  }
0xc0: {  	[sflag:s0] =	ssyncset.done @!p1 $0x0  }
0xc1: {  	s2 =	simm.s32 @!p1 $0x80;
	[sflag:s0] =	ssyncadd.s32 @!p1 $0xFFFFFFFF  }
0xc2: {  	[spmem:s13] =	stream.linear.scatter @!p1 [tilespmem:s2], [sflag:$0x1], $0x1, $0x38;
	[tilespmem:$0x11A60] =	vst v63  }
0xc3: {  	_ =	swait.ge @!p1 [sflag:s0], $0x1  }
0xc4: {  	[sflag:s0] =	ssyncset.done @!p1 $0x0  }
0xc5: {  	[sflag:s0] =	ssyncadd.s32 @!p1 $0xFFFFFFFF;
	(ifvalue) =	ssetifvalue $0xFFFFFFFF;
	v3 =	vld [tilespmem:s25+$0x10];
	_ =	sdelay $0x3  }
.Ltmp6:
0xc6: {  	_ = 	snop;
	(pc) =	sbr.rel .LBB2_9-.Ltmp6, $3  }
0xc7: {  	_ =	sdelay $0x1  }
0xc8: {  	(ifvalue) =	ssetifvalue $0xFFFFFFFF  }
0xc9: {  	[hbm4b:s1+s16] =	stream.indirect_vreg.scatter [tilespmem:s26], [sflag:$0x9], $0x1, v3, vm0, $0x4038;
	[tilespmem:$0x11A60] =	vst v63  }
.LBB2_10:
0xca: {  	_ =	sfence.sel $0x180000  }
0xcb: {  	s0 =	simm.s32 $0x7;
	[bflag:$0x0] =	sbarrier.arrive $0xFFFF  }
0xcc: {  	s26 =	simm.s32 $0x8;
	[sflag:s0] =	ssyncpa.u1 $0x1  }
0xcd: {  	s28 =	simm.s32 $0x9;
	[sflag:s26] =	ssyncpa.u1 $0x1  }
0xce: {  	[sflag:s28] =	ssyncpa.u1 $0x1  }
0xcf: {  	_ =	sfence.stream.spmem  }
0xd0: {  	s29 =	simm.s32 $0x3;
	[bflag:$0x0] =	sbarrier.arrive $0xFFFF  }
0xd1: {  	s30 =	simm.s32 $0x4;
	[sflag:s29] =	ssyncpa.u1 $0x1  }
0xd2: {  	s31 =	simm.s32 $0x3C;
	s2 =	stileid.u32;
	[sflag:s30] =	ssyncpa.u1 $0x1  }
0xd3: {  	p0 =	sne.s32 s2, $0x0;
	[sflag:s31] =	ssyncpa.u1 $0x1  }
0xd4: {  	s0 =	simm.s32 @p0 $0x1;
	_ =	sfence @p0  }
0xd5: {  	[sflag:s0] =	ssyncpa.u1 @p0 $0x1;
	s0 =	simm.s32 @p0 $0x2  }
0xd6: {  	[sflag:s0] =	ssyncpa.u1 @p0 $0x1  }
0xd7: {  	_ =	strace @p0 $0x90000050  }
0xd8: {  	[bflag:$0x2] =	sbarrier.arrive @p0 $0xFFFF  }
0xd9: {  	_ =	shalt @p0  }
.LBB2_11:
0xda: {  	_ =	sfence.stream.spmem;
	s0 =	simm.s32 $0x5  }
0xdb: {  	s2 =	simm.s32 $0x80;
	s3 =	simm.s32 $0xC0;
	[sflag:s0] =	ssyncpa.u1 $0x0  }
0xdc: {  	[tilespmem:s3], [sflag:$0x5] =	stream.linear.gather [spmem:s2], $0x20, $0x38;
	[tilespmem:$0x11A60] =	vst v63  }
0xdd: {  	s2 =	simm.s32 $0x0;
	s3 =	simm.s32 $0xE0  }
0xde: {  	[tilespmem:s3], [sflag:$0x5] =	stream.linear.gather [spmem:s2], $0x20, $0x38;
	[tilespmem:$0x11A60] =	vst v63  }
.Ltmp7:
0xdf: {  	_ = 	snop;
	(pc) =	sbr.rel .LBB2_12-.Ltmp7, $4  }
0xe0: {  	_ =	swait.ge [sflag:s0], $0x40  }
0xe1: {  	[sflag:s0] =	ssyncset.done $0x0  }
0xe2: {  	s31 =	simm.s32 $0x6;
	[sflag:s0] =	ssyncadd.s32 $0xFFFFFFC0  }
0xe3: {  	s4 =	simm.s32 $0x0;
	[sflag:s31] =	ssyncpa.u1 $0x0  }
.LBB2_17:
0xe4: {  	p0 =	sgt.u32 s5, $0x27FF  }
0xe5: {  	s0 =	sshrl.u32 @!p0 s5, $0x3  }
0xe6: {  	s5 =	sand.u32 @!p0 $0x7, s5;
	s6 =	simm.s32 @!p0 $0xB0;
	s0 =	sadd.s32 @!p0 s1, s0  }
0xe7: {  	[tilespmem:s6], [sflag:$0x6] =	stream.linear.gather @!p0 [hbm4b:s0+s5], $0x1, $0x38;
	[tilespmem:$0x11A60] =	vst v63  }
0xe8: {  	s0 =	simm.s32 @!p0 $0x6  }
0xe9: {  	_ =	swait.ge @!p0 [sflag:s0], $0x1  }
0xea: {  	[sflag:s0] =	ssyncset.done @!p0 $0x0  }
0xeb: {  	[sflag:s0] =	ssyncadd.s32 @!p0 $0xFFFFFFFF  }
0xec: {  	v2 =	vmov @!p0 s4;
	v1 =	vld.msk @!p0 [tilespmem:$0xB0], $0x1;
	_ =	sdelay $0x3  }
0xed: {  	s0 =	simm.s32 @!p0 $0xE0  }
0xee: {  	[tilespmem:v2+s0+$0x0], v1 =	vst.idx.ret.add.f32.msk @!p0 $0x1, v1  }
0xef: {  	[tilespmem:s2+$0xC0] =	vst.msk $0x1, v0  }
0xf0: {  	v0 =	vld.msk [tilespmem:s4+$0xE0], $0x1;
	_ =	sdelay $0x4  }
0xf1: {  	[tilespmem:s2+$0xE0] =	vst.msk $0x1, v0;
	s2 =	sadd.s32 $0x1, s2  }
.LBB2_19:
0xf2: {  	s4 =	sadd.s32 $0x1, s4  }
0xf3: {  	p0 =	sne.s32 s4, $0x20  }
.Ltmp8:
0xf4: {  	_ = 	snop;
	(pc) =	sbr.rel @!p0 .LBB2_20-.Ltmp8, $1  }
0xf5: {  	_ =	sdelay $0x3  }
.LBB2_12:
0xf6: {  	v0 =	vld.msk [tilespmem:s4+$0xC0], $0x1;
	_ =	sdelay $0x4  }
0xf7: {  	(v2sf) =	vpush v0, $0x0;
	_ =	sdelay $0xe  }
0xf8: {  	s5 =	spop (v2sf)  }
0xf9: {  	p0 =	seq.s32 s5, $0xFFFFFFFF  }
.Ltmp9:
0xfa: {  	_ = 	snop;
	(pc) =	sbr.rel @p0 .LBB2_19-.Ltmp9, $1  }
0xfb: {  	_ =	sdelay $0x3  }
0xfc: {  	p0 =	slt.s32 s2, $0x1  }
.Ltmp10:
0xfd: {  	_ = 	snop;
	(pc) =	sbr.rel @p0 .LBB2_17-.Ltmp10, $1  }
0xfe: {  	_ =	sdelay $0x3  }
0xff: {  	s0 =	simm.s32 $0xC0;
	p0 =	por $0x0, $0x0  }
0x100: {  	v1 =	vld.msk @!p0 [tilespmem:s0+$0x0], $0x1;
	_ =	sdelay $0x4  }
0x101: {  	(v2sf) =	vpush @!p0 v1, $0x0;
	_ =	sdelay $0xd  }
0x102: {  	p2 =	sne.s32 s2, $0x1  }
.Ltmp11:
0x103: {  	s6 =	spop @!p0 (v2sf);
	(pc) =	sbr.rel @!p2 .LBB2_16-.Ltmp11, $4  }
0x104: {  	p1 =	seq.s32 @!p0 s5, s6  }
0x105: {  	s6 =	simm.s32 $0x0;
	p1 =	por !p1, p0  }
0x106: {  	s8 =	simm.s32 $0xFFFFFFFF;
	s6 =	simm.s32 @p1 $0xFFFFFFFF  }
0x107: {  	s7 =	simm.s32 $0x1;
	s6 =	smov.u32 @p0 s8  }
.LBB2_15:
0x108: {  	s8 =	smov.u32 s6;
	p0 =	sne.s32 s6, $0xFFFFFFFF  }
0x109: {  	s0 =	sadd.s32 $0x1, s0;
	s6 =	smov.u32 s7;
	s7 =	sadd.s32 $0x1, s7  }
0x10a: {  	p1 =	sne.s32 s2, s7;
	v1 =	vld.msk @!p0 [tilespmem:s0+$0x0], $0x1;
	_ =	sdelay $0x4  }
0x10b: {  	(v2sf) =	vpush @!p0 v1, $0x0;
	_ =	sdelay $0xe  }
.Ltmp12:
0x10c: {  	s9 =	spop @!p0 (v2sf);
	(pc) =	sbr.rel @p1 .LBB2_15-.Ltmp12, $4  }
0x10d: {  	p2 =	seq.s32 @!p0 s5, s9  }
0x10e: {  	p2 =	por !p2, p0  }
0x10f: {  	s6 =	simm.s32 @p2 $0xFFFFFFFF  }
0x110: {  	s6 =	smov.u32 @p0 s8  }
.LBB2_16:
0x111: {  	p0 =	sne.s32 s6, $0xFFFFFFFF  }
.Ltmp13:
0x112: {  	_ = 	snop;
	(pc) =	sbr.rel @!p0 .LBB2_17-.Ltmp13, $1  }
0x113: {  	_ =	sdelay $0x3  }
0x114: {  	v0 =	vld.msk [tilespmem:s4+$0xE0], $0x1;
	v1 =	vmov s6  }
.Ltmp14:
0x115: {  	_ = 	snop;
	(pc) =	sbr.rel .LBB2_19-.Ltmp14, $2  }
0x116: {  	_ =	sdelay $0x2  }
0x117: {  	[tilespmem:v1+s3+$0x0], v0 =	vst.idx.ret.add.f32.msk $0x1, v0  }
.LBB2_20:
0x118: {  	p0 =	slt.s32 s2, $0x1  }
.Ltmp15:
0x119: {  	_ = 	snop;
	(pc) =	sbr.rel @p0 .LBB2_24-.Ltmp15, $3  }
0x11a: {  	_ =	sdelay $0x1  }
0x11b: {  	s0 =	simm.s32 $0x6  }
0x11c: {  	s3 =	simm.s32 $0x0;
	[sflag:s0] =	ssyncpa.u1 $0x1  }
0x11d: {  	s0 =	simm.s32 $0xC0  }
0x11e: {  	v0 =	vld.msk [tilespmem:s0+$0x0], $0x1;
	_ =	sdelay $0x4  }
0x11f: {  	(v2sf) =	vpush v0, $0x0;
	_ =	sdelay $0xe  }
0x120: {  	s2 =	sadd.s32 $0xFFFFFFFF, s2;
	s4 =	spop (v2sf)  }
0x121: {  	p1 =	sne.s32 s2, $0x0;
	p0 =	sgt.u32 s4, $0x27FF  }
.Ltmp16:
0x122: {  	s5 =	sshrl.u32 @!p0 s4, $0x3;
	(pc) =	sbr.rel @!p1 .LBB2_23-.Ltmp16, $4  }
0x123: {  	s0 =	simm.s32 $0xE0;
	s4 =	sand.u32 @!p0 $0x7, s4;
	s5 =	sadd.s32 @!p0 s1, s5  }
0x124: {  	[hbm4b:s5+s4] =	stream.linear.scatter @!p0 [tilespmem:s0], [sflag:$0x5], $0x1, $0x38;
	[tilespmem:$0x11A60] =	vst v63  }
0x125: {  	s5 =	simm.s32 $0x0  }
0x126: {  	s4 =	simm.s32 $0xC1;
	s5 =	simm.s32 @!p0 $0x4  }
.LBB2_22:
0x127: {  	v0 =	vld.msk [tilespmem:s4+$0x0], $0x1;
	s2 =	sadd.s32 $0xFFFFFFFF, s2;
	s3 =	sadd.s32 s3, s5  }
0x128: {  	p0 =	sne.s32 s2, $0x0;
	_ =	sdelay $0x3  }
0x129: {  	(v2sf) =	vpush v0, $0x0;
	_ =	sdelay $0xe  }
.Ltmp17:
0x12a: {  	s6 =	spop (v2sf);
	(pc) =	sbr.rel @p0 .LBB2_22-.Ltmp17, $4  }
0x12b: {  	s5 =	simm.s32 $0x0;
	p1 =	sgt.u32 s6, $0x27FF  }
0x12c: {  	s0 =	sadd.s32 $0x1, s0;
	s5 =	simm.s32 @!p1 $0x4;
	s7 =	sshrl.u32 @!p1 s6, $0x3  }
0x12d: {  	s4 =	sadd.s32 $0x1, s4;
	s6 =	sand.u32 @!p1 $0x7, s6;
	s7 =	sadd.s32 @!p1 s1, s7  }
0x12e: {  	[hbm4b:s7+s6] =	stream.linear.scatter @!p1 [tilespmem:s0], [sflag:$0x5], $0x1, $0x38;
	[tilespmem:$0x11A60] =	vst v63  }
.LBB2_23:
0x12f: {  	s0 =	sadd.s32 s3, s5  }
0x130: {  	s3 =	sshrl.u32 s0, $0x2  }
.LBB2_24:
0x131: {  	s0 =	simm.s32 $0x5  }
0x132: {  	_ =	swait.ge [sflag:s0], s3  }
0x133: {  	s1 =	ssub.s32 $0x0, s3;
	[sflag:s0] =	ssyncset.done $0x0  }
0x134: {  	[sflag:s0] =	ssyncadd.s32 s1  }
0x135: {  	[sflag:s0] =	ssyncpa.u1 $0x1  }
0x136: {  	s29 =	simm.s32 $0x1;
	_ =	sfence  }
0x137: {  	s30 =	simm.s32 $0x2;
	[sflag:s29] =	ssyncpa.u1 $0x1  }
0x138: {  	[sflag:s30] =	ssyncpa.u1 $0x1  }
0x139: {  	_ =	strace $0x90000050  }
0x13a: {  	[bflag:$0x2] =	sbarrier.arrive $0xFFFF  }
0x13b: {  	s31 =	rddreg [dreg:$0x1]  }
0x13c: {  	s0 =	sadd.s32 $0x100000, s31  }
0x13d: {  	[sflag:s0] =	ssyncadd.tile.s32 $0x1;
	_ =	shalt  }
.Lfunc_end2:
_tile_overlayer_lowered:
.L_overlay_start_2:
0x13e: {  	(tag) =	ssettag $0x2  }
0x13f: {  	s0 =	rddreg [dreg:$0x0];
	s2 =	stileid.u32  }
0x140: {  	s1 =	rddreg [dreg:$0x1];
	p0 =	sne.s32 s2, $0x0  }
0x141: {  	s3 =	rddreg [dreg:$0x2];
	[bflag:$0x3] =	sbarrier.arrive $0xFFFF;
	s2 =	simm.s32 @!p0 $0x1C01  }
0x142: {  	[timem:s3], [sflag:s2] =	dma.local @!p0 [hbm:s0], s1  }
0x143: {  	s0 =	simm.s32 @!p0 $0x1  }
0x144: {  	_ =	swait.ge @!p0 [sflag:s0], s1  }
0x145: {  	s1 =	ssub.s32 @!p0 $0x0, s1;
	[sflag:s0] =	ssyncset.done @!p0 $0x0  }
0x146: {  	[sflag:s0] =	ssyncadd.s32 @!p0 s1  }
0x147: {  	[bflag:$0x3] =	sbarrier.arrive $0xFFFF  }
0x148: {  	_ =	shalt  }

</sc_bundles>
